<compile_context>
chip_gen: v7x
topology: tpu7x:2x2x1
jax: 0.10.2.dev20260603
libtpu: 0.0.44.dev20260713+nightly
codegen_flags: <defaults>
</compile_context>

<pallas_src>
import functools

import jax
import jax.numpy as jnp
from jax import lax
from jax.experimental import pallas as pl
from jax.experimental.pallas import tpu as pltpu
from jax.experimental.pallas import tpu_sc as plsc


def _labels_body(C, logits_ref, gate_ref, out_ref):
    x = logits_ref[...]
    m = jnp.max(x, axis=1, keepdims=True)
    col = lax.broadcasted_iota(jnp.int32, x.shape, 1)
    idx = jnp.min(jnp.where(x == m, col, C), axis=1)
    g = gate_ref[0, 0, :]
    out_ref[0, 0, :] = jnp.where(g > 0, idx, C).reshape(1, 1, -1)[0, 0, :]


def _compute_labels(logits, gate3, nt, blk, row_off=0):
    C = logits.shape[1]
    nb = nt // blk
    ob = row_off // blk
    return pl.pallas_call(
        functools.partial(_labels_body, C),
        grid=(nb,),
        in_specs=[
            pl.BlockSpec((blk, C), lambda i: (i + ob, 0)),
            pl.BlockSpec((1, 1, blk), lambda i: (i, 0, 0)),
        ],
        out_specs=pl.BlockSpec((1, 1, blk), lambda i: (i, 0, 0)),
        out_shape=jax.ShapeDtypeStruct((nb, 1, blk), jnp.int32),
    )(logits, gate3)


def _make_segment_sum(nt, D, CP, chunk, row_off=0):
    info = plsc.get_sparse_core_info()
    nc, ns = info.num_cores, info.num_subcores
    rows_per_tile = nt // (nc * ns)
    n_chunks = rows_per_tile // chunk
    lrows = chunk // 128

    mesh = plsc.VectorSubcoreMesh(core_axis_name="c", subcore_axis_name="s")

    @functools.partial(
        pl.kernel,
        mesh=mesh,
        out_type=[
            jax.ShapeDtypeStruct((nc, CP, D), jnp.float32),
            jax.ShapeDtypeStruct((nc, CP, D), jnp.float32),
        ],
        scratch_types=[
            [pltpu.VMEM((128,), jnp.int32) for _ in range(lrows)],
            pltpu.VMEM((chunk, D), jnp.float32),
            pltpu.VMEM((chunk, D), jnp.float32),
            pltpu.VMEM_SHARED((CP, D), jnp.float32),
            pltpu.VMEM_SHARED((CP, D), jnp.float32),
        ],
    )
    def seg(lbl_hbm, img_hbm, zsum_hbm, zcnt_hbm, ones_hbm,
            sums_out, cnts_out, lbl_vs, img_v, ones_v, sums_sh, cnts_sh):
        cid = lax.axis_index("c")
        sid = lax.axis_index("s")

        @pl.when(sid == 0)
        def _():
            pltpu.sync_copy(zsum_hbm, sums_sh)
            pltpu.sync_copy(zcnt_hbm, cnts_sh)

        pltpu.sync_copy(ones_hbm, ones_v)
        plsc.subcore_barrier()

        lbase = (cid * ns + sid) * rows_per_tile
        for j in range(n_chunks):
            l0 = lbase + j * chunk
            r0 = pl.multiple_of(row_off + l0, chunk)
            pltpu.sync_copy(img_hbm.at[pl.ds(r0, chunk)], img_v)
            for k in range(lrows):
                rk = pl.multiple_of(l0 + k * 128, 128)
                pltpu.sync_copy(lbl_hbm.at[pl.ds(rk, 128)], lbl_vs[k])
            for k in range(lrows):
                src = img_v.at[pl.ds(k * 128, 128)]
                pltpu.sync_copy(src, sums_sh.at[lbl_vs[k]], add=True)
                pltpu.sync_copy(ones_v.at[pl.ds(k * 128, 128)],
                                cnts_sh.at[lbl_vs[k]], add=True)

        plsc.subcore_barrier()

        @pl.when(sid == 0)
        def _():
            pltpu.sync_copy(sums_sh, sums_out.at[cid])
            pltpu.sync_copy(cnts_sh, cnts_out.at[cid])

    return seg


def _final_body(C, sa_ref, sb_ref, ca_ref, cb_ref, text_ref, out_ref):
    s = sa_ref[0] + sa_ref[1] + sb_ref[0] + sb_ref[1]
    cnt = (ca_ref[0, :, 0] + ca_ref[1, :, 0]
           + cb_ref[0, :, 0] + cb_ref[1, :, 0])
    CP = s.shape[0]
    rows = lax.broadcasted_iota(jnp.int32, (CP,), 0)
    valid = (cnt > 0.0) & (rows < C)
    safe = jnp.where(cnt > 0.0, cnt, 1.0)
    means = s / safe[:, None]
    d = jnp.sum(means * text_ref[...], axis=1)
    num_present = jnp.sum(valid.astype(jnp.float32))
    loss = jnp.sum(jnp.where(valid, d, 0.0)) / jnp.maximum(num_present, 1.0)
    out_ref[...] = loss.reshape(1, 1)


def _finalize(sumsA, sumsB, cntsA, cntsB, text_pad, C):
    return pl.pallas_call(
        functools.partial(_final_body, C),
        out_shape=jax.ShapeDtypeStruct((1, 1), jnp.float32),
    )(sumsA, sumsB, cntsA, cntsB, text_pad)


@jax.jit
def kernel(logits, img_feats, text_norm_feats, gate_mask):
    N, C = logits.shape
    D = img_feats.shape[1]
    CP = ((C + 1 + 15) // 16) * 16
    BLK = 2048
    CHUNK = 256

    gate_i32 = gate_mask.astype(jnp.int32)

    zsum = jnp.zeros((CP, D), jnp.float32)
    zcnt = jnp.zeros((CP, D), jnp.float32)
    ones256 = jnp.ones((CHUNK, D), jnp.float32)

    H = N // 2
    gate3a = gate_i32[:H].reshape(H // BLK, 1, BLK)
    gate3b = gate_i32[H:].reshape(H // BLK, 1, BLK)
    la = _compute_labels(logits, gate3a, H, BLK).reshape(H)
    segA = _make_segment_sum(H, D, CP, CHUNK)
    sumsA, cntsA = segA(la, img_feats, zsum, zcnt, ones256)
    lb = _compute_labels(logits, gate3b, H, BLK, row_off=H).reshape(H)
    segB = _make_segment_sum(H, D, CP, CHUNK, row_off=H)
    sumsB, cntsB = segB(lb, img_feats, zsum, zcnt, ones256)

    text_pad = jnp.pad(text_norm_feats, ((0, CP - C), (0, 0)))
    loss = _finalize(sumsA, sumsB, cntsA, cntsB, text_pad, C)
    return loss[0, 0]

# --- scband reference (transcript-rebuilt; emitter-appended) ---
"""Pipeline reference for scband-gated-i2-tloss-60078002536928 (READ-ONLY COPY).

The authoritative reference and input builder live on the scoring server;
editing this copy changes nothing except your own understanding.
"""

import jax, jax.numpy as jnp
import numpy as np


def setup_inputs(seed: int = 0) -> dict:
    key = jax.random.key(seed)
    k1, k2, k3, k4 = jax.random.split(key, 4)
    N, C, D = 65536, 1000, 128
    logits = jax.random.normal(k1, (N, C), dtype=jnp.float32)
    img_feats = jax.random.normal(k2, (N, D), dtype=jnp.float32)
    t = jax.random.normal(k3, (C, D), dtype=jnp.float32)
    text_norm_feats = t / jnp.linalg.norm(t, axis=1, keepdims=True)
    gate_mask = jax.random.randint(k4, (N,), 0, 2).astype(jnp.bool_)
    return {
        "logits": logits,
        "img_feats": img_feats,
        "text_norm_feats": text_norm_feats,
        "gate_mask": gate_mask,
    }


def reference(logits, img_feats, text_norm_feats, gate_mask):
    # Faithful translation of GatedI2TLoss.__call__.
    # Instead of boolean-filtering rows (dynamic shapes), gated-out rows get
    # weight 0 so they contribute neither to per-label means nor to label
    # presence -- mathematically identical to logits[gate_mask] filtering.
    C = logits.shape[1]
    w = gate_mask.astype(jnp.float32)
    # labels = argmax(softmax(logits), 1); softmax is monotone so same as argmax(logits)
    labels = jnp.argmax(jax.nn.softmax(logits, axis=1), axis=1)
    counts = jax.ops.segment_sum(w, labels, num_segments=C)
    sums = jax.ops.segment_sum(img_feats * w[:, None], labels, num_segments=C)
    present = counts > 0
    safe_counts = jnp.where(present, counts, 1.0)
    means = (sums / safe_counts[:, None]).astype(text_norm_feats.dtype)
    # dist per unique label l: mean_l . text_norm_feats[l]
    dists = jnp.sum(means * text_norm_feats, axis=1)
    num_present = jnp.sum(present).astype(jnp.float32)
    loss = jnp.sum(jnp.where(present, dists, 0.0)) / jnp.maximum(num_present, 1.0)
    # gate_mask.sum()==0 edge case -> 0 loss (num_present would be 0 too)
    loss = jnp.where(jnp.sum(w) > 0, loss, jnp.zeros((), dtype=loss.dtype))
    return loss

if __name__ == "__main__":
    import jax
    _d = setup_inputs()
    print(jax.jit(kernel)(*tuple(_d.values())))

</pallas_src>

<mosaic_0001>
#map = affine_map<(d0, d1) -> (0)>
#map1 = affine_map<(d0, d1) -> (0, 0)>
#map2 = affine_map<(d0, d1) -> (0, 0, 0)>
module attributes {stable_mosaic.version = 14 : i64} {
  func.func @seg(%arg0: i32, %arg1: i32, %arg2: memref<32768xi32, #tpu.memory_space<hbm>>, %arg3: memref<65536x128xf32, #tpu.memory_space<hbm>>, %arg4: memref<1008x128xf32, #tpu.memory_space<hbm>>, %arg5: memref<1008x128xf32, #tpu.memory_space<hbm>>, %arg6: memref<256x128xf32, #tpu.memory_space<hbm>>, %arg7: memref<2x1008x128xf32, #tpu.memory_space<hbm>>, %arg8: memref<2x1008x128xf32, #tpu.memory_space<hbm>>, %arg9: memref<128xi32, #tpu.memory_space<vmem>>, %arg10: memref<128xi32, #tpu.memory_space<vmem>>, %arg11: memref<256x128xf32, #tpu.memory_space<vmem>>, %arg12: memref<256x128xf32, #tpu.memory_space<vmem>>, %arg13: memref<1008x128xf32, #tpu.memory_space<vmem_shared>>, %arg14: memref<1008x128xf32, #tpu.memory_space<vmem_shared>>) attributes {dimension_semantics = [#tpu.dimension_semantics<core_parallel>, #tpu.dimension_semantics<subcore_parallel>], iteration_bounds = array<i64: 2, 16>, scalar_prefetch = 0 : i64, scratch_operands = 6 : i64, tpu.core_type = #tpu.core_type<sc_vector_subcore>, window_params = [{transform_indices = #map}, {transform_indices = #map1}, {transform_indices = #map1}, {transform_indices = #map1}, {transform_indices = #map1}, {transform_indices = #map2}, {transform_indices = #map2}]} {
    %eq3A = arith.constant 0 : i32
    %eq3A_0 = arith.cmpi eq, %arg1, %eq3A : i32
    %convert_element_type3A = arith.extui %eq3A_0 : i1 to i32
    %cond3A = arith.constant 0 : i32
    %cond3A_1 = arith.cmpi ne, %convert_element_type3A, %cond3A : i32
    scf.if %cond3A_1 {
      "tpu.region"() ({
        %run_scoped3A = tpu.sem_alloc : memref<!tpu.dma_semaphore, #tpu.memory_space<semaphore_mem>>
        tpu.enqueue_dma source(%arg4 : memref<1008x128xf32, #tpu.memory_space<hbm>>) target(%arg13 : memref<1008x128xf32, #tpu.memory_space<vmem_shared>>) target_semaphore(%run_scoped3A : memref<!tpu.dma_semaphore, #tpu.memory_space<semaphore_mem>>)
        tpu.wait_dma2 semaphore(%run_scoped3A : memref<!tpu.dma_semaphore, #tpu.memory_space<semaphore_mem>>) src(%arg4 : memref<1008x128xf32, #tpu.memory_space<hbm>>) dst(%arg13 : memref<1008x128xf32, #tpu.memory_space<vmem_shared>>)
        tpu.yield
      }) : () -> ()
      "tpu.region"() ({
        %run_scoped3A = tpu.sem_alloc : memref<!tpu.dma_semaphore, #tpu.memory_space<semaphore_mem>>
        tpu.enqueue_dma source(%arg5 : memref<1008x128xf32, #tpu.memory_space<hbm>>) target(%arg14 : memref<1008x128xf32, #tpu.memory_space<vmem_shared>>) target_semaphore(%run_scoped3A : memref<!tpu.dma_semaphore, #tpu.memory_space<semaphore_mem>>)
        tpu.wait_dma2 semaphore(%run_scoped3A : memref<!tpu.dma_semaphore, #tpu.memory_space<semaphore_mem>>) src(%arg5 : memref<1008x128xf32, #tpu.memory_space<hbm>>) dst(%arg14 : memref<1008x128xf32, #tpu.memory_space<vmem_shared>>)
        tpu.yield
      }) : () -> ()
    } else {
    }
    "tpu.region"() ({
      %run_scoped3A = tpu.sem_alloc : memref<!tpu.dma_semaphore, #tpu.memory_space<semaphore_mem>>
      tpu.enqueue_dma source(%arg6 : memref<256x128xf32, #tpu.memory_space<hbm>>) target(%arg12 : memref<256x128xf32, #tpu.memory_space<vmem>>) target_semaphore(%run_scoped3A : memref<!tpu.dma_semaphore, #tpu.memory_space<semaphore_mem>>)
      tpu.wait_dma2 semaphore(%run_scoped3A : memref<!tpu.dma_semaphore, #tpu.memory_space<semaphore_mem>>) src(%arg6 : memref<256x128xf32, #tpu.memory_space<hbm>>) dst(%arg12 : memref<256x128xf32, #tpu.memory_space<vmem>>)
      tpu.yield
    }) : () -> ()
    %barrier3A = arith.constant 0 : index
    tpu.barrier barrier_id(%barrier3A)
    %mul3A = arith.constant 16 : i32
    %mul3A_2 = arith.muli %arg0, %mul3A : i32
    %add3A = arith.addi %mul3A_2, %arg1 : i32
    %mul3A_3 = arith.constant 1024 : i32
    %mul3A_4 = arith.muli %add3A, %mul3A_3 : i32
    %add3A_5 = arith.constant 0 : i32
    %add3A_6 = arith.addi %mul3A_4, %add3A_5 : i32
    %add3A_7 = arith.constant 32768 : i32
    %add3A_8 = arith.addi %add3A_7, %add3A_6 : i32
    %multiple_of3A = tpu.assume_multiple %add3A_8, 256 : i32
    "tpu.region"() ({
      %run_scoped3A = tpu.sem_alloc : memref<!tpu.dma_semaphore, #tpu.memory_space<semaphore_mem>>
      %dma_start3A = arith.constant 0 : i32
      %dma_start3A_54 = tpu.memref_slice %arg3[%multiple_of3A, %dma_start3A] : memref<65536x128xf32, #tpu.memory_space<hbm>> -> memref<256x128xf32, #tpu.memory_space<hbm>>
      %dma_start3A_55 = arith.constant 0 : i32
      %dma_start3A_56 = tpu.memref_slice %arg3[%multiple_of3A, %dma_start3A_55] : memref<65536x128xf32, #tpu.memory_space<hbm>> -> memref<256x128xf32, #tpu.memory_space<hbm>>
      tpu.enqueue_dma source(%dma_start3A_56 : memref<256x128xf32, #tpu.memory_space<hbm>>) target(%arg11 : memref<256x128xf32, #tpu.memory_space<vmem>>) target_semaphore(%run_scoped3A : memref<!tpu.dma_semaphore, #tpu.memory_space<semaphore_mem>>)
      %dma_wait3A = arith.constant 0 : i32
      %dma_wait3A_57 = tpu.memref_slice %arg3[%multiple_of3A, %dma_wait3A] : memref<65536x128xf32, #tpu.memory_space<hbm>> -> memref<256x128xf32, #tpu.memory_space<hbm>>
      %dma_wait3A_58 = arith.constant 0 : i32
      %dma_wait3A_59 = tpu.memref_slice %arg3[%multiple_of3A, %dma_wait3A_58] : memref<65536x128xf32, #tpu.memory_space<hbm>> -> memref<256x128xf32, #tpu.memory_space<hbm>>
      tpu.wait_dma2 semaphore(%run_scoped3A : memref<!tpu.dma_semaphore, #tpu.memory_space<semaphore_mem>>) src(%dma_wait3A_59 : memref<256x128xf32, #tpu.memory_space<hbm>>) dst(%arg11 : memref<256x128xf32, #tpu.memory_space<vmem>>)
      tpu.yield
    }) : () -> ()
    %add3A_9 = arith.constant 0 : i32
    %add3A_10 = arith.addi %add3A_6, %add3A_9 : i32
    %multiple_of3A_11 = tpu.assume_multiple %add3A_10, 128 : i32
    "tpu.region"() ({
      %run_scoped3A = tpu.sem_alloc : memref<!tpu.dma_semaphore, #tpu.memory_space<semaphore_mem>>
      %dma_start3A = tpu.memref_slice %arg2[%multiple_of3A_11] : memref<32768xi32, #tpu.memory_space<hbm>> -> memref<128xi32, #tpu.memory_space<hbm>>
      %dma_start3A_54 = tpu.memref_slice %arg2[%multiple_of3A_11] : memref<32768xi32, #tpu.memory_space<hbm>> -> memref<128xi32, #tpu.memory_space<hbm>>
      tpu.enqueue_dma source(%dma_start3A_54 : memref<128xi32, #tpu.memory_space<hbm>>) target(%arg9 : memref<128xi32, #tpu.memory_space<vmem>>) target_semaphore(%run_scoped3A : memref<!tpu.dma_semaphore, #tpu.memory_space<semaphore_mem>>)
      %dma_wait3A = tpu.memref_slice %arg2[%multiple_of3A_11] : memref<32768xi32, #tpu.memory_space<hbm>> -> memref<128xi32, #tpu.memory_space<hbm>>
      %dma_wait3A_55 = tpu.memref_slice %arg2[%multiple_of3A_11] : memref<32768xi32, #tpu.memory_space<hbm>> -> memref<128xi32, #tpu.memory_space<hbm>>
      tpu.wait_dma2 semaphore(%run_scoped3A : memref<!tpu.dma_semaphore, #tpu.memory_space<semaphore_mem>>) src(%dma_wait3A_55 : memref<128xi32, #tpu.memory_space<hbm>>) dst(%arg9 : memref<128xi32, #tpu.memory_space<vmem>>)
      tpu.yield
    }) : () -> ()
    %add3A_12 = arith.constant 128 : i32
    %add3A_13 = arith.addi %add3A_6, %add3A_12 : i32
    %multiple_of3A_14 = tpu.assume_multiple %add3A_13, 128 : i32
    "tpu.region"() ({
      %run_scoped3A = tpu.sem_alloc : memref<!tpu.dma_semaphore, #tpu.memory_space<semaphore_mem>>
      %dma_start3A = tpu.memref_slice %arg2[%multiple_of3A_14] : memref<32768xi32, #tpu.memory_space<hbm>> -> memref<128xi32, #tpu.memory_space<hbm>>
      %dma_start3A_54 = tpu.memref_slice %arg2[%multiple_of3A_14] : memref<32768xi32, #tpu.memory_space<hbm>> -> memref<128xi32, #tpu.memory_space<hbm>>
      tpu.enqueue_dma source(%dma_start3A_54 : memref<128xi32, #tpu.memory_space<hbm>>) target(%arg10 : memref<128xi32, #tpu.memory_space<vmem>>) target_semaphore(%run_scoped3A : memref<!tpu.dma_semaphore, #tpu.memory_space<semaphore_mem>>)
      %dma_wait3A = tpu.memref_slice %arg2[%multiple_of3A_14] : memref<32768xi32, #tpu.memory_space<hbm>> -> memref<128xi32, #tpu.memory_space<hbm>>
      %dma_wait3A_55 = tpu.memref_slice %arg2[%multiple_of3A_14] : memref<32768xi32, #tpu.memory_space<hbm>> -> memref<128xi32, #tpu.memory_space<hbm>>
      tpu.wait_dma2 semaphore(%run_scoped3A : memref<!tpu.dma_semaphore, #tpu.memory_space<semaphore_mem>>) src(%dma_wait3A_55 : memref<128xi32, #tpu.memory_space<hbm>>) dst(%arg10 : memref<128xi32, #tpu.memory_space<vmem>>)
      tpu.yield
    }) : () -> ()
    "tpu.region"() ({
      %run_scoped3A = tpu.sem_alloc : memref<!tpu.dma_semaphore, #tpu.memory_space<semaphore_mem>>
      %dma_start3A = arith.constant 0 : i32
      %dma_start3A_54 = arith.constant 0 : i32
      %dma_start3A_55 = tpu.memref_slice %arg11[%dma_start3A, %dma_start3A_54] : memref<256x128xf32, #tpu.memory_space<vmem>> -> memref<128x128xf32, #tpu.memory_space<vmem>>
      %dma_start3A_56 = arith.constant 0 : i32
      %dma_start3A_57 = arith.constant 0 : i32
      %dma_start3A_58 = tpu.memref_slice %arg13[%dma_start3A_56, %dma_start3A_57] : memref<1008x128xf32, #tpu.memory_space<vmem_shared>> -> memref<1008x128xf32, #tpu.memory_space<vmem_shared>>
      tpu.enqueue_indirect_dma source(%dma_start3A_55 : memref<128x128xf32, #tpu.memory_space<vmem>>) target(%dma_start3A_58 : memref<1008x128xf32, #tpu.memory_space<vmem_shared>>) offsets(%arg9 : memref<128xi32, #tpu.memory_space<vmem>>) semaphore(%run_scoped3A : memref<!tpu.dma_semaphore, #tpu.memory_space<semaphore_mem>>) {add = true}
      %dma_wait3A = arith.constant 0 : i32
      %dma_wait3A_59 = arith.constant 0 : i32
      %dma_wait3A_60 = tpu.memref_slice %arg11[%dma_wait3A, %dma_wait3A_59] : memref<256x128xf32, #tpu.memory_space<vmem>> -> memref<128x128xf32, #tpu.memory_space<vmem>>
      %dma_wait3A_61 = arith.constant 0 : i32
      %dma_wait3A_62 = arith.constant 0 : i32
      %dma_wait3A_63 = tpu.memref_slice %arg13[%dma_wait3A_61, %dma_wait3A_62] : memref<1008x128xf32, #tpu.memory_space<vmem_shared>> -> memref<1008x128xf32, #tpu.memory_space<vmem_shared>>
      tpu.wait_indirect_dma semaphore(%run_scoped3A : memref<!tpu.dma_semaphore, #tpu.memory_space<semaphore_mem>>) src(%dma_wait3A_60 : memref<128x128xf32, #tpu.memory_space<vmem>>) dst(%dma_wait3A_63 : memref<1008x128xf32, #tpu.memory_space<vmem_shared>>)
      tpu.yield
    }) : () -> ()
    "tpu.region"() ({
      %run_scoped3A = tpu.sem_alloc : memref<!tpu.dma_semaphore, #tpu.memory_space<semaphore_mem>>
      %dma_start3A = arith.constant 0 : i32
      %dma_start3A_54 = arith.constant 0 : i32
      %dma_start3A_55 = tpu.memref_slice %arg12[%dma_start3A, %dma_start3A_54] : memref<256x128xf32, #tpu.memory_space<vmem>> -> memref<128x128xf32, #tpu.memory_space<vmem>>
      %dma_start3A_56 = arith.constant 0 : i32
      %dma_start3A_57 = arith.constant 0 : i32
      %dma_start3A_58 = tpu.memref_slice %arg14[%dma_start3A_56, %dma_start3A_57] : memref<1008x128xf32, #tpu.memory_space<vmem_shared>> -> memref<1008x128xf32, #tpu.memory_space<vmem_shared>>
      tpu.enqueue_indirect_dma source(%dma_start3A_55 : memref<128x128xf32, #tpu.memory_space<vmem>>) target(%dma_start3A_58 : memref<1008x128xf32, #tpu.memory_space<vmem_shared>>) offsets(%arg9 : memref<128xi32, #tpu.memory_space<vmem>>) semaphore(%run_scoped3A : memref<!tpu.dma_semaphore, #tpu.memory_space<semaphore_mem>>) {add = true}
      %dma_wait3A = arith.constant 0 : i32
      %dma_wait3A_59 = arith.constant 0 : i32
      %dma_wait3A_60 = tpu.memref_slice %arg12[%dma_wait3A, %dma_wait3A_59] : memref<256x128xf32, #tpu.memory_space<vmem>> -> memref<128x128xf32, #tpu.memory_space<vmem>>
      %dma_wait3A_61 = arith.constant 0 : i32
      %dma_wait3A_62 = arith.constant 0 : i32
      %dma_wait3A_63 = tpu.memref_slice %arg14[%dma_wait3A_61, %dma_wait3A_62] : memref<1008x128xf32, #tpu.memory_space<vmem_shared>> -> memref<1008x128xf32, #tpu.memory_space<vmem_shared>>
      tpu.wait_indirect_dma semaphore(%run_scoped3A : memref<!tpu.dma_semaphore, #tpu.memory_space<semaphore_mem>>) src(%dma_wait3A_60 : memref<128x128xf32, #tpu.memory_space<vmem>>) dst(%dma_wait3A_63 : memref<1008x128xf32, #tpu.memory_space<vmem_shared>>)
      tpu.yield
    }) : () -> ()
    "tpu.region"() ({
      %run_scoped3A = tpu.sem_alloc : memref<!tpu.dma_semaphore, #tpu.memory_space<semaphore_mem>>
      %dma_start3A = arith.constant 128 : i32
      %dma_start3A_54 = arith.constant 0 : i32
      %dma_start3A_55 = tpu.memref_slice %arg11[%dma_start3A, %dma_start3A_54] : memref<256x128xf32, #tpu.memory_space<vmem>> -> memref<128x128xf32, #tpu.memory_space<vmem>>
      %dma_start3A_56 = arith.constant 0 : i32
      %dma_start3A_57 = arith.constant 0 : i32
      %dma_start3A_58 = tpu.memref_slice %arg13[%dma_start3A_56, %dma_start3A_57] : memref<1008x128xf32, #tpu.memory_space<vmem_shared>> -> memref<1008x128xf32, #tpu.memory_space<vmem_shared>>
      tpu.enqueue_indirect_dma source(%dma_start3A_55 : memref<128x128xf32, #tpu.memory_space<vmem>>) target(%dma_start3A_58 : memref<1008x128xf32, #tpu.memory_space<vmem_shared>>) offsets(%arg10 : memref<128xi32, #tpu.memory_space<vmem>>) semaphore(%run_scoped3A : memref<!tpu.dma_semaphore, #tpu.memory_space<semaphore_mem>>) {add = true}
      %dma_wait3A = arith.constant 128 : i32
      %dma_wait3A_59 = arith.constant 0 : i32
      %dma_wait3A_60 = tpu.memref_slice %arg11[%dma_wait3A, %dma_wait3A_59] : memref<256x128xf32, #tpu.memory_space<vmem>> -> memref<128x128xf32, #tpu.memory_space<vmem>>
      %dma_wait3A_61 = arith.constant 0 : i32
      %dma_wait3A_62 = arith.constant 0 : i32
      %dma_wait3A_63 = tpu.memref_slice %arg13[%dma_wait3A_61, %dma_wait3A_62] : memref<1008x128xf32, #tpu.memory_space<vmem_shared>> -> memref<1008x128xf32, #tpu.memory_space<vmem_shared>>
      tpu.wait_indirect_dma semaphore(%run_scoped3A : memref<!tpu.dma_semaphore, #tpu.memory_space<semaphore_mem>>) src(%dma_wait3A_60 : memref<128x128xf32, #tpu.memory_space<vmem>>) dst(%dma_wait3A_63 : memref<1008x128xf32, #tpu.memory_space<vmem_shared>>)
      tpu.yield
    }) : () -> ()
    "tpu.region"() ({
      %run_scoped3A = tpu.sem_alloc : memref<!tpu.dma_semaphore, #tpu.memory_space<semaphore_mem>>
      %dma_start3A = arith.constant 128 : i32
      %dma_start3A_54 = arith.constant 0 : i32
      %dma_start3A_55 = tpu.memref_slice %arg12[%dma_start3A, %dma_start3A_54] : memref<256x128xf32, #tpu.memory_space<vmem>> -> memref<128x128xf32, #tpu.memory_space<vmem>>
      %dma_start3A_56 = arith.constant 0 : i32
      %dma_start3A_57 = arith.constant 0 : i32
      %dma_start3A_58 = tpu.memref_slice %arg14[%dma_start3A_56, %dma_start3A_57] : memref<1008x128xf32, #tpu.memory_space<vmem_shared>> -> memref<1008x128xf32, #tpu.memory_space<vmem_shared>>
      tpu.enqueue_indirect_dma source(%dma_start3A_55 : memref<128x128xf32, #tpu.memory_space<vmem>>) target(%dma_start3A_58 : memref<1008x128xf32, #tpu.memory_space<vmem_shared>>) offsets(%arg10 : memref<128xi32, #tpu.memory_space<vmem>>) semaphore(%run_scoped3A : memref<!tpu.dma_semaphore, #tpu.memory_space<semaphore_mem>>) {add = true}
      %dma_wait3A = arith.constant 128 : i32
      %dma_wait3A_59 = arith.constant 0 : i32
      %dma_wait3A_60 = tpu.memref_slice %arg12[%dma_wait3A, %dma_wait3A_59] : memref<256x128xf32, #tpu.memory_space<vmem>> -> memref<128x128xf32, #tpu.memory_space<vmem>>
      %dma_wait3A_61 = arith.constant 0 : i32
      %dma_wait3A_62 = arith.constant 0 : i32
      %dma_wait3A_63 = tpu.memref_slice %arg14[%dma_wait3A_61, %dma_wait3A_62] : memref<1008x128xf32, #tpu.memory_space<vmem_shared>> -> memref<1008x128xf32, #tpu.memory_space<vmem_shared>>
      tpu.wait_indirect_dma semaphore(%run_scoped3A : memref<!tpu.dma_semaphore, #tpu.memory_space<semaphore_mem>>) src(%dma_wait3A_60 : memref<128x128xf32, #tpu.memory_space<vmem>>) dst(%dma_wait3A_63 : memref<1008x128xf32, #tpu.memory_space<vmem_shared>>)
      tpu.yield
    }) : () -> ()
    %add3A_15 = arith.constant 256 : i32
    %add3A_16 = arith.addi %mul3A_4, %add3A_15 : i32
    %add3A_17 = arith.constant 32768 : i32
    %add3A_18 = arith.addi %add3A_17, %add3A_16 : i32
    %multiple_of3A_19 = tpu.assume_multiple %add3A_18, 256 : i32
    "tpu.region"() ({
      %run_scoped3A = tpu.sem_alloc : memref<!tpu.dma_semaphore, #tpu.memory_space<semaphore_mem>>
      %dma_start3A = arith.constant 0 : i32
      %dma_start3A_54 = tpu.memref_slice %arg3[%multiple_of3A_19, %dma_start3A] : memref<65536x128xf32, #tpu.memory_space<hbm>> -> memref<256x128xf32, #tpu.memory_space<hbm>>
      %dma_start3A_55 = arith.constant 0 : i32
      %dma_start3A_56 = tpu.memref_slice %arg3[%multiple_of3A_19, %dma_start3A_55] : memref<65536x128xf32, #tpu.memory_space<hbm>> -> memref<256x128xf32, #tpu.memory_space<hbm>>
      tpu.enqueue_dma source(%dma_start3A_56 : memref<256x128xf32, #tpu.memory_space<hbm>>) target(%arg11 : memref<256x128xf32, #tpu.memory_space<vmem>>) target_semaphore(%run_scoped3A : memref<!tpu.dma_semaphore, #tpu.memory_space<semaphore_mem>>)
      %dma_wait3A = arith.constant 0 : i32
      %dma_wait3A_57 = tpu.memref_slice %arg3[%multiple_of3A_19, %dma_wait3A] : memref<65536x128xf32, #tpu.memory_space<hbm>> -> memref<256x128xf32, #tpu.memory_space<hbm>>
      %dma_wait3A_58 = arith.constant 0 : i32
      %dma_wait3A_59 = tpu.memref_slice %arg3[%multiple_of3A_19, %dma_wait3A_58] : memref<65536x128xf32, #tpu.memory_space<hbm>> -> memref<256x128xf32, #tpu.memory_space<hbm>>
      tpu.wait_dma2 semaphore(%run_scoped3A : memref<!tpu.dma_semaphore, #tpu.memory_space<semaphore_mem>>) src(%dma_wait3A_59 : memref<256x128xf32, #tpu.memory_space<hbm>>) dst(%arg11 : memref<256x128xf32, #tpu.memory_space<vmem>>)
      tpu.yield
    }) : () -> ()
    %add3A_20 = arith.constant 0 : i32
    %add3A_21 = arith.addi %add3A_16, %add3A_20 : i32
    %multiple_of3A_22 = tpu.assume_multiple %add3A_21, 128 : i32
    "tpu.region"() ({
      %run_scoped3A = tpu.sem_alloc : memref<!tpu.dma_semaphore, #tpu.memory_space<semaphore_mem>>
      %dma_start3A = tpu.memref_slice %arg2[%multiple_of3A_22] : memref<32768xi32, #tpu.memory_space<hbm>> -> memref<128xi32, #tpu.memory_space<hbm>>
      %dma_start3A_54 = tpu.memref_slice %arg2[%multiple_of3A_22] : memref<32768xi32, #tpu.memory_space<hbm>> -> memref<128xi32, #tpu.memory_space<hbm>>
      tpu.enqueue_dma source(%dma_start3A_54 : memref<128xi32, #tpu.memory_space<hbm>>) target(%arg9 : memref<128xi32, #tpu.memory_space<vmem>>) target_semaphore(%run_scoped3A : memref<!tpu.dma_semaphore, #tpu.memory_space<semaphore_mem>>)
      %dma_wait3A = tpu.memref_slice %arg2[%multiple_of3A_22] : memref<32768xi32, #tpu.memory_space<hbm>> -> memref<128xi32, #tpu.memory_space<hbm>>
      %dma_wait3A_55 = tpu.memref_slice %arg2[%multiple_of3A_22] : memref<32768xi32, #tpu.memory_space<hbm>> -> memref<128xi32, #tpu.memory_space<hbm>>
      tpu.wait_dma2 semaphore(%run_scoped3A : memref<!tpu.dma_semaphore, #tpu.memory_space<semaphore_mem>>) src(%dma_wait3A_55 : memref<128xi32, #tpu.memory_space<hbm>>) dst(%arg9 : memref<128xi32, #tpu.memory_space<vmem>>)
      tpu.yield
    }) : () -> ()
    %add3A_23 = arith.constant 128 : i32
    %add3A_24 = arith.addi %add3A_16, %add3A_23 : i32
    %multiple_of3A_25 = tpu.assume_multiple %add3A_24, 128 : i32
    "tpu.region"() ({
      %run_scoped3A = tpu.sem_alloc : memref<!tpu.dma_semaphore, #tpu.memory_space<semaphore_mem>>
      %dma_start3A = tpu.memref_slice %arg2[%multiple_of3A_25] : memref<32768xi32, #tpu.memory_space<hbm>> -> memref<128xi32, #tpu.memory_space<hbm>>
      %dma_start3A_54 = tpu.memref_slice %arg2[%multiple_of3A_25] : memref<32768xi32, #tpu.memory_space<hbm>> -> memref<128xi32, #tpu.memory_space<hbm>>
      tpu.enqueue_dma source(%dma_start3A_54 : memref<128xi32, #tpu.memory_space<hbm>>) target(%arg10 : memref<128xi32, #tpu.memory_space<vmem>>) target_semaphore(%run_scoped3A : memref<!tpu.dma_semaphore, #tpu.memory_space<semaphore_mem>>)
      %dma_wait3A = tpu.memref_slice %arg2[%multiple_of3A_25] : memref<32768xi32, #tpu.memory_space<hbm>> -> memref<128xi32, #tpu.memory_space<hbm>>
      %dma_wait3A_55 = tpu.memref_slice %arg2[%multiple_of3A_25] : memref<32768xi32, #tpu.memory_space<hbm>> -> memref<128xi32, #tpu.memory_space<hbm>>
      tpu.wait_dma2 semaphore(%run_scoped3A : memref<!tpu.dma_semaphore, #tpu.memory_space<semaphore_mem>>) src(%dma_wait3A_55 : memref<128xi32, #tpu.memory_space<hbm>>) dst(%arg10 : memref<128xi32, #tpu.memory_space<vmem>>)
      tpu.yield
    }) : () -> ()
    "tpu.region"() ({
      %run_scoped3A = tpu.sem_alloc : memref<!tpu.dma_semaphore, #tpu.memory_space<semaphore_mem>>
      %dma_start3A = arith.constant 0 : i32
      %dma_start3A_54 = arith.constant 0 : i32
      %dma_start3A_55 = tpu.memref_slice %arg11[%dma_start3A, %dma_start3A_54] : memref<256x128xf32, #tpu.memory_space<vmem>> -> memref<128x128xf32, #tpu.memory_space<vmem>>
      %dma_start3A_56 = arith.constant 0 : i32
      %dma_start3A_57 = arith.constant 0 : i32
      %dma_start3A_58 = tpu.memref_slice %arg13[%dma_start3A_56, %dma_start3A_57] : memref<1008x128xf32, #tpu.memory_space<vmem_shared>> -> memref<1008x128xf32, #tpu.memory_space<vmem_shared>>
      tpu.enqueue_indirect_dma source(%dma_start3A_55 : memref<128x128xf32, #tpu.memory_space<vmem>>) target(%dma_start3A_58 : memref<1008x128xf32, #tpu.memory_space<vmem_shared>>) offsets(%arg9 : memref<128xi32, #tpu.memory_space<vmem>>) semaphore(%run_scoped3A : memref<!tpu.dma_semaphore, #tpu.memory_space<semaphore_mem>>) {add = true}
      %dma_wait3A = arith.constant 0 : i32
      %dma_wait3A_59 = arith.constant 0 : i32
      %dma_wait3A_60 = tpu.memref_slice %arg11[%dma_wait3A, %dma_wait3A_59] : memref<256x128xf32, #tpu.memory_space<vmem>> -> memref<128x128xf32, #tpu.memory_space<vmem>>
      %dma_wait3A_61 = arith.constant 0 : i32
      %dma_wait3A_62 = arith.constant 0 : i32
      %dma_wait3A_63 = tpu.memref_slice %arg13[%dma_wait3A_61, %dma_wait3A_62] : memref<1008x128xf32, #tpu.memory_space<vmem_shared>> -> memref<1008x128xf32, #tpu.memory_space<vmem_shared>>
      tpu.wait_indirect_dma semaphore(%run_scoped3A : memref<!tpu.dma_semaphore, #tpu.memory_space<semaphore_mem>>) src(%dma_wait3A_60 : memref<128x128xf32, #tpu.memory_space<vmem>>) dst(%dma_wait3A_63 : memref<1008x128xf32, #tpu.memory_space<vmem_shared>>)
      tpu.yield
    }) : () -> ()
    "tpu.region"() ({
      %run_scoped3A = tpu.sem_alloc : memref<!tpu.dma_semaphore, #tpu.memory_space<semaphore_mem>>
      %dma_start3A = arith.constant 0 : i32
      %dma_start3A_54 = arith.constant 0 : i32
      %dma_start3A_55 = tpu.memref_slice %arg12[%dma_start3A, %dma_start3A_54] : memref<256x128xf32, #tpu.memory_space<vmem>> -> memref<128x128xf32, #tpu.memory_space<vmem>>
      %dma_start3A_56 = arith.constant 0 : i32
      %dma_start3A_57 = arith.constant 0 : i32
      %dma_start3A_58 = tpu.memref_slice %arg14[%dma_start3A_56, %dma_start3A_57] : memref<1008x128xf32, #tpu.memory_space<vmem_shared>> -> memref<1008x128xf32, #tpu.memory_space<vmem_shared>>
      tpu.enqueue_indirect_dma source(%dma_start3A_55 : memref<128x128xf32, #tpu.memory_space<vmem>>) target(%dma_start3A_58 : memref<1008x128xf32, #tpu.memory_space<vmem_shared>>) offsets(%arg9 : memref<128xi32, #tpu.memory_space<vmem>>) semaphore(%run_scoped3A : memref<!tpu.dma_semaphore, #tpu.memory_space<semaphore_mem>>) {add = true}
      %dma_wait3A = arith.constant 0 : i32
      %dma_wait3A_59 = arith.constant 0 : i32
      %dma_wait3A_60 = tpu.memref_slice %arg12[%dma_wait3A, %dma_wait3A_59] : memref<256x128xf32, #tpu.memory_space<vmem>> -> memref<128x128xf32, #tpu.memory_space<vmem>>
      %dma_wait3A_61 = arith.constant 0 : i32
      %dma_wait3A_62 = arith.constant 0 : i32
      %dma_wait3A_63 = tpu.memref_slice %arg14[%dma_wait3A_61, %dma_wait3A_62] : memref<1008x128xf32, #tpu.memory_space<vmem_shared>> -> memref<1008x128xf32, #tpu.memory_space<vmem_shared>>
      tpu.wait_indirect_dma semaphore(%run_scoped3A : memref<!tpu.dma_semaphore, #tpu.memory_space<semaphore_mem>>) src(%dma_wait3A_60 : memref<128x128xf32, #tpu.memory_space<vmem>>) dst(%dma_wait3A_63 : memref<1008x128xf32, #tpu.memory_space<vmem_shared>>)
      tpu.yield
    }) : () -> ()
    "tpu.region"() ({
      %run_scoped3A = tpu.sem_alloc : memref<!tpu.dma_semaphore, #tpu.memory_space<semaphore_mem>>
      %dma_start3A = arith.constant 128 : i32
      %dma_start3A_54 = arith.constant 0 : i32
      %dma_start3A_55 = tpu.memref_slice %arg11[%dma_start3A, %dma_start3A_54] : memref<256x128xf32, #tpu.memory_space<vmem>> -> memref<128x128xf32, #tpu.memory_space<vmem>>
      %dma_start3A_56 = arith.constant 0 : i32
      %dma_start3A_57 = arith.constant 0 : i32
      %dma_start3A_58 = tpu.memref_slice %arg13[%dma_start3A_56, %dma_start3A_57] : memref<1008x128xf32, #tpu.memory_space<vmem_shared>> -> memref<1008x128xf32, #tpu.memory_space<vmem_shared>>
      tpu.enqueue_indirect_dma source(%dma_start3A_55 : memref<128x128xf32, #tpu.memory_space<vmem>>) target(%dma_start3A_58 : memref<1008x128xf32, #tpu.memory_space<vmem_shared>>) offsets(%arg10 : memref<128xi32, #tpu.memory_space<vmem>>) semaphore(%run_scoped3A : memref<!tpu.dma_semaphore, #tpu.memory_space<semaphore_mem>>) {add = true}
      %dma_wait3A = arith.constant 128 : i32
      %dma_wait3A_59 = arith.constant 0 : i32
      %dma_wait3A_60 = tpu.memref_slice %arg11[%dma_wait3A, %dma_wait3A_59] : memref<256x128xf32, #tpu.memory_space<vmem>> -> memref<128x128xf32, #tpu.memory_space<vmem>>
      %dma_wait3A_61 = arith.constant 0 : i32
      %dma_wait3A_62 = arith.constant 0 : i32
      %dma_wait3A_63 = tpu.memref_slice %arg13[%dma_wait3A_61, %dma_wait3A_62] : memref<1008x128xf32, #tpu.memory_space<vmem_shared>> -> memref<1008x128xf32, #tpu.memory_space<vmem_shared>>
      tpu.wait_indirect_dma semaphore(%run_scoped3A : memref<!tpu.dma_semaphore, #tpu.memory_space<semaphore_mem>>) src(%dma_wait3A_60 : memref<128x128xf32, #tpu.memory_space<vmem>>) dst(%dma_wait3A_63 : memref<1008x128xf32, #tpu.memory_space<vmem_shared>>)
      tpu.yield
    }) : () -> ()
    "tpu.region"() ({
      %run_scoped3A = tpu.sem_alloc : memref<!tpu.dma_semaphore, #tpu.memory_space<semaphore_mem>>
      %dma_start3A = arith.constant 128 : i32
      %dma_start3A_54 = arith.constant 0 : i32
      %dma_start3A_55 = tpu.memref_slice %arg12[%dma_start3A, %dma_start3A_54] : memref<256x128xf32, #tpu.memory_space<vmem>> -> memref<128x128xf32, #tpu.memory_space<vmem>>
      %dma_start3A_56 = arith.constant 0 : i32
      %dma_start3A_57 = arith.constant 0 : i32
      %dma_start3A_58 = tpu.memref_slice %arg14[%dma_start3A_56, %dma_start3A_57] : memref<1008x128xf32, #tpu.memory_space<vmem_shared>> -> memref<1008x128xf32, #tpu.memory_space<vmem_shared>>
      tpu.enqueue_indirect_dma source(%dma_start3A_55 : memref<128x128xf32, #tpu.memory_space<vmem>>) target(%dma_start3A_58 : memref<1008x128xf32, #tpu.memory_space<vmem_shared>>) offsets(%arg10 : memref<128xi32, #tpu.memory_space<vmem>>) semaphore(%run_scoped3A : memref<!tpu.dma_semaphore, #tpu.memory_space<semaphore_mem>>) {add = true}
      %dma_wait3A = arith.constant 128 : i32
      %dma_wait3A_59 = arith.constant 0 : i32
      %dma_wait3A_60 = tpu.memref_slice %arg12[%dma_wait3A, %dma_wait3A_59] : memref<256x128xf32, #tpu.memory_space<vmem>> -> memref<128x128xf32, #tpu.memory_space<vmem>>
      %dma_wait3A_61 = arith.constant 0 : i32
      %dma_wait3A_62 = arith.constant 0 : i32
      %dma_wait3A_63 = tpu.memref_slice %arg14[%dma_wait3A_61, %dma_wait3A_62] : memref<1008x128xf32, #tpu.memory_space<vmem_shared>> -> memref<1008x128xf32, #tpu.memory_space<vmem_shared>>
      tpu.wait_indirect_dma semaphore(%run_scoped3A : memref<!tpu.dma_semaphore, #tpu.memory_space<semaphore_mem>>) src(%dma_wait3A_60 : memref<128x128xf32, #tpu.memory_space<vmem>>) dst(%dma_wait3A_63 : memref<1008x128xf32, #tpu.memory_space<vmem_shared>>)
      tpu.yield
    }) : () -> ()
    %add3A_26 = arith.constant 512 : i32
    %add3A_27 = arith.addi %mul3A_4, %add3A_26 : i32
    %add3A_28 = arith.constant 32768 : i32
    %add3A_29 = arith.addi %add3A_28, %add3A_27 : i32
    %multiple_of3A_30 = tpu.assume_multiple %add3A_29, 256 : i32
    "tpu.region"() ({
      %run_scoped3A = tpu.sem_alloc : memref<!tpu.dma_semaphore, #tpu.memory_space<semaphore_mem>>
      %dma_start3A = arith.constant 0 : i32
      %dma_start3A_54 = tpu.memref_slice %arg3[%multiple_of3A_30, %dma_start3A] : memref<65536x128xf32, #tpu.memory_space<hbm>> -> memref<256x128xf32, #tpu.memory_space<hbm>>
      %dma_start3A_55 = arith.constant 0 : i32
      %dma_start3A_56 = tpu.memref_slice %arg3[%multiple_of3A_30, %dma_start3A_55] : memref<65536x128xf32, #tpu.memory_space<hbm>> -> memref<256x128xf32, #tpu.memory_space<hbm>>
      tpu.enqueue_dma source(%dma_start3A_56 : memref<256x128xf32, #tpu.memory_space<hbm>>) target(%arg11 : memref<256x128xf32, #tpu.memory_space<vmem>>) target_semaphore(%run_scoped3A : memref<!tpu.dma_semaphore, #tpu.memory_space<semaphore_mem>>)
      %dma_wait3A = arith.constant 0 : i32
      %dma_wait3A_57 = tpu.memref_slice %arg3[%multiple_of3A_30, %dma_wait3A] : memref<65536x128xf32, #tpu.memory_space<hbm>> -> memref<256x128xf32, #tpu.memory_space<hbm>>
      %dma_wait3A_58 = arith.constant 0 : i32
      %dma_wait3A_59 = tpu.memref_slice %arg3[%multiple_of3A_30, %dma_wait3A_58] : memref<65536x128xf32, #tpu.memory_space<hbm>> -> memref<256x128xf32, #tpu.memory_space<hbm>>
      tpu.wait_dma2 semaphore(%run_scoped3A : memref<!tpu.dma_semaphore, #tpu.memory_space<semaphore_mem>>) src(%dma_wait3A_59 : memref<256x128xf32, #tpu.memory_space<hbm>>) dst(%arg11 : memref<256x128xf32, #tpu.memory_space<vmem>>)
      tpu.yield
    }) : () -> ()
    %add3A_31 = arith.constant 0 : i32
    %add3A_32 = arith.addi %add3A_27, %add3A_31 : i32
    %multiple_of3A_33 = tpu.assume_multiple %add3A_32, 128 : i32
    "tpu.region"() ({
      %run_scoped3A = tpu.sem_alloc : memref<!tpu.dma_semaphore, #tpu.memory_space<semaphore_mem>>
      %dma_start3A = tpu.memref_slice %arg2[%multiple_of3A_33] : memref<32768xi32, #tpu.memory_space<hbm>> -> memref<128xi32, #tpu.memory_space<hbm>>
      %dma_start3A_54 = tpu.memref_slice %arg2[%multiple_of3A_33] : memref<32768xi32, #tpu.memory_space<hbm>> -> memref<128xi32, #tpu.memory_space<hbm>>
      tpu.enqueue_dma source(%dma_start3A_54 : memref<128xi32, #tpu.memory_space<hbm>>) target(%arg9 : memref<128xi32, #tpu.memory_space<vmem>>) target_semaphore(%run_scoped3A : memref<!tpu.dma_semaphore, #tpu.memory_space<semaphore_mem>>)
      %dma_wait3A = tpu.memref_slice %arg2[%multiple_of3A_33] : memref<32768xi32, #tpu.memory_space<hbm>> -> memref<128xi32, #tpu.memory_space<hbm>>
      %dma_wait3A_55 = tpu.memref_slice %arg2[%multiple_of3A_33] : memref<32768xi32, #tpu.memory_space<hbm>> -> memref<128xi32, #tpu.memory_space<hbm>>
      tpu.wait_dma2 semaphore(%run_scoped3A : memref<!tpu.dma_semaphore, #tpu.memory_space<semaphore_mem>>) src(%dma_wait3A_55 : memref<128xi32, #tpu.memory_space<hbm>>) dst(%arg9 : memref<128xi32, #tpu.memory_space<vmem>>)
      tpu.yield
    }) : () -> ()
    %add3A_34 = arith.constant 128 : i32
    %add3A_35 = arith.addi %add3A_27, %add3A_34 : i32
    %multiple_of3A_36 = tpu.assume_multiple %add3A_35, 128 : i32
    "tpu.region"() ({
      %run_scoped3A = tpu.sem_alloc : memref<!tpu.dma_semaphore, #tpu.memory_space<semaphore_mem>>
      %dma_start3A = tpu.memref_slice %arg2[%multiple_of3A_36] : memref<32768xi32, #tpu.memory_space<hbm>> -> memref<128xi32, #tpu.memory_space<hbm>>
      %dma_start3A_54 = tpu.memref_slice %arg2[%multiple_of3A_36] : memref<32768xi32, #tpu.memory_space<hbm>> -> memref<128xi32, #tpu.memory_space<hbm>>
      tpu.enqueue_dma source(%dma_start3A_54 : memref<128xi32, #tpu.memory_space<hbm>>) target(%arg10 : memref<128xi32, #tpu.memory_space<vmem>>) target_semaphore(%run_scoped3A : memref<!tpu.dma_semaphore, #tpu.memory_space<semaphore_mem>>)
      %dma_wait3A = tpu.memref_slice %arg2[%multiple_of3A_36] : memref<32768xi32, #tpu.memory_space<hbm>> -> memref<128xi32, #tpu.memory_space<hbm>>
      %dma_wait3A_55 = tpu.memref_slice %arg2[%multiple_of3A_36] : memref<32768xi32, #tpu.memory_space<hbm>> -> memref<128xi32, #tpu.memory_space<hbm>>
      tpu.wait_dma2 semaphore(%run_scoped3A : memref<!tpu.dma_semaphore, #tpu.memory_space<semaphore_mem>>) src(%dma_wait3A_55 : memref<128xi32, #tpu.memory_space<hbm>>) dst(%arg10 : memref<128xi32, #tpu.memory_space<vmem>>)
      tpu.yield
    }) : () -> ()
    "tpu.region"() ({
      %run_scoped3A = tpu.sem_alloc : memref<!tpu.dma_semaphore, #tpu.memory_space<semaphore_mem>>
      %dma_start3A = arith.constant 0 : i32
      %dma_start3A_54 = arith.constant 0 : i32
      %dma_start3A_55 = tpu.memref_slice %arg11[%dma_start3A, %dma_start3A_54] : memref<256x128xf32, #tpu.memory_space<vmem>> -> memref<128x128xf32, #tpu.memory_space<vmem>>
      %dma_start3A_56 = arith.constant 0 : i32
      %dma_start3A_57 = arith.constant 0 : i32
      %dma_start3A_58 = tpu.memref_slice %arg13[%dma_start3A_56, %dma_start3A_57] : memref<1008x128xf32, #tpu.memory_space<vmem_shared>> -> memref<1008x128xf32, #tpu.memory_space<vmem_shared>>
      tpu.enqueue_indirect_dma source(%dma_start3A_55 : memref<128x128xf32, #tpu.memory_space<vmem>>) target(%dma_start3A_58 : memref<1008x128xf32, #tpu.memory_space<vmem_shared>>) offsets(%arg9 : memref<128xi32, #tpu.memory_space<vmem>>) semaphore(%run_scoped3A : memref<!tpu.dma_semaphore, #tpu.memory_space<semaphore_mem>>) {add = true}
      %dma_wait3A = arith.constant 0 : i32
      %dma_wait3A_59 = arith.constant 0 : i32
      %dma_wait3A_60 = tpu.memref_slice %arg11[%dma_wait3A, %dma_wait3A_59] : memref<256x128xf32, #tpu.memory_space<vmem>> -> memref<128x128xf32, #tpu.memory_space<vmem>>
      %dma_wait3A_61 = arith.constant 0 : i32
      %dma_wait3A_62 = arith.constant 0 : i32
      %dma_wait3A_63 = tpu.memref_slice %arg13[%dma_wait3A_61, %dma_wait3A_62] : memref<1008x128xf32, #tpu.memory_space<vmem_shared>> -> memref<1008x128xf32, #tpu.memory_space<vmem_shared>>
      tpu.wait_indirect_dma semaphore(%run_scoped3A : memref<!tpu.dma_semaphore, #tpu.memory_space<semaphore_mem>>) src(%dma_wait3A_60 : memref<128x128xf32, #tpu.memory_space<vmem>>) dst(%dma_wait3A_63 : memref<1008x128xf32, #tpu.memory_space<vmem_shared>>)
      tpu.yield
    }) : () -> ()
    "tpu.region"() ({
      %run_scoped3A = tpu.sem_alloc : memref<!tpu.dma_semaphore, #tpu.memory_space<semaphore_mem>>
      %dma_start3A = arith.constant 0 : i32
      %dma_start3A_54 = arith.constant 0 : i32
      %dma_start3A_55 = tpu.memref_slice %arg12[%dma_start3A, %dma_start3A_54] : memref<256x128xf32, #tpu.memory_space<vmem>> -> memref<128x128xf32, #tpu.memory_space<vmem>>
      %dma_start3A_56 = arith.constant 0 : i32
      %dma_start3A_57 = arith.constant 0 : i32
      %dma_start3A_58 = tpu.memref_slice %arg14[%dma_start3A_56, %dma_start3A_57] : memref<1008x128xf32, #tpu.memory_space<vmem_shared>> -> memref<1008x128xf32, #tpu.memory_space<vmem_shared>>
      tpu.enqueue_indirect_dma source(%dma_start3A_55 : memref<128x128xf32, #tpu.memory_space<vmem>>) target(%dma_start3A_58 : memref<1008x128xf32, #tpu.memory_space<vmem_shared>>) offsets(%arg9 : memref<128xi32, #tpu.memory_space<vmem>>) semaphore(%run_scoped3A : memref<!tpu.dma_semaphore, #tpu.memory_space<semaphore_mem>>) {add = true}
      %dma_wait3A = arith.constant 0 : i32
      %dma_wait3A_59 = arith.constant 0 : i32
      %dma_wait3A_60 = tpu.memref_slice %arg12[%dma_wait3A, %dma_wait3A_59] : memref<256x128xf32, #tpu.memory_space<vmem>> -> memref<128x128xf32, #tpu.memory_space<vmem>>
      %dma_wait3A_61 = arith.constant 0 : i32
      %dma_wait3A_62 = arith.constant 0 : i32
      %dma_wait3A_63 = tpu.memref_slice %arg14[%dma_wait3A_61, %dma_wait3A_62] : memref<1008x128xf32, #tpu.memory_space<vmem_shared>> -> memref<1008x128xf32, #tpu.memory_space<vmem_shared>>
      tpu.wait_indirect_dma semaphore(%run_scoped3A : memref<!tpu.dma_semaphore, #tpu.memory_space<semaphore_mem>>) src(%dma_wait3A_60 : memref<128x128xf32, #tpu.memory_space<vmem>>) dst(%dma_wait3A_63 : memref<1008x128xf32, #tpu.memory_space<vmem_shared>>)
      tpu.yield
    }) : () -> ()
    "tpu.region"() ({
      %run_scoped3A = tpu.sem_alloc : memref<!tpu.dma_semaphore, #tpu.memory_space<semaphore_mem>>
      %dma_start3A = arith.constant 128 : i32
      %dma_start3A_54 = arith.constant 0 : i32
      %dma_start3A_55 = tpu.memref_slice %arg11[%dma_start3A, %dma_start3A_54] : memref<256x128xf32, #tpu.memory_space<vmem>> -> memref<128x128xf32, #tpu.memory_space<vmem>>
      %dma_start3A_56 = arith.constant 0 : i32
      %dma_start3A_57 = arith.constant 0 : i32
      %dma_start3A_58 = tpu.memref_slice %arg13[%dma_start3A_56, %dma_start3A_57] : memref<1008x128xf32, #tpu.memory_space<vmem_shared>> -> memref<1008x128xf32, #tpu.memory_space<vmem_shared>>
      tpu.enqueue_indirect_dma source(%dma_start3A_55 : memref<128x128xf32, #tpu.memory_space<vmem>>) target(%dma_start3A_58 : memref<1008x128xf32, #tpu.memory_space<vmem_shared>>) offsets(%arg10 : memref<128xi32, #tpu.memory_space<vmem>>) semaphore(%run_scoped3A : memref<!tpu.dma_semaphore, #tpu.memory_space<semaphore_mem>>) {add = true}
      %dma_wait3A = arith.constant 128 : i32
      %dma_wait3A_59 = arith.constant 0 : i32
      %dma_wait3A_60 = tpu.memref_slice %arg11[%dma_wait3A, %dma_wait3A_59] : memref<256x128xf32, #tpu.memory_space<vmem>> -> memref<128x128xf32, #tpu.memory_space<vmem>>
      %dma_wait3A_61 = arith.constant 0 : i32
      %dma_wait3A_62 = arith.constant 0 : i32
      %dma_wait3A_63 = tpu.memref_slice %arg13[%dma_wait3A_61, %dma_wait3A_62] : memref<1008x128xf32, #tpu.memory_space<vmem_shared>> -> memref<1008x128xf32, #tpu.memory_space<vmem_shared>>
      tpu.wait_indirect_dma semaphore(%run_scoped3A : memref<!tpu.dma_semaphore, #tpu.memory_space<semaphore_mem>>) src(%dma_wait3A_60 : memref<128x128xf32, #tpu.memory_space<vmem>>) dst(%dma_wait3A_63 : memref<1008x128xf32, #tpu.memory_space<vmem_shared>>)
      tpu.yield
    }) : () -> ()
    "tpu.region"() ({
      %run_scoped3A = tpu.sem_alloc : memref<!tpu.dma_semaphore, #tpu.memory_space<semaphore_mem>>
      %dma_start3A = arith.constant 128 : i32
      %dma_start3A_54 = arith.constant 0 : i32
      %dma_start3A_55 = tpu.memref_slice %arg12[%dma_start3A, %dma_start3A_54] : memref<256x128xf32, #tpu.memory_space<vmem>> -> memref<128x128xf32, #tpu.memory_space<vmem>>
      %dma_start3A_56 = arith.constant 0 : i32
      %dma_start3A_57 = arith.constant 0 : i32
      %dma_start3A_58 = tpu.memref_slice %arg14[%dma_start3A_56, %dma_start3A_57] : memref<1008x128xf32, #tpu.memory_space<vmem_shared>> -> memref<1008x128xf32, #tpu.memory_space<vmem_shared>>
      tpu.enqueue_indirect_dma source(%dma_start3A_55 : memref<128x128xf32, #tpu.memory_space<vmem>>) target(%dma_start3A_58 : memref<1008x128xf32, #tpu.memory_space<vmem_shared>>) offsets(%arg10 : memref<128xi32, #tpu.memory_space<vmem>>) semaphore(%run_scoped3A : memref<!tpu.dma_semaphore, #tpu.memory_space<semaphore_mem>>) {add = true}
      %dma_wait3A = arith.constant 128 : i32
      %dma_wait3A_59 = arith.constant 0 : i32
      %dma_wait3A_60 = tpu.memref_slice %arg12[%dma_wait3A, %dma_wait3A_59] : memref<256x128xf32, #tpu.memory_space<vmem>> -> memref<128x128xf32, #tpu.memory_space<vmem>>
      %dma_wait3A_61 = arith.constant 0 : i32
      %dma_wait3A_62 = arith.constant 0 : i32
      %dma_wait3A_63 = tpu.memref_slice %arg14[%dma_wait3A_61, %dma_wait3A_62] : memref<1008x128xf32, #tpu.memory_space<vmem_shared>> -> memref<1008x128xf32, #tpu.memory_space<vmem_shared>>
      tpu.wait_indirect_dma semaphore(%run_scoped3A : memref<!tpu.dma_semaphore, #tpu.memory_space<semaphore_mem>>) src(%dma_wait3A_60 : memref<128x128xf32, #tpu.memory_space<vmem>>) dst(%dma_wait3A_63 : memref<1008x128xf32, #tpu.memory_space<vmem_shared>>)
      tpu.yield
    }) : () -> ()
    %add3A_37 = arith.constant 768 : i32
    %add3A_38 = arith.addi %mul3A_4, %add3A_37 : i32
    %add3A_39 = arith.constant 32768 : i32
    %add3A_40 = arith.addi %add3A_39, %add3A_38 : i32
    %multiple_of3A_41 = tpu.assume_multiple %add3A_40, 256 : i32
    "tpu.region"() ({
      %run_scoped3A = tpu.sem_alloc : memref<!tpu.dma_semaphore, #tpu.memory_space<semaphore_mem>>
      %dma_start3A = arith.constant 0 : i32
      %dma_start3A_54 = tpu.memref_slice %arg3[%multiple_of3A_41, %dma_start3A] : memref<65536x128xf32, #tpu.memory_space<hbm>> -> memref<256x128xf32, #tpu.memory_space<hbm>>
      %dma_start3A_55 = arith.constant 0 : i32
      %dma_start3A_56 = tpu.memref_slice %arg3[%multiple_of3A_41, %dma_start3A_55] : memref<65536x128xf32, #tpu.memory_space<hbm>> -> memref<256x128xf32, #tpu.memory_space<hbm>>
      tpu.enqueue_dma source(%dma_start3A_56 : memref<256x128xf32, #tpu.memory_space<hbm>>) target(%arg11 : memref<256x128xf32, #tpu.memory_space<vmem>>) target_semaphore(%run_scoped3A : memref<!tpu.dma_semaphore, #tpu.memory_space<semaphore_mem>>)
      %dma_wait3A = arith.constant 0 : i32
      %dma_wait3A_57 = tpu.memref_slice %arg3[%multiple_of3A_41, %dma_wait3A] : memref<65536x128xf32, #tpu.memory_space<hbm>> -> memref<256x128xf32, #tpu.memory_space<hbm>>
      %dma_wait3A_58 = arith.constant 0 : i32
      %dma_wait3A_59 = tpu.memref_slice %arg3[%multiple_of3A_41, %dma_wait3A_58] : memref<65536x128xf32, #tpu.memory_space<hbm>> -> memref<256x128xf32, #tpu.memory_space<hbm>>
      tpu.wait_dma2 semaphore(%run_scoped3A : memref<!tpu.dma_semaphore, #tpu.memory_space<semaphore_mem>>) src(%dma_wait3A_59 : memref<256x128xf32, #tpu.memory_space<hbm>>) dst(%arg11 : memref<256x128xf32, #tpu.memory_space<vmem>>)
      tpu.yield
    }) : () -> ()
    %add3A_42 = arith.constant 0 : i32
    %add3A_43 = arith.addi %add3A_38, %add3A_42 : i32
    %multiple_of3A_44 = tpu.assume_multiple %add3A_43, 128 : i32
    "tpu.region"() ({
      %run_scoped3A = tpu.sem_alloc : memref<!tpu.dma_semaphore, #tpu.memory_space<semaphore_mem>>
      %dma_start3A = tpu.memref_slice %arg2[%multiple_of3A_44] : memref<32768xi32, #tpu.memory_space<hbm>> -> memref<128xi32, #tpu.memory_space<hbm>>
      %dma_start3A_54 = tpu.memref_slice %arg2[%multiple_of3A_44] : memref<32768xi32, #tpu.memory_space<hbm>> -> memref<128xi32, #tpu.memory_space<hbm>>
      tpu.enqueue_dma source(%dma_start3A_54 : memref<128xi32, #tpu.memory_space<hbm>>) target(%arg9 : memref<128xi32, #tpu.memory_space<vmem>>) target_semaphore(%run_scoped3A : memref<!tpu.dma_semaphore, #tpu.memory_space<semaphore_mem>>)
      %dma_wait3A = tpu.memref_slice %arg2[%multiple_of3A_44] : memref<32768xi32, #tpu.memory_space<hbm>> -> memref<128xi32, #tpu.memory_space<hbm>>
      %dma_wait3A_55 = tpu.memref_slice %arg2[%multiple_of3A_44] : memref<32768xi32, #tpu.memory_space<hbm>> -> memref<128xi32, #tpu.memory_space<hbm>>
      tpu.wait_dma2 semaphore(%run_scoped3A : memref<!tpu.dma_semaphore, #tpu.memory_space<semaphore_mem>>) src(%dma_wait3A_55 : memref<128xi32, #tpu.memory_space<hbm>>) dst(%arg9 : memref<128xi32, #tpu.memory_space<vmem>>)
      tpu.yield
    }) : () -> ()
    %add3A_45 = arith.constant 128 : i32
    %add3A_46 = arith.addi %add3A_38, %add3A_45 : i32
    %multiple_of3A_47 = tpu.assume_multiple %add3A_46, 128 : i32
    "tpu.region"() ({
      %run_scoped3A = tpu.sem_alloc : memref<!tpu.dma_semaphore, #tpu.memory_space<semaphore_mem>>
      %dma_start3A = tpu.memref_slice %arg2[%multiple_of3A_47] : memref<32768xi32, #tpu.memory_space<hbm>> -> memref<128xi32, #tpu.memory_space<hbm>>
      %dma_start3A_54 = tpu.memref_slice %arg2[%multiple_of3A_47] : memref<32768xi32, #tpu.memory_space<hbm>> -> memref<128xi32, #tpu.memory_space<hbm>>
      tpu.enqueue_dma source(%dma_start3A_54 : memref<128xi32, #tpu.memory_space<hbm>>) target(%arg10 : memref<128xi32, #tpu.memory_space<vmem>>) target_semaphore(%run_scoped3A : memref<!tpu.dma_semaphore, #tpu.memory_space<semaphore_mem>>)
      %dma_wait3A = tpu.memref_slice %arg2[%multiple_of3A_47] : memref<32768xi32, #tpu.memory_space<hbm>> -> memref<128xi32, #tpu.memory_space<hbm>>
      %dma_wait3A_55 = tpu.memref_slice %arg2[%multiple_of3A_47] : memref<32768xi32, #tpu.memory_space<hbm>> -> memref<128xi32, #tpu.memory_space<hbm>>
      tpu.wait_dma2 semaphore(%run_scoped3A : memref<!tpu.dma_semaphore, #tpu.memory_space<semaphore_mem>>) src(%dma_wait3A_55 : memref<128xi32, #tpu.memory_space<hbm>>) dst(%arg10 : memref<128xi32, #tpu.memory_space<vmem>>)
      tpu.yield
    }) : () -> ()
    "tpu.region"() ({
      %run_scoped3A = tpu.sem_alloc : memref<!tpu.dma_semaphore, #tpu.memory_space<semaphore_mem>>
      %dma_start3A = arith.constant 0 : i32
      %dma_start3A_54 = arith.constant 0 : i32
      %dma_start3A_55 = tpu.memref_slice %arg11[%dma_start3A, %dma_start3A_54] : memref<256x128xf32, #tpu.memory_space<vmem>> -> memref<128x128xf32, #tpu.memory_space<vmem>>
      %dma_start3A_56 = arith.constant 0 : i32
      %dma_start3A_57 = arith.constant 0 : i32
      %dma_start3A_58 = tpu.memref_slice %arg13[%dma_start3A_56, %dma_start3A_57] : memref<1008x128xf32, #tpu.memory_space<vmem_shared>> -> memref<1008x128xf32, #tpu.memory_space<vmem_shared>>
      tpu.enqueue_indirect_dma source(%dma_start3A_55 : memref<128x128xf32, #tpu.memory_space<vmem>>) target(%dma_start3A_58 : memref<1008x128xf32, #tpu.memory_space<vmem_shared>>) offsets(%arg9 : memref<128xi32, #tpu.memory_space<vmem>>) semaphore(%run_scoped3A : memref<!tpu.dma_semaphore, #tpu.memory_space<semaphore_mem>>) {add = true}
      %dma_wait3A = arith.constant 0 : i32
      %dma_wait3A_59 = arith.constant 0 : i32
      %dma_wait3A_60 = tpu.memref_slice %arg11[%dma_wait3A, %dma_wait3A_59] : memref<256x128xf32, #tpu.memory_space<vmem>> -> memref<128x128xf32, #tpu.memory_space<vmem>>
      %dma_wait3A_61 = arith.constant 0 : i32
      %dma_wait3A_62 = arith.constant 0 : i32
      %dma_wait3A_63 = tpu.memref_slice %arg13[%dma_wait3A_61, %dma_wait3A_62] : memref<1008x128xf32, #tpu.memory_space<vmem_shared>> -> memref<1008x128xf32, #tpu.memory_space<vmem_shared>>
      tpu.wait_indirect_dma semaphore(%run_scoped3A : memref<!tpu.dma_semaphore, #tpu.memory_space<semaphore_mem>>) src(%dma_wait3A_60 : memref<128x128xf32, #tpu.memory_space<vmem>>) dst(%dma_wait3A_63 : memref<1008x128xf32, #tpu.memory_space<vmem_shared>>)
      tpu.yield
    }) : () -> ()
    "tpu.region"() ({
      %run_scoped3A = tpu.sem_alloc : memref<!tpu.dma_semaphore, #tpu.memory_space<semaphore_mem>>
      %dma_start3A = arith.constant 0 : i32
      %dma_start3A_54 = arith.constant 0 : i32
      %dma_start3A_55 = tpu.memref_slice %arg12[%dma_start3A, %dma_start3A_54] : memref<256x128xf32, #tpu.memory_space<vmem>> -> memref<128x128xf32, #tpu.memory_space<vmem>>
      %dma_start3A_56 = arith.constant 0 : i32
      %dma_start3A_57 = arith.constant 0 : i32
      %dma_start3A_58 = tpu.memref_slice %arg14[%dma_start3A_56, %dma_start3A_57] : memref<1008x128xf32, #tpu.memory_space<vmem_shared>> -> memref<1008x128xf32, #tpu.memory_space<vmem_shared>>
      tpu.enqueue_indirect_dma source(%dma_start3A_55 : memref<128x128xf32, #tpu.memory_space<vmem>>) target(%dma_start3A_58 : memref<1008x128xf32, #tpu.memory_space<vmem_shared>>) offsets(%arg9 : memref<128xi32, #tpu.memory_space<vmem>>) semaphore(%run_scoped3A : memref<!tpu.dma_semaphore, #tpu.memory_space<semaphore_mem>>) {add = true}
      %dma_wait3A = arith.constant 0 : i32
      %dma_wait3A_59 = arith.constant 0 : i32
      %dma_wait3A_60 = tpu.memref_slice %arg12[%dma_wait3A, %dma_wait3A_59] : memref<256x128xf32, #tpu.memory_space<vmem>> -> memref<128x128xf32, #tpu.memory_space<vmem>>
      %dma_wait3A_61 = arith.constant 0 : i32
      %dma_wait3A_62 = arith.constant 0 : i32
      %dma_wait3A_63 = tpu.memref_slice %arg14[%dma_wait3A_61, %dma_wait3A_62] : memref<1008x128xf32, #tpu.memory_space<vmem_shared>> -> memref<1008x128xf32, #tpu.memory_space<vmem_shared>>
      tpu.wait_indirect_dma semaphore(%run_scoped3A : memref<!tpu.dma_semaphore, #tpu.memory_space<semaphore_mem>>) src(%dma_wait3A_60 : memref<128x128xf32, #tpu.memory_space<vmem>>) dst(%dma_wait3A_63 : memref<1008x128xf32, #tpu.memory_space<vmem_shared>>)
      tpu.yield
    }) : () -> ()
    "tpu.region"() ({
      %run_scoped3A = tpu.sem_alloc : memref<!tpu.dma_semaphore, #tpu.memory_space<semaphore_mem>>
      %dma_start3A = arith.constant 128 : i32
      %dma_start3A_54 = arith.constant 0 : i32
      %dma_start3A_55 = tpu.memref_slice %arg11[%dma_start3A, %dma_start3A_54] : memref<256x128xf32, #tpu.memory_space<vmem>> -> memref<128x128xf32, #tpu.memory_space<vmem>>
      %dma_start3A_56 = arith.constant 0 : i32
      %dma_start3A_57 = arith.constant 0 : i32
      %dma_start3A_58 = tpu.memref_slice %arg13[%dma_start3A_56, %dma_start3A_57] : memref<1008x128xf32, #tpu.memory_space<vmem_shared>> -> memref<1008x128xf32, #tpu.memory_space<vmem_shared>>
      tpu.enqueue_indirect_dma source(%dma_start3A_55 : memref<128x128xf32, #tpu.memory_space<vmem>>) target(%dma_start3A_58 : memref<1008x128xf32, #tpu.memory_space<vmem_shared>>) offsets(%arg10 : memref<128xi32, #tpu.memory_space<vmem>>) semaphore(%run_scoped3A : memref<!tpu.dma_semaphore, #tpu.memory_space<semaphore_mem>>) {add = true}
      %dma_wait3A = arith.constant 128 : i32
      %dma_wait3A_59 = arith.constant 0 : i32
      %dma_wait3A_60 = tpu.memref_slice %arg11[%dma_wait3A, %dma_wait3A_59] : memref<256x128xf32, #tpu.memory_space<vmem>> -> memref<128x128xf32, #tpu.memory_space<vmem>>
      %dma_wait3A_61 = arith.constant 0 : i32
      %dma_wait3A_62 = arith.constant 0 : i32
      %dma_wait3A_63 = tpu.memref_slice %arg13[%dma_wait3A_61, %dma_wait3A_62] : memref<1008x128xf32, #tpu.memory_space<vmem_shared>> -> memref<1008x128xf32, #tpu.memory_space<vmem_shared>>
      tpu.wait_indirect_dma semaphore(%run_scoped3A : memref<!tpu.dma_semaphore, #tpu.memory_space<semaphore_mem>>) src(%dma_wait3A_60 : memref<128x128xf32, #tpu.memory_space<vmem>>) dst(%dma_wait3A_63 : memref<1008x128xf32, #tpu.memory_space<vmem_shared>>)
      tpu.yield
    }) : () -> ()
    "tpu.region"() ({
      %run_scoped3A = tpu.sem_alloc : memref<!tpu.dma_semaphore, #tpu.memory_space<semaphore_mem>>
      %dma_start3A = arith.constant 128 : i32
      %dma_start3A_54 = arith.constant 0 : i32
      %dma_start3A_55 = tpu.memref_slice %arg12[%dma_start3A, %dma_start3A_54] : memref<256x128xf32, #tpu.memory_space<vmem>> -> memref<128x128xf32, #tpu.memory_space<vmem>>
      %dma_start3A_56 = arith.constant 0 : i32
      %dma_start3A_57 = arith.constant 0 : i32
      %dma_start3A_58 = tpu.memref_slice %arg14[%dma_start3A_56, %dma_start3A_57] : memref<1008x128xf32, #tpu.memory_space<vmem_shared>> -> memref<1008x128xf32, #tpu.memory_space<vmem_shared>>
      tpu.enqueue_indirect_dma source(%dma_start3A_55 : memref<128x128xf32, #tpu.memory_space<vmem>>) target(%dma_start3A_58 : memref<1008x128xf32, #tpu.memory_space<vmem_shared>>) offsets(%arg10 : memref<128xi32, #tpu.memory_space<vmem>>) semaphore(%run_scoped3A : memref<!tpu.dma_semaphore, #tpu.memory_space<semaphore_mem>>) {add = true}
      %dma_wait3A = arith.constant 128 : i32
      %dma_wait3A_59 = arith.constant 0 : i32
      %dma_wait3A_60 = tpu.memref_slice %arg12[%dma_wait3A, %dma_wait3A_59] : memref<256x128xf32, #tpu.memory_space<vmem>> -> memref<128x128xf32, #tpu.memory_space<vmem>>
      %dma_wait3A_61 = arith.constant 0 : i32
      %dma_wait3A_62 = arith.constant 0 : i32
      %dma_wait3A_63 = tpu.memref_slice %arg14[%dma_wait3A_61, %dma_wait3A_62] : memref<1008x128xf32, #tpu.memory_space<vmem_shared>> -> memref<1008x128xf32, #tpu.memory_space<vmem_shared>>
      tpu.wait_indirect_dma semaphore(%run_scoped3A : memref<!tpu.dma_semaphore, #tpu.memory_space<semaphore_mem>>) src(%dma_wait3A_60 : memref<128x128xf32, #tpu.memory_space<vmem>>) dst(%dma_wait3A_63 : memref<1008x128xf32, #tpu.memory_space<vmem_shared>>)
      tpu.yield
    }) : () -> ()
    %barrier3A_48 = arith.constant 0 : index
    tpu.barrier barrier_id(%barrier3A_48)
    %eq3A_49 = arith.constant 0 : i32
    %eq3A_50 = arith.cmpi eq, %arg1, %eq3A_49 : i32
    %convert_element_type3A_51 = arith.extui %eq3A_50 : i1 to i32
    %cond3A_52 = arith.constant 0 : i32
    %cond3A_53 = arith.cmpi ne, %convert_element_type3A_51, %cond3A_52 : i32
    scf.if %cond3A_53 {
      "tpu.region"() ({
        %run_scoped3A = tpu.sem_alloc : memref<!tpu.dma_semaphore, #tpu.memory_space<semaphore_mem>>
        %dma_start3A = arith.constant 0 : i32
        %dma_start3A_54 = arith.constant 0 : i32
        %dma_start3A_55 = tpu.memref_slice %arg7[%arg0, %dma_start3A, %dma_start3A_54] : memref<2x1008x128xf32, #tpu.memory_space<hbm>> -> memref<1x1008x128xf32, #tpu.memory_space<hbm>>
        %dma_start3A_56 = tpu.memref_squeeze %dma_start3A_55 : memref<1x1008x128xf32, #tpu.memory_space<hbm>> -> memref<1008x128xf32, #tpu.memory_space<hbm>>
        tpu.enqueue_dma source(%arg13 : memref<1008x128xf32, #tpu.memory_space<vmem_shared>>) target(%dma_start3A_56 : memref<1008x128xf32, #tpu.memory_space<hbm>>) target_semaphore(%run_scoped3A : memref<!tpu.dma_semaphore, #tpu.memory_space<semaphore_mem>>)
        %dma_wait3A = arith.constant 0 : i32
        %dma_wait3A_57 = arith.constant 0 : i32
        %dma_wait3A_58 = tpu.memref_slice %arg7[%arg0, %dma_wait3A, %dma_wait3A_57] : memref<2x1008x128xf32, #tpu.memory_space<hbm>> -> memref<1x1008x128xf32, #tpu.memory_space<hbm>>
        %dma_wait3A_59 = tpu.memref_squeeze %dma_wait3A_58 : memref<1x1008x128xf32, #tpu.memory_space<hbm>> -> memref<1008x128xf32, #tpu.memory_space<hbm>>
        tpu.wait_dma2 semaphore(%run_scoped3A : memref<!tpu.dma_semaphore, #tpu.memory_space<semaphore_mem>>) src(%arg13 : memref<1008x128xf32, #tpu.memory_space<vmem_shared>>) dst(%dma_wait3A_59 : memref<1008x128xf32, #tpu.memory_space<hbm>>)
        tpu.yield
      }) : () -> ()
      "tpu.region"() ({
        %run_scoped3A = tpu.sem_alloc : memref<!tpu.dma_semaphore, #tpu.memory_space<semaphore_mem>>
        %dma_start3A = arith.constant 0 : i32
        %dma_start3A_54 = arith.constant 0 : i32
        %dma_start3A_55 = tpu.memref_slice %arg8[%arg0, %dma_start3A, %dma_start3A_54] : memref<2x1008x128xf32, #tpu.memory_space<hbm>> -> memref<1x1008x128xf32, #tpu.memory_space<hbm>>
        %dma_start3A_56 = tpu.memref_squeeze %dma_start3A_55 : memref<1x1008x128xf32, #tpu.memory_space<hbm>> -> memref<1008x128xf32, #tpu.memory_space<hbm>>
        tpu.enqueue_dma source(%arg14 : memref<1008x128xf32, #tpu.memory_space<vmem_shared>>) target(%dma_start3A_56 : memref<1008x128xf32, #tpu.memory_space<hbm>>) target_semaphore(%run_scoped3A : memref<!tpu.dma_semaphore, #tpu.memory_space<semaphore_mem>>)
        %dma_wait3A = arith.constant 0 : i32
        %dma_wait3A_57 = arith.constant 0 : i32
        %dma_wait3A_58 = tpu.memref_slice %arg8[%arg0, %dma_wait3A, %dma_wait3A_57] : memref<2x1008x128xf32, #tpu.memory_space<hbm>> -> memref<1x1008x128xf32, #tpu.memory_space<hbm>>
        %dma_wait3A_59 = tpu.memref_squeeze %dma_wait3A_58 : memref<1x1008x128xf32, #tpu.memory_space<hbm>> -> memref<1008x128xf32, #tpu.memory_space<hbm>>
        tpu.wait_dma2 semaphore(%run_scoped3A : memref<!tpu.dma_semaphore, #tpu.memory_space<semaphore_mem>>) src(%arg14 : memref<1008x128xf32, #tpu.memory_space<vmem_shared>>) dst(%dma_wait3A_59 : memref<1008x128xf32, #tpu.memory_space<hbm>>)
        tpu.yield
      }) : () -> ()
    } else {
    }
    return
  }
}

#map = affine_map<(d0, d1) -> (0)>
#map1 = affine_map<(d0, d1) -> (0, 0)>
#map2 = affine_map<(d0, d1) -> (0, 0, 0)>
module attributes {stable_mosaic.version = 14 : i64} {
  func.func @seg(%arg0: i32, %arg1: i32, %arg2: memref<32768xi32, #tpu.memory_space<hbm>>, %arg3: memref<65536x128xf32, #tpu.memory_space<hbm>>, %arg4: memref<1008x128xf32, #tpu.memory_space<hbm>>, %arg5: memref<1008x128xf32, #tpu.memory_space<hbm>>, %arg6: memref<256x128xf32, #tpu.memory_space<hbm>>, %arg7: memref<2x1008x128xf32, #tpu.memory_space<hbm>>, %arg8: memref<2x1008x128xf32, #tpu.memory_space<hbm>>, %arg9: memref<128xi32, #tpu.memory_space<vmem>>, %arg10: memref<128xi32, #tpu.memory_space<vmem>>, %arg11: memref<256x128xf32, #tpu.memory_space<vmem>>, %arg12: memref<256x128xf32, #tpu.memory_space<vmem>>, %arg13: memref<1008x128xf32, #tpu.memory_space<vmem_shared>>, %arg14: memref<1008x128xf32, #tpu.memory_space<vmem_shared>>) attributes {dimension_semantics = [#tpu.dimension_semantics<core_parallel>, #tpu.dimension_semantics<subcore_parallel>], iteration_bounds = array<i64: 2, 16>, scalar_prefetch = 0 : i64, scratch_operands = 6 : i64, tpu.core_type = #tpu.core_type<sc_vector_subcore>, window_params = [{transform_indices = #map}, {transform_indices = #map1}, {transform_indices = #map1}, {transform_indices = #map1}, {transform_indices = #map1}, {transform_indices = #map2}, {transform_indices = #map2}]} {
    %eq3A = arith.constant 0 : i32
    %eq3A_0 = arith.cmpi eq, %arg1, %eq3A : i32
    %convert_element_type3A = arith.extui %eq3A_0 : i1 to i32
    %cond3A = arith.constant 0 : i32
    %cond3A_1 = arith.cmpi ne, %convert_element_type3A, %cond3A : i32
    scf.if %cond3A_1 {
      "tpu.region"() ({
        %run_scoped3A = tpu.sem_alloc : memref<!tpu.dma_semaphore, #tpu.memory_space<semaphore_mem>>
        tpu.enqueue_dma source(%arg4 : memref<1008x128xf32, #tpu.memory_space<hbm>>) target(%arg13 : memref<1008x128xf32, #tpu.memory_space<vmem_shared>>) target_semaphore(%run_scoped3A : memref<!tpu.dma_semaphore, #tpu.memory_space<semaphore_mem>>)
        tpu.wait_dma2 semaphore(%run_scoped3A : memref<!tpu.dma_semaphore, #tpu.memory_space<semaphore_mem>>) src(%arg4 : memref<1008x128xf32, #tpu.memory_space<hbm>>) dst(%arg13 : memref<1008x128xf32, #tpu.memory_space<vmem_shared>>)
        tpu.yield
      }) : () -> ()
      "tpu.region"() ({
        %run_scoped3A = tpu.sem_alloc : memref<!tpu.dma_semaphore, #tpu.memory_space<semaphore_mem>>
        tpu.enqueue_dma source(%arg5 : memref<1008x128xf32, #tpu.memory_space<hbm>>) target(%arg14 : memref<1008x128xf32, #tpu.memory_space<vmem_shared>>) target_semaphore(%run_scoped3A : memref<!tpu.dma_semaphore, #tpu.memory_space<semaphore_mem>>)
        tpu.wait_dma2 semaphore(%run_scoped3A : memref<!tpu.dma_semaphore, #tpu.memory_space<semaphore_mem>>) src(%arg5 : memref<1008x128xf32, #tpu.memory_space<hbm>>) dst(%arg14 : memref<1008x128xf32, #tpu.memory_space<vmem_shared>>)
        tpu.yield
      }) : () -> ()
    } else {
    }
    "tpu.region"() ({
      %run_scoped3A = tpu.sem_alloc : memref<!tpu.dma_semaphore, #tpu.memory_space<semaphore_mem>>
      tpu.enqueue_dma source(%arg6 : memref<256x128xf32, #tpu.memory_space<hbm>>) target(%arg12 : memref<256x128xf32, #tpu.memory_space<vmem>>) target_semaphore(%run_scoped3A : memref<!tpu.dma_semaphore, #tpu.memory_space<semaphore_mem>>)
      tpu.wait_dma2 semaphore(%run_scoped3A : memref<!tpu.dma_semaphore, #tpu.memory_space<semaphore_mem>>) src(%arg6 : memref<256x128xf32, #tpu.memory_space<hbm>>) dst(%arg12 : memref<256x128xf32, #tpu.memory_space<vmem>>)
      tpu.yield
    }) : () -> ()
    %barrier3A = arith.constant 0 : index
    tpu.barrier barrier_id(%barrier3A)
    %mul3A = arith.constant 16 : i32
    %mul3A_2 = arith.muli %arg0, %mul3A : i32
    %add3A = arith.addi %mul3A_2, %arg1 : i32
    %mul3A_3 = arith.constant 1024 : i32
    %mul3A_4 = arith.muli %add3A, %mul3A_3 : i32
    %add3A_5 = arith.constant 0 : i32
    %add3A_6 = arith.addi %mul3A_4, %add3A_5 : i32
    %add3A_7 = arith.constant 0 : i32
    %add3A_8 = arith.addi %add3A_7, %add3A_6 : i32
    %multiple_of3A = tpu.assume_multiple %add3A_8, 256 : i32
    "tpu.region"() ({
      %run_scoped3A = tpu.sem_alloc : memref<!tpu.dma_semaphore, #tpu.memory_space<semaphore_mem>>
      %dma_start3A = arith.constant 0 : i32
      %dma_start3A_54 = tpu.memref_slice %arg3[%multiple_of3A, %dma_start3A] : memref<65536x128xf32, #tpu.memory_space<hbm>> -> memref<256x128xf32, #tpu.memory_space<hbm>>
      %dma_start3A_55 = arith.constant 0 : i32
      %dma_start3A_56 = tpu.memref_slice %arg3[%multiple_of3A, %dma_start3A_55] : memref<65536x128xf32, #tpu.memory_space<hbm>> -> memref<256x128xf32, #tpu.memory_space<hbm>>
      tpu.enqueue_dma source(%dma_start3A_56 : memref<256x128xf32, #tpu.memory_space<hbm>>) target(%arg11 : memref<256x128xf32, #tpu.memory_space<vmem>>) target_semaphore(%run_scoped3A : memref<!tpu.dma_semaphore, #tpu.memory_space<semaphore_mem>>)
      %dma_wait3A = arith.constant 0 : i32
      %dma_wait3A_57 = tpu.memref_slice %arg3[%multiple_of3A, %dma_wait3A] : memref<65536x128xf32, #tpu.memory_space<hbm>> -> memref<256x128xf32, #tpu.memory_space<hbm>>
      %dma_wait3A_58 = arith.constant 0 : i32
      %dma_wait3A_59 = tpu.memref_slice %arg3[%multiple_of3A, %dma_wait3A_58] : memref<65536x128xf32, #tpu.memory_space<hbm>> -> memref<256x128xf32, #tpu.memory_space<hbm>>
      tpu.wait_dma2 semaphore(%run_scoped3A : memref<!tpu.dma_semaphore, #tpu.memory_space<semaphore_mem>>) src(%dma_wait3A_59 : memref<256x128xf32, #tpu.memory_space<hbm>>) dst(%arg11 : memref<256x128xf32, #tpu.memory_space<vmem>>)
      tpu.yield
    }) : () -> ()
    %add3A_9 = arith.constant 0 : i32
    %add3A_10 = arith.addi %add3A_6, %add3A_9 : i32
    %multiple_of3A_11 = tpu.assume_multiple %add3A_10, 128 : i32
    "tpu.region"() ({
      %run_scoped3A = tpu.sem_alloc : memref<!tpu.dma_semaphore, #tpu.memory_space<semaphore_mem>>
      %dma_start3A = tpu.memref_slice %arg2[%multiple_of3A_11] : memref<32768xi32, #tpu.memory_space<hbm>> -> memref<128xi32, #tpu.memory_space<hbm>>
      %dma_start3A_54 = tpu.memref_slice %arg2[%multiple_of3A_11] : memref<32768xi32, #tpu.memory_space<hbm>> -> memref<128xi32, #tpu.memory_space<hbm>>
      tpu.enqueue_dma source(%dma_start3A_54 : memref<128xi32, #tpu.memory_space<hbm>>) target(%arg9 : memref<128xi32, #tpu.memory_space<vmem>>) target_semaphore(%run_scoped3A : memref<!tpu.dma_semaphore, #tpu.memory_space<semaphore_mem>>)
      %dma_wait3A = tpu.memref_slice %arg2[%multiple_of3A_11] : memref<32768xi32, #tpu.memory_space<hbm>> -> memref<128xi32, #tpu.memory_space<hbm>>
      %dma_wait3A_55 = tpu.memref_slice %arg2[%multiple_of3A_11] : memref<32768xi32, #tpu.memory_space<hbm>> -> memref<128xi32, #tpu.memory_space<hbm>>
      tpu.wait_dma2 semaphore(%run_scoped3A : memref<!tpu.dma_semaphore, #tpu.memory_space<semaphore_mem>>) src(%dma_wait3A_55 : memref<128xi32, #tpu.memory_space<hbm>>) dst(%arg9 : memref<128xi32, #tpu.memory_space<vmem>>)
      tpu.yield
    }) : () -> ()
    %add3A_12 = arith.constant 128 : i32
    %add3A_13 = arith.addi %add3A_6, %add3A_12 : i32
    %multiple_of3A_14 = tpu.assume_multiple %add3A_13, 128 : i32
    "tpu.region"() ({
      %run_scoped3A = tpu.sem_alloc : memref<!tpu.dma_semaphore, #tpu.memory_space<semaphore_mem>>
      %dma_start3A = tpu.memref_slice %arg2[%multiple_of3A_14] : memref<32768xi32, #tpu.memory_space<hbm>> -> memref<128xi32, #tpu.memory_space<hbm>>
      %dma_start3A_54 = tpu.memref_slice %arg2[%multiple_of3A_14] : memref<32768xi32, #tpu.memory_space<hbm>> -> memref<128xi32, #tpu.memory_space<hbm>>
      tpu.enqueue_dma source(%dma_start3A_54 : memref<128xi32, #tpu.memory_space<hbm>>) target(%arg10 : memref<128xi32, #tpu.memory_space<vmem>>) target_semaphore(%run_scoped3A : memref<!tpu.dma_semaphore, #tpu.memory_space<semaphore_mem>>)
      %dma_wait3A = tpu.memref_slice %arg2[%multiple_of3A_14] : memref<32768xi32, #tpu.memory_space<hbm>> -> memref<128xi32, #tpu.memory_space<hbm>>
      %dma_wait3A_55 = tpu.memref_slice %arg2[%multiple_of3A_14] : memref<32768xi32, #tpu.memory_space<hbm>> -> memref<128xi32, #tpu.memory_space<hbm>>
      tpu.wait_dma2 semaphore(%run_scoped3A : memref<!tpu.dma_semaphore, #tpu.memory_space<semaphore_mem>>) src(%dma_wait3A_55 : memref<128xi32, #tpu.memory_space<hbm>>) dst(%arg10 : memref<128xi32, #tpu.memory_space<vmem>>)
      tpu.yield
    }) : () -> ()
    "tpu.region"() ({
      %run_scoped3A = tpu.sem_alloc : memref<!tpu.dma_semaphore, #tpu.memory_space<semaphore_mem>>
      %dma_start3A = arith.constant 0 : i32
      %dma_start3A_54 = arith.constant 0 : i32
      %dma_start3A_55 = tpu.memref_slice %arg11[%dma_start3A, %dma_start3A_54] : memref<256x128xf32, #tpu.memory_space<vmem>> -> memref<128x128xf32, #tpu.memory_space<vmem>>
      %dma_start3A_56 = arith.constant 0 : i32
      %dma_start3A_57 = arith.constant 0 : i32
      %dma_start3A_58 = tpu.memref_slice %arg13[%dma_start3A_56, %dma_start3A_57] : memref<1008x128xf32, #tpu.memory_space<vmem_shared>> -> memref<1008x128xf32, #tpu.memory_space<vmem_shared>>
      tpu.enqueue_indirect_dma source(%dma_start3A_55 : memref<128x128xf32, #tpu.memory_space<vmem>>) target(%dma_start3A_58 : memref<1008x128xf32, #tpu.memory_space<vmem_shared>>) offsets(%arg9 : memref<128xi32, #tpu.memory_space<vmem>>) semaphore(%run_scoped3A : memref<!tpu.dma_semaphore, #tpu.memory_space<semaphore_mem>>) {add = true}
      %dma_wait3A = arith.constant 0 : i32
      %dma_wait3A_59 = arith.constant 0 : i32
      %dma_wait3A_60 = tpu.memref_slice %arg11[%dma_wait3A, %dma_wait3A_59] : memref<256x128xf32, #tpu.memory_space<vmem>> -> memref<128x128xf32, #tpu.memory_space<vmem>>
      %dma_wait3A_61 = arith.constant 0 : i32
      %dma_wait3A_62 = arith.constant 0 : i32
      %dma_wait3A_63 = tpu.memref_slice %arg13[%dma_wait3A_61, %dma_wait3A_62] : memref<1008x128xf32, #tpu.memory_space<vmem_shared>> -> memref<1008x128xf32, #tpu.memory_space<vmem_shared>>
      tpu.wait_indirect_dma semaphore(%run_scoped3A : memref<!tpu.dma_semaphore, #tpu.memory_space<semaphore_mem>>) src(%dma_wait3A_60 : memref<128x128xf32, #tpu.memory_space<vmem>>) dst(%dma_wait3A_63 : memref<1008x128xf32, #tpu.memory_space<vmem_shared>>)
      tpu.yield
    }) : () -> ()
    "tpu.region"() ({
      %run_scoped3A = tpu.sem_alloc : memref<!tpu.dma_semaphore, #tpu.memory_space<semaphore_mem>>
      %dma_start3A = arith.constant 0 : i32
      %dma_start3A_54 = arith.constant 0 : i32
      %dma_start3A_55 = tpu.memref_slice %arg12[%dma_start3A, %dma_start3A_54] : memref<256x128xf32, #tpu.memory_space<vmem>> -> memref<128x128xf32, #tpu.memory_space<vmem>>
      %dma_start3A_56 = arith.constant 0 : i32
      %dma_start3A_57 = arith.constant 0 : i32
      %dma_start3A_58 = tpu.memref_slice %arg14[%dma_start3A_56, %dma_start3A_57] : memref<1008x128xf32, #tpu.memory_space<vmem_shared>> -> memref<1008x128xf32, #tpu.memory_space<vmem_shared>>
      tpu.enqueue_indirect_dma source(%dma_start3A_55 : memref<128x128xf32, #tpu.memory_space<vmem>>) target(%dma_start3A_58 : memref<1008x128xf32, #tpu.memory_space<vmem_shared>>) offsets(%arg9 : memref<128xi32, #tpu.memory_space<vmem>>) semaphore(%run_scoped3A : memref<!tpu.dma_semaphore, #tpu.memory_space<semaphore_mem>>) {add = true}
      %dma_wait3A = arith.constant 0 : i32
      %dma_wait3A_59 = arith.constant 0 : i32
      %dma_wait3A_60 = tpu.memref_slice %arg12[%dma_wait3A, %dma_wait3A_59] : memref<256x128xf32, #tpu.memory_space<vmem>> -> memref<128x128xf32, #tpu.memory_space<vmem>>
      %dma_wait3A_61 = arith.constant 0 : i32
      %dma_wait3A_62 = arith.constant 0 : i32
      %dma_wait3A_63 = tpu.memref_slice %arg14[%dma_wait3A_61, %dma_wait3A_62] : memref<1008x128xf32, #tpu.memory_space<vmem_shared>> -> memref<1008x128xf32, #tpu.memory_space<vmem_shared>>
      tpu.wait_indirect_dma semaphore(%run_scoped3A : memref<!tpu.dma_semaphore, #tpu.memory_space<semaphore_mem>>) src(%dma_wait3A_60 : memref<128x128xf32, #tpu.memory_space<vmem>>) dst(%dma_wait3A_63 : memref<1008x128xf32, #tpu.memory_space<vmem_shared>>)
      tpu.yield
    }) : () -> ()
    "tpu.region"() ({
      %run_scoped3A = tpu.sem_alloc : memref<!tpu.dma_semaphore, #tpu.memory_space<semaphore_mem>>
      %dma_start3A = arith.constant 128 : i32
      %dma_start3A_54 = arith.constant 0 : i32
      %dma_start3A_55 = tpu.memref_slice %arg11[%dma_start3A, %dma_start3A_54] : memref<256x128xf32, #tpu.memory_space<vmem>> -> memref<128x128xf32, #tpu.memory_space<vmem>>
      %dma_start3A_56 = arith.constant 0 : i32
      %dma_start3A_57 = arith.constant 0 : i32
      %dma_start3A_58 = tpu.memref_slice %arg13[%dma_start3A_56, %dma_start3A_57] : memref<1008x128xf32, #tpu.memory_space<vmem_shared>> -> memref<1008x128xf32, #tpu.memory_space<vmem_shared>>
      tpu.enqueue_indirect_dma source(%dma_start3A_55 : memref<128x128xf32, #tpu.memory_space<vmem>>) target(%dma_start3A_58 : memref<1008x128xf32, #tpu.memory_space<vmem_shared>>) offsets(%arg10 : memref<128xi32, #tpu.memory_space<vmem>>) semaphore(%run_scoped3A : memref<!tpu.dma_semaphore, #tpu.memory_space<semaphore_mem>>) {add = true}
      %dma_wait3A = arith.constant 128 : i32
      %dma_wait3A_59 = arith.constant 0 : i32
      %dma_wait3A_60 = tpu.memref_slice %arg11[%dma_wait3A, %dma_wait3A_59] : memref<256x128xf32, #tpu.memory_space<vmem>> -> memref<128x128xf32, #tpu.memory_space<vmem>>
      %dma_wait3A_61 = arith.constant 0 : i32
      %dma_wait3A_62 = arith.constant 0 : i32
      %dma_wait3A_63 = tpu.memref_slice %arg13[%dma_wait3A_61, %dma_wait3A_62] : memref<1008x128xf32, #tpu.memory_space<vmem_shared>> -> memref<1008x128xf32, #tpu.memory_space<vmem_shared>>
      tpu.wait_indirect_dma semaphore(%run_scoped3A : memref<!tpu.dma_semaphore, #tpu.memory_space<semaphore_mem>>) src(%dma_wait3A_60 : memref<128x128xf32, #tpu.memory_space<vmem>>) dst(%dma_wait3A_63 : memref<1008x128xf32, #tpu.memory_space<vmem_shared>>)
      tpu.yield
    }) : () -> ()
    "tpu.region"() ({
      %run_scoped3A = tpu.sem_alloc : memref<!tpu.dma_semaphore, #tpu.memory_space<semaphore_mem>>
      %dma_start3A = arith.constant 128 : i32
      %dma_start3A_54 = arith.constant 0 : i32
      %dma_start3A_55 = tpu.memref_slice %arg12[%dma_start3A, %dma_start3A_54] : memref<256x128xf32, #tpu.memory_space<vmem>> -> memref<128x128xf32, #tpu.memory_space<vmem>>
      %dma_start3A_56 = arith.constant 0 : i32
      %dma_start3A_57 = arith.constant 0 : i32
      %dma_start3A_58 = tpu.memref_slice %arg14[%dma_start3A_56, %dma_start3A_57] : memref<1008x128xf32, #tpu.memory_space<vmem_shared>> -> memref<1008x128xf32, #tpu.memory_space<vmem_shared>>
      tpu.enqueue_indirect_dma source(%dma_start3A_55 : memref<128x128xf32, #tpu.memory_space<vmem>>) target(%dma_start3A_58 : memref<1008x128xf32, #tpu.memory_space<vmem_shared>>) offsets(%arg10 : memref<128xi32, #tpu.memory_space<vmem>>) semaphore(%run_scoped3A : memref<!tpu.dma_semaphore, #tpu.memory_space<semaphore_mem>>) {add = true}
      %dma_wait3A = arith.constant 128 : i32
      %dma_wait3A_59 = arith.constant 0 : i32
      %dma_wait3A_60 = tpu.memref_slice %arg12[%dma_wait3A, %dma_wait3A_59] : memref<256x128xf32, #tpu.memory_space<vmem>> -> memref<128x128xf32, #tpu.memory_space<vmem>>
      %dma_wait3A_61 = arith.constant 0 : i32
      %dma_wait3A_62 = arith.constant 0 : i32
      %dma_wait3A_63 = tpu.memref_slice %arg14[%dma_wait3A_61, %dma_wait3A_62] : memref<1008x128xf32, #tpu.memory_space<vmem_shared>> -> memref<1008x128xf32, #tpu.memory_space<vmem_shared>>
      tpu.wait_indirect_dma semaphore(%run_scoped3A : memref<!tpu.dma_semaphore, #tpu.memory_space<semaphore_mem>>) src(%dma_wait3A_60 : memref<128x128xf32, #tpu.memory_space<vmem>>) dst(%dma_wait3A_63 : memref<1008x128xf32, #tpu.memory_space<vmem_shared>>)
      tpu.yield
    }) : () -> ()
    %add3A_15 = arith.constant 256 : i32
    %add3A_16 = arith.addi %mul3A_4, %add3A_15 : i32
    %add3A_17 = arith.constant 0 : i32
    %add3A_18 = arith.addi %add3A_17, %add3A_16 : i32
    %multiple_of3A_19 = tpu.assume_multiple %add3A_18, 256 : i32
    "tpu.region"() ({
      %run_scoped3A = tpu.sem_alloc : memref<!tpu.dma_semaphore, #tpu.memory_space<semaphore_mem>>
      %dma_start3A = arith.constant 0 : i32
      %dma_start3A_54 = tpu.memref_slice %arg3[%multiple_of3A_19, %dma_start3A] : memref<65536x128xf32, #tpu.memory_space<hbm>> -> memref<256x128xf32, #tpu.memory_space<hbm>>
      %dma_start3A_55 = arith.constant 0 : i32
      %dma_start3A_56 = tpu.memref_slice %arg3[%multiple_of3A_19, %dma_start3A_55] : memref<65536x128xf32, #tpu.memory_space<hbm>> -> memref<256x128xf32, #tpu.memory_space<hbm>>
      tpu.enqueue_dma source(%dma_start3A_56 : memref<256x128xf32, #tpu.memory_space<hbm>>) target(%arg11 : memref<256x128xf32, #tpu.memory_space<vmem>>) target_semaphore(%run_scoped3A : memref<!tpu.dma_semaphore, #tpu.memory_space<semaphore_mem>>)
      %dma_wait3A = arith.constant 0 : i32
      %dma_wait3A_57 = tpu.memref_slice %arg3[%multiple_of3A_19, %dma_wait3A] : memref<65536x128xf32, #tpu.memory_space<hbm>> -> memref<256x128xf32, #tpu.memory_space<hbm>>
      %dma_wait3A_58 = arith.constant 0 : i32
      %dma_wait3A_59 = tpu.memref_slice %arg3[%multiple_of3A_19, %dma_wait3A_58] : memref<65536x128xf32, #tpu.memory_space<hbm>> -> memref<256x128xf32, #tpu.memory_space<hbm>>
      tpu.wait_dma2 semaphore(%run_scoped3A : memref<!tpu.dma_semaphore, #tpu.memory_space<semaphore_mem>>) src(%dma_wait3A_59 : memref<256x128xf32, #tpu.memory_space<hbm>>) dst(%arg11 : memref<256x128xf32, #tpu.memory_space<vmem>>)
      tpu.yield
    }) : () -> ()
    %add3A_20 = arith.constant 0 : i32
    %add3A_21 = arith.addi %add3A_16, %add3A_20 : i32
    %multiple_of3A_22 = tpu.assume_multiple %add3A_21, 128 : i32
    "tpu.region"() ({
      %run_scoped3A = tpu.sem_alloc : memref<!tpu.dma_semaphore, #tpu.memory_space<semaphore_mem>>
      %dma_start3A = tpu.memref_slice %arg2[%multiple_of3A_22] : memref<32768xi32, #tpu.memory_space<hbm>> -> memref<128xi32, #tpu.memory_space<hbm>>
      %dma_start3A_54 = tpu.memref_slice %arg2[%multiple_of3A_22] : memref<32768xi32, #tpu.memory_space<hbm>> -> memref<128xi32, #tpu.memory_space<hbm>>
      tpu.enqueue_dma source(%dma_start3A_54 : memref<128xi32, #tpu.memory_space<hbm>>) target(%arg9 : memref<128xi32, #tpu.memory_space<vmem>>) target_semaphore(%run_scoped3A : memref<!tpu.dma_semaphore, #tpu.memory_space<semaphore_mem>>)
      %dma_wait3A = tpu.memref_slice %arg2[%multiple_of3A_22] : memref<32768xi32, #tpu.memory_space<hbm>> -> memref<128xi32, #tpu.memory_space<hbm>>
      %dma_wait3A_55 = tpu.memref_slice %arg2[%multiple_of3A_22] : memref<32768xi32, #tpu.memory_space<hbm>> -> memref<128xi32, #tpu.memory_space<hbm>>
      tpu.wait_dma2 semaphore(%run_scoped3A : memref<!tpu.dma_semaphore, #tpu.memory_space<semaphore_mem>>) src(%dma_wait3A_55 : memref<128xi32, #tpu.memory_space<hbm>>) dst(%arg9 : memref<128xi32, #tpu.memory_space<vmem>>)
      tpu.yield
    }) : () -> ()
    %add3A_23 = arith.constant 128 : i32
    %add3A_24 = arith.addi %add3A_16, %add3A_23 : i32
    %multiple_of3A_25 = tpu.assume_multiple %add3A_24, 128 : i32
    "tpu.region"() ({
      %run_scoped3A = tpu.sem_alloc : memref<!tpu.dma_semaphore, #tpu.memory_space<semaphore_mem>>
      %dma_start3A = tpu.memref_slice %arg2[%multiple_of3A_25] : memref<32768xi32, #tpu.memory_space<hbm>> -> memref<128xi32, #tpu.memory_space<hbm>>
      %dma_start3A_54 = tpu.memref_slice %arg2[%multiple_of3A_25] : memref<32768xi32, #tpu.memory_space<hbm>> -> memref<128xi32, #tpu.memory_space<hbm>>
      tpu.enqueue_dma source(%dma_start3A_54 : memref<128xi32, #tpu.memory_space<hbm>>) target(%arg10 : memref<128xi32, #tpu.memory_space<vmem>>) target_semaphore(%run_scoped3A : memref<!tpu.dma_semaphore, #tpu.memory_space<semaphore_mem>>)
      %dma_wait3A = tpu.memref_slice %arg2[%multiple_of3A_25] : memref<32768xi32, #tpu.memory_space<hbm>> -> memref<128xi32, #tpu.memory_space<hbm>>
      %dma_wait3A_55 = tpu.memref_slice %arg2[%multiple_of3A_25] : memref<32768xi32, #tpu.memory_space<hbm>> -> memref<128xi32, #tpu.memory_space<hbm>>
      tpu.wait_dma2 semaphore(%run_scoped3A : memref<!tpu.dma_semaphore, #tpu.memory_space<semaphore_mem>>) src(%dma_wait3A_55 : memref<128xi32, #tpu.memory_space<hbm>>) dst(%arg10 : memref<128xi32, #tpu.memory_space<vmem>>)
      tpu.yield
    }) : () -> ()
    "tpu.region"() ({
      %run_scoped3A = tpu.sem_alloc : memref<!tpu.dma_semaphore, #tpu.memory_space<semaphore_mem>>
      %dma_start3A = arith.constant 0 : i32
      %dma_start3A_54 = arith.constant 0 : i32
      %dma_start3A_55 = tpu.memref_slice %arg11[%dma_start3A, %dma_start3A_54] : memref<256x128xf32, #tpu.memory_space<vmem>> -> memref<128x128xf32, #tpu.memory_space<vmem>>
      %dma_start3A_56 = arith.constant 0 : i32
      %dma_start3A_57 = arith.constant 0 : i32
      %dma_start3A_58 = tpu.memref_slice %arg13[%dma_start3A_56, %dma_start3A_57] : memref<1008x128xf32, #tpu.memory_space<vmem_shared>> -> memref<1008x128xf32, #tpu.memory_space<vmem_shared>>
      tpu.enqueue_indirect_dma source(%dma_start3A_55 : memref<128x128xf32, #tpu.memory_space<vmem>>) target(%dma_start3A_58 : memref<1008x128xf32, #tpu.memory_space<vmem_shared>>) offsets(%arg9 : memref<128xi32, #tpu.memory_space<vmem>>) semaphore(%run_scoped3A : memref<!tpu.dma_semaphore, #tpu.memory_space<semaphore_mem>>) {add = true}
      %dma_wait3A = arith.constant 0 : i32
      %dma_wait3A_59 = arith.constant 0 : i32
      %dma_wait3A_60 = tpu.memref_slice %arg11[%dma_wait3A, %dma_wait3A_59] : memref<256x128xf32, #tpu.memory_space<vmem>> -> memref<128x128xf32, #tpu.memory_space<vmem>>
      %dma_wait3A_61 = arith.constant 0 : i32
      %dma_wait3A_62 = arith.constant 0 : i32
      %dma_wait3A_63 = tpu.memref_slice %arg13[%dma_wait3A_61, %dma_wait3A_62] : memref<1008x128xf32, #tpu.memory_space<vmem_shared>> -> memref<1008x128xf32, #tpu.memory_space<vmem_shared>>
      tpu.wait_indirect_dma semaphore(%run_scoped3A : memref<!tpu.dma_semaphore, #tpu.memory_space<semaphore_mem>>) src(%dma_wait3A_60 : memref<128x128xf32, #tpu.memory_space<vmem>>) dst(%dma_wait3A_63 : memref<1008x128xf32, #tpu.memory_space<vmem_shared>>)
      tpu.yield
    }) : () -> ()
    "tpu.region"() ({
      %run_scoped3A = tpu.sem_alloc : memref<!tpu.dma_semaphore, #tpu.memory_space<semaphore_mem>>
      %dma_start3A = arith.constant 0 : i32
      %dma_start3A_54 = arith.constant 0 : i32
      %dma_start3A_55 = tpu.memref_slice %arg12[%dma_start3A, %dma_start3A_54] : memref<256x128xf32, #tpu.memory_space<vmem>> -> memref<128x128xf32, #tpu.memory_space<vmem>>
      %dma_start3A_56 = arith.constant 0 : i32
      %dma_start3A_57 = arith.constant 0 : i32
      %dma_start3A_58 = tpu.memref_slice %arg14[%dma_start3A_56, %dma_start3A_57] : memref<1008x128xf32, #tpu.memory_space<vmem_shared>> -> memref<1008x128xf32, #tpu.memory_space<vmem_shared>>
      tpu.enqueue_indirect_dma source(%dma_start3A_55 : memref<128x128xf32, #tpu.memory_space<vmem>>) target(%dma_start3A_58 : memref<1008x128xf32, #tpu.memory_space<vmem_shared>>) offsets(%arg9 : memref<128xi32, #tpu.memory_space<vmem>>) semaphore(%run_scoped3A : memref<!tpu.dma_semaphore, #tpu.memory_space<semaphore_mem>>) {add = true}
      %dma_wait3A = arith.constant 0 : i32
      %dma_wait3A_59 = arith.constant 0 : i32
      %dma_wait3A_60 = tpu.memref_slice %arg12[%dma_wait3A, %dma_wait3A_59] : memref<256x128xf32, #tpu.memory_space<vmem>> -> memref<128x128xf32, #tpu.memory_space<vmem>>
      %dma_wait3A_61 = arith.constant 0 : i32
      %dma_wait3A_62 = arith.constant 0 : i32
      %dma_wait3A_63 = tpu.memref_slice %arg14[%dma_wait3A_61, %dma_wait3A_62] : memref<1008x128xf32, #tpu.memory_space<vmem_shared>> -> memref<1008x128xf32, #tpu.memory_space<vmem_shared>>
      tpu.wait_indirect_dma semaphore(%run_scoped3A : memref<!tpu.dma_semaphore, #tpu.memory_space<semaphore_mem>>) src(%dma_wait3A_60 : memref<128x128xf32, #tpu.memory_space<vmem>>) dst(%dma_wait3A_63 : memref<1008x128xf32, #tpu.memory_space<vmem_shared>>)
      tpu.yield
    }) : () -> ()
    "tpu.region"() ({
      %run_scoped3A = tpu.sem_alloc : memref<!tpu.dma_semaphore, #tpu.memory_space<semaphore_mem>>
      %dma_start3A = arith.constant 128 : i32
      %dma_start3A_54 = arith.constant 0 : i32
      %dma_start3A_55 = tpu.memref_slice %arg11[%dma_start3A, %dma_start3A_54] : memref<256x128xf32, #tpu.memory_space<vmem>> -> memref<128x128xf32, #tpu.memory_space<vmem>>
      %dma_start3A_56 = arith.constant 0 : i32
      %dma_start3A_57 = arith.constant 0 : i32
      %dma_start3A_58 = tpu.memref_slice %arg13[%dma_start3A_56, %dma_start3A_57] : memref<1008x128xf32, #tpu.memory_space<vmem_shared>> -> memref<1008x128xf32, #tpu.memory_space<vmem_shared>>
      tpu.enqueue_indirect_dma source(%dma_start3A_55 : memref<128x128xf32, #tpu.memory_space<vmem>>) target(%dma_start3A_58 : memref<1008x128xf32, #tpu.memory_space<vmem_shared>>) offsets(%arg10 : memref<128xi32, #tpu.memory_space<vmem>>) semaphore(%run_scoped3A : memref<!tpu.dma_semaphore, #tpu.memory_space<semaphore_mem>>) {add = true}
      %dma_wait3A = arith.constant 128 : i32
      %dma_wait3A_59 = arith.constant 0 : i32
      %dma_wait3A_60 = tpu.memref_slice %arg11[%dma_wait3A, %dma_wait3A_59] : memref<256x128xf32, #tpu.memory_space<vmem>> -> memref<128x128xf32, #tpu.memory_space<vmem>>
      %dma_wait3A_61 = arith.constant 0 : i32
      %dma_wait3A_62 = arith.constant 0 : i32
      %dma_wait3A_63 = tpu.memref_slice %arg13[%dma_wait3A_61, %dma_wait3A_62] : memref<1008x128xf32, #tpu.memory_space<vmem_shared>> -> memref<1008x128xf32, #tpu.memory_space<vmem_shared>>
      tpu.wait_indirect_dma semaphore(%run_scoped3A : memref<!tpu.dma_semaphore, #tpu.memory_space<semaphore_mem>>) src(%dma_wait3A_60 : memref<128x128xf32, #tpu.memory_space<vmem>>) dst(%dma_wait3A_63 : memref<1008x128xf32, #tpu.memory_space<vmem_shared>>)
      tpu.yield
    }) : () -> ()
    "tpu.region"() ({
      %run_scoped3A = tpu.sem_alloc : memref<!tpu.dma_semaphore, #tpu.memory_space<semaphore_mem>>
      %dma_start3A = arith.constant 128 : i32
      %dma_start3A_54 = arith.constant 0 : i32
      %dma_start3A_55 = tpu.memref_slice %arg12[%dma_start3A, %dma_start3A_54] : memref<256x128xf32, #tpu.memory_space<vmem>> -> memref<128x128xf32, #tpu.memory_space<vmem>>
      %dma_start3A_56 = arith.constant 0 : i32
      %dma_start3A_57 = arith.constant 0 : i32
      %dma_start3A_58 = tpu.memref_slice %arg14[%dma_start3A_56, %dma_start3A_57] : memref<1008x128xf32, #tpu.memory_space<vmem_shared>> -> memref<1008x128xf32, #tpu.memory_space<vmem_shared>>
      tpu.enqueue_indirect_dma source(%dma_start3A_55 : memref<128x128xf32, #tpu.memory_space<vmem>>) target(%dma_start3A_58 : memref<1008x128xf32, #tpu.memory_space<vmem_shared>>) offsets(%arg10 : memref<128xi32, #tpu.memory_space<vmem>>) semaphore(%run_scoped3A : memref<!tpu.dma_semaphore, #tpu.memory_space<semaphore_mem>>) {add = true}
      %dma_wait3A = arith.constant 128 : i32
      %dma_wait3A_59 = arith.constant 0 : i32
      %dma_wait3A_60 = tpu.memref_slice %arg12[%dma_wait3A, %dma_wait3A_59] : memref<256x128xf32, #tpu.memory_space<vmem>> -> memref<128x128xf32, #tpu.memory_space<vmem>>
      %dma_wait3A_61 = arith.constant 0 : i32
      %dma_wait3A_62 = arith.constant 0 : i32
      %dma_wait3A_63 = tpu.memref_slice %arg14[%dma_wait3A_61, %dma_wait3A_62] : memref<1008x128xf32, #tpu.memory_space<vmem_shared>> -> memref<1008x128xf32, #tpu.memory_space<vmem_shared>>
      tpu.wait_indirect_dma semaphore(%run_scoped3A : memref<!tpu.dma_semaphore, #tpu.memory_space<semaphore_mem>>) src(%dma_wait3A_60 : memref<128x128xf32, #tpu.memory_space<vmem>>) dst(%dma_wait3A_63 : memref<1008x128xf32, #tpu.memory_space<vmem_shared>>)
      tpu.yield
    }) : () -> ()
    %add3A_26 = arith.constant 512 : i32
    %add3A_27 = arith.addi %mul3A_4, %add3A_26 : i32
    %add3A_28 = arith.constant 0 : i32
    %add3A_29 = arith.addi %add3A_28, %add3A_27 : i32
    %multiple_of3A_30 = tpu.assume_multiple %add3A_29, 256 : i32
    "tpu.region"() ({
      %run_scoped3A = tpu.sem_alloc : memref<!tpu.dma_semaphore, #tpu.memory_space<semaphore_mem>>
      %dma_start3A = arith.constant 0 : i32
      %dma_start3A_54 = tpu.memref_slice %arg3[%multiple_of3A_30, %dma_start3A] : memref<65536x128xf32, #tpu.memory_space<hbm>> -> memref<256x128xf32, #tpu.memory_space<hbm>>
      %dma_start3A_55 = arith.constant 0 : i32
      %dma_start3A_56 = tpu.memref_slice %arg3[%multiple_of3A_30, %dma_start3A_55] : memref<65536x128xf32, #tpu.memory_space<hbm>> -> memref<256x128xf32, #tpu.memory_space<hbm>>
      tpu.enqueue_dma source(%dma_start3A_56 : memref<256x128xf32, #tpu.memory_space<hbm>>) target(%arg11 : memref<256x128xf32, #tpu.memory_space<vmem>>) target_semaphore(%run_scoped3A : memref<!tpu.dma_semaphore, #tpu.memory_space<semaphore_mem>>)
      %dma_wait3A = arith.constant 0 : i32
      %dma_wait3A_57 = tpu.memref_slice %arg3[%multiple_of3A_30, %dma_wait3A] : memref<65536x128xf32, #tpu.memory_space<hbm>> -> memref<256x128xf32, #tpu.memory_space<hbm>>
      %dma_wait3A_58 = arith.constant 0 : i32
      %dma_wait3A_59 = tpu.memref_slice %arg3[%multiple_of3A_30, %dma_wait3A_58] : memref<65536x128xf32, #tpu.memory_space<hbm>> -> memref<256x128xf32, #tpu.memory_space<hbm>>
      tpu.wait_dma2 semaphore(%run_scoped3A : memref<!tpu.dma_semaphore, #tpu.memory_space<semaphore_mem>>) src(%dma_wait3A_59 : memref<256x128xf32, #tpu.memory_space<hbm>>) dst(%arg11 : memref<256x128xf32, #tpu.memory_space<vmem>>)
      tpu.yield
    }) : () -> ()
    %add3A_31 = arith.constant 0 : i32
    %add3A_32 = arith.addi %add3A_27, %add3A_31 : i32
    %multiple_of3A_33 = tpu.assume_multiple %add3A_32, 128 : i32
    "tpu.region"() ({
      %run_scoped3A = tpu.sem_alloc : memref<!tpu.dma_semaphore, #tpu.memory_space<semaphore_mem>>
      %dma_start3A = tpu.memref_slice %arg2[%multiple_of3A_33] : memref<32768xi32, #tpu.memory_space<hbm>> -> memref<128xi32, #tpu.memory_space<hbm>>
      %dma_start3A_54 = tpu.memref_slice %arg2[%multiple_of3A_33] : memref<32768xi32, #tpu.memory_space<hbm>> -> memref<128xi32, #tpu.memory_space<hbm>>
      tpu.enqueue_dma source(%dma_start3A_54 : memref<128xi32, #tpu.memory_space<hbm>>) target(%arg9 : memref<128xi32, #tpu.memory_space<vmem>>) target_semaphore(%run_scoped3A : memref<!tpu.dma_semaphore, #tpu.memory_space<semaphore_mem>>)
      %dma_wait3A = tpu.memref_slice %arg2[%multiple_of3A_33] : memref<32768xi32, #tpu.memory_space<hbm>> -> memref<128xi32, #tpu.memory_space<hbm>>
      %dma_wait3A_55 = tpu.memref_slice %arg2[%multiple_of3A_33] : memref<32768xi32, #tpu.memory_space<hbm>> -> memref<128xi32, #tpu.memory_space<hbm>>
      tpu.wait_dma2 semaphore(%run_scoped3A : memref<!tpu.dma_semaphore, #tpu.memory_space<semaphore_mem>>) src(%dma_wait3A_55 : memref<128xi32, #tpu.memory_space<hbm>>) dst(%arg9 : memref<128xi32, #tpu.memory_space<vmem>>)
      tpu.yield
    }) : () -> ()
    %add3A_34 = arith.constant 128 : i32
    %add3A_35 = arith.addi %add3A_27, %add3A_34 : i32
    %multiple_of3A_36 = tpu.assume_multiple %add3A_35, 128 : i32
    "tpu.region"() ({
      %run_scoped3A = tpu.sem_alloc : memref<!tpu.dma_semaphore, #tpu.memory_space<semaphore_mem>>
      %dma_start3A = tpu.memref_slice %arg2[%multiple_of3A_36] : memref<32768xi32, #tpu.memory_space<hbm>> -> memref<128xi32, #tpu.memory_space<hbm>>
      %dma_start3A_54 = tpu.memref_slice %arg2[%multiple_of3A_36] : memref<32768xi32, #tpu.memory_space<hbm>> -> memref<128xi32, #tpu.memory_space<hbm>>
      tpu.enqueue_dma source(%dma_start3A_54 : memref<128xi32, #tpu.memory_space<hbm>>) target(%arg10 : memref<128xi32, #tpu.memory_space<vmem>>) target_semaphore(%run_scoped3A : memref<!tpu.dma_semaphore, #tpu.memory_space<semaphore_mem>>)
      %dma_wait3A = tpu.memref_slice %arg2[%multiple_of3A_36] : memref<32768xi32, #tpu.memory_space<hbm>> -> memref<128xi32, #tpu.memory_space<hbm>>
      %dma_wait3A_55 = tpu.memref_slice %arg2[%multiple_of3A_36] : memref<32768xi32, #tpu.memory_space<hbm>> -> memref<128xi32, #tpu.memory_space<hbm>>
      tpu.wait_dma2 semaphore(%run_scoped3A : memref<!tpu.dma_semaphore, #tpu.memory_space<semaphore_mem>>) src(%dma_wait3A_55 : memref<128xi32, #tpu.memory_space<hbm>>) dst(%arg10 : memref<128xi32, #tpu.memory_space<vmem>>)
      tpu.yield
    }) : () -> ()
    "tpu.region"() ({
      %run_scoped3A = tpu.sem_alloc : memref<!tpu.dma_semaphore, #tpu.memory_space<semaphore_mem>>
      %dma_start3A = arith.constant 0 : i32
      %dma_start3A_54 = arith.constant 0 : i32
      %dma_start3A_55 = tpu.memref_slice %arg11[%dma_start3A, %dma_start3A_54] : memref<256x128xf32, #tpu.memory_space<vmem>> -> memref<128x128xf32, #tpu.memory_space<vmem>>
      %dma_start3A_56 = arith.constant 0 : i32
      %dma_start3A_57 = arith.constant 0 : i32
      %dma_start3A_58 = tpu.memref_slice %arg13[%dma_start3A_56, %dma_start3A_57] : memref<1008x128xf32, #tpu.memory_space<vmem_shared>> -> memref<1008x128xf32, #tpu.memory_space<vmem_shared>>
      tpu.enqueue_indirect_dma source(%dma_start3A_55 : memref<128x128xf32, #tpu.memory_space<vmem>>) target(%dma_start3A_58 : memref<1008x128xf32, #tpu.memory_space<vmem_shared>>) offsets(%arg9 : memref<128xi32, #tpu.memory_space<vmem>>) semaphore(%run_scoped3A : memref<!tpu.dma_semaphore, #tpu.memory_space<semaphore_mem>>) {add = true}
      %dma_wait3A = arith.constant 0 : i32
      %dma_wait3A_59 = arith.constant 0 : i32
      %dma_wait3A_60 = tpu.memref_slice %arg11[%dma_wait3A, %dma_wait3A_59] : memref<256x128xf32, #tpu.memory_space<vmem>> -> memref<128x128xf32, #tpu.memory_space<vmem>>
      %dma_wait3A_61 = arith.constant 0 : i32
      %dma_wait3A_62 = arith.constant 0 : i32
      %dma_wait3A_63 = tpu.memref_slice %arg13[%dma_wait3A_61, %dma_wait3A_62] : memref<1008x128xf32, #tpu.memory_space<vmem_shared>> -> memref<1008x128xf32, #tpu.memory_space<vmem_shared>>
      tpu.wait_indirect_dma semaphore(%run_scoped3A : memref<!tpu.dma_semaphore, #tpu.memory_space<semaphore_mem>>) src(%dma_wait3A_60 : memref<128x128xf32, #tpu.memory_space<vmem>>) dst(%dma_wait3A_63 : memref<1008x128xf32, #tpu.memory_space<vmem_shared>>)
      tpu.yield
    }) : () -> ()
    "tpu.region"() ({
      %run_scoped3A = tpu.sem_alloc : memref<!tpu.dma_semaphore, #tpu.memory_space<semaphore_mem>>
      %dma_start3A = arith.constant 0 : i32
      %dma_start3A_54 = arith.constant 0 : i32
      %dma_start3A_55 = tpu.memref_slice %arg12[%dma_start3A, %dma_start3A_54] : memref<256x128xf32, #tpu.memory_space<vmem>> -> memref<128x128xf32, #tpu.memory_space<vmem>>
      %dma_start3A_56 = arith.constant 0 : i32
      %dma_start3A_57 = arith.constant 0 : i32
      %dma_start3A_58 = tpu.memref_slice %arg14[%dma_start3A_56, %dma_start3A_57] : memref<1008x128xf32, #tpu.memory_space<vmem_shared>> -> memref<1008x128xf32, #tpu.memory_space<vmem_shared>>
      tpu.enqueue_indirect_dma source(%dma_start3A_55 : memref<128x128xf32, #tpu.memory_space<vmem>>) target(%dma_start3A_58 : memref<1008x128xf32, #tpu.memory_space<vmem_shared>>) offsets(%arg9 : memref<128xi32, #tpu.memory_space<vmem>>) semaphore(%run_scoped3A : memref<!tpu.dma_semaphore, #tpu.memory_space<semaphore_mem>>) {add = true}
      %dma_wait3A = arith.constant 0 : i32
      %dma_wait3A_59 = arith.constant 0 : i32
      %dma_wait3A_60 = tpu.memref_slice %arg12[%dma_wait3A, %dma_wait3A_59] : memref<256x128xf32, #tpu.memory_space<vmem>> -> memref<128x128xf32, #tpu.memory_space<vmem>>
      %dma_wait3A_61 = arith.constant 0 : i32
      %dma_wait3A_62 = arith.constant 0 : i32
      %dma_wait3A_63 = tpu.memref_slice %arg14[%dma_wait3A_61, %dma_wait3A_62] : memref<1008x128xf32, #tpu.memory_space<vmem_shared>> -> memref<1008x128xf32, #tpu.memory_space<vmem_shared>>
      tpu.wait_indirect_dma semaphore(%run_scoped3A : memref<!tpu.dma_semaphore, #tpu.memory_space<semaphore_mem>>) src(%dma_wait3A_60 : memref<128x128xf32, #tpu.memory_space<vmem>>) dst(%dma_wait3A_63 : memref<1008x128xf32, #tpu.memory_space<vmem_shared>>)
      tpu.yield
    }) : () -> ()
    "tpu.region"() ({
      %run_scoped3A = tpu.sem_alloc : memref<!tpu.dma_semaphore, #tpu.memory_space<semaphore_mem>>
      %dma_start3A = arith.constant 128 : i32
      %dma_start3A_54 = arith.constant 0 : i32
      %dma_start3A_55 = tpu.memref_slice %arg11[%dma_start3A, %dma_start3A_54] : memref<256x128xf32, #tpu.memory_space<vmem>> -> memref<128x128xf32, #tpu.memory_space<vmem>>
      %dma_start3A_56 = arith.constant 0 : i32
      %dma_start3A_57 = arith.constant 0 : i32
      %dma_start3A_58 = tpu.memref_slice %arg13[%dma_start3A_56, %dma_start3A_57] : memref<1008x128xf32, #tpu.memory_space<vmem_shared>> -> memref<1008x128xf32, #tpu.memory_space<vmem_shared>>
      tpu.enqueue_indirect_dma source(%dma_start3A_55 : memref<128x128xf32, #tpu.memory_space<vmem>>) target(%dma_start3A_58 : memref<1008x128xf32, #tpu.memory_space<vmem_shared>>) offsets(%arg10 : memref<128xi32, #tpu.memory_space<vmem>>) semaphore(%run_scoped3A : memref<!tpu.dma_semaphore, #tpu.memory_space<semaphore_mem>>) {add = true}
      %dma_wait3A = arith.constant 128 : i32
      %dma_wait3A_59 = arith.constant 0 : i32
      %dma_wait3A_60 = tpu.memref_slice %arg11[%dma_wait3A, %dma_wait3A_59] : memref<256x128xf32, #tpu.memory_space<vmem>> -> memref<128x128xf32, #tpu.memory_space<vmem>>
      %dma_wait3A_61 = arith.constant 0 : i32
      %dma_wait3A_62 = arith.constant 0 : i32
      %dma_wait3A_63 = tpu.memref_slice %arg13[%dma_wait3A_61, %dma_wait3A_62] : memref<1008x128xf32, #tpu.memory_space<vmem_shared>> -> memref<1008x128xf32, #tpu.memory_space<vmem_shared>>
      tpu.wait_indirect_dma semaphore(%run_scoped3A : memref<!tpu.dma_semaphore, #tpu.memory_space<semaphore_mem>>) src(%dma_wait3A_60 : memref<128x128xf32, #tpu.memory_space<vmem>>) dst(%dma_wait3A_63 : memref<1008x128xf32, #tpu.memory_space<vmem_shared>>)
      tpu.yield
    }) : () -> ()
    "tpu.region"() ({
      %run_scoped3A = tpu.sem_alloc : memref<!tpu.dma_semaphore, #tpu.memory_space<semaphore_mem>>
      %dma_start3A = arith.constant 128 : i32
      %dma_start3A_54 = arith.constant 0 : i32
      %dma_start3A_55 = tpu.memref_slice %arg12[%dma_start3A, %dma_start3A_54] : memref<256x128xf32, #tpu.memory_space<vmem>> -> memref<128x128xf32, #tpu.memory_space<vmem>>
      %dma_start3A_56 = arith.constant 0 : i32
      %dma_start3A_57 = arith.constant 0 : i32
      %dma_start3A_58 = tpu.memref_slice %arg14[%dma_start3A_56, %dma_start3A_57] : memref<1008x128xf32, #tpu.memory_space<vmem_shared>> -> memref<1008x128xf32, #tpu.memory_space<vmem_shared>>
      tpu.enqueue_indirect_dma source(%dma_start3A_55 : memref<128x128xf32, #tpu.memory_space<vmem>>) target(%dma_start3A_58 : memref<1008x128xf32, #tpu.memory_space<vmem_shared>>) offsets(%arg10 : memref<128xi32, #tpu.memory_space<vmem>>) semaphore(%run_scoped3A : memref<!tpu.dma_semaphore, #tpu.memory_space<semaphore_mem>>) {add = true}
      %dma_wait3A = arith.constant 128 : i32
      %dma_wait3A_59 = arith.constant 0 : i32
      %dma_wait3A_60 = tpu.memref_slice %arg12[%dma_wait3A, %dma_wait3A_59] : memref<256x128xf32, #tpu.memory_space<vmem>> -> memref<128x128xf32, #tpu.memory_space<vmem>>
      %dma_wait3A_61 = arith.constant 0 : i32
      %dma_wait3A_62 = arith.constant 0 : i32
      %dma_wait3A_63 = tpu.memref_slice %arg14[%dma_wait3A_61, %dma_wait3A_62] : memref<1008x128xf32, #tpu.memory_space<vmem_shared>> -> memref<1008x128xf32, #tpu.memory_space<vmem_shared>>
      tpu.wait_indirect_dma semaphore(%run_scoped3A : memref<!tpu.dma_semaphore, #tpu.memory_space<semaphore_mem>>) src(%dma_wait3A_60 : memref<128x128xf32, #tpu.memory_space<vmem>>) dst(%dma_wait3A_63 : memref<1008x128xf32, #tpu.memory_space<vmem_shared>>)
      tpu.yield
    }) : () -> ()
    %add3A_37 = arith.constant 768 : i32
    %add3A_38 = arith.addi %mul3A_4, %add3A_37 : i32
    %add3A_39 = arith.constant 0 : i32
    %add3A_40 = arith.addi %add3A_39, %add3A_38 : i32
    %multiple_of3A_41 = tpu.assume_multiple %add3A_40, 256 : i32
    "tpu.region"() ({
      %run_scoped3A = tpu.sem_alloc : memref<!tpu.dma_semaphore, #tpu.memory_space<semaphore_mem>>
      %dma_start3A = arith.constant 0 : i32
      %dma_start3A_54 = tpu.memref_slice %arg3[%multiple_of3A_41, %dma_start3A] : memref<65536x128xf32, #tpu.memory_space<hbm>> -> memref<256x128xf32, #tpu.memory_space<hbm>>
      %dma_start3A_55 = arith.constant 0 : i32
      %dma_start3A_56 = tpu.memref_slice %arg3[%multiple_of3A_41, %dma_start3A_55] : memref<65536x128xf32, #tpu.memory_space<hbm>> -> memref<256x128xf32, #tpu.memory_space<hbm>>
      tpu.enqueue_dma source(%dma_start3A_56 : memref<256x128xf32, #tpu.memory_space<hbm>>) target(%arg11 : memref<256x128xf32, #tpu.memory_space<vmem>>) target_semaphore(%run_scoped3A : memref<!tpu.dma_semaphore, #tpu.memory_space<semaphore_mem>>)
      %dma_wait3A = arith.constant 0 : i32
      %dma_wait3A_57 = tpu.memref_slice %arg3[%multiple_of3A_41, %dma_wait3A] : memref<65536x128xf32, #tpu.memory_space<hbm>> -> memref<256x128xf32, #tpu.memory_space<hbm>>
      %dma_wait3A_58 = arith.constant 0 : i32
      %dma_wait3A_59 = tpu.memref_slice %arg3[%multiple_of3A_41, %dma_wait3A_58] : memref<65536x128xf32, #tpu.memory_space<hbm>> -> memref<256x128xf32, #tpu.memory_space<hbm>>
      tpu.wait_dma2 semaphore(%run_scoped3A : memref<!tpu.dma_semaphore, #tpu.memory_space<semaphore_mem>>) src(%dma_wait3A_59 : memref<256x128xf32, #tpu.memory_space<hbm>>) dst(%arg11 : memref<256x128xf32, #tpu.memory_space<vmem>>)
      tpu.yield
    }) : () -> ()
    %add3A_42 = arith.constant 0 : i32
    %add3A_43 = arith.addi %add3A_38, %add3A_42 : i32
    %multiple_of3A_44 = tpu.assume_multiple %add3A_43, 128 : i32
    "tpu.region"() ({
      %run_scoped3A = tpu.sem_alloc : memref<!tpu.dma_semaphore, #tpu.memory_space<semaphore_mem>>
      %dma_start3A = tpu.memref_slice %arg2[%multiple_of3A_44] : memref<32768xi32, #tpu.memory_space<hbm>> -> memref<128xi32, #tpu.memory_space<hbm>>
      %dma_start3A_54 = tpu.memref_slice %arg2[%multiple_of3A_44] : memref<32768xi32, #tpu.memory_space<hbm>> -> memref<128xi32, #tpu.memory_space<hbm>>
      tpu.enqueue_dma source(%dma_start3A_54 : memref<128xi32, #tpu.memory_space<hbm>>) target(%arg9 : memref<128xi32, #tpu.memory_space<vmem>>) target_semaphore(%run_scoped3A : memref<!tpu.dma_semaphore, #tpu.memory_space<semaphore_mem>>)
      %dma_wait3A = tpu.memref_slice %arg2[%multiple_of3A_44] : memref<32768xi32, #tpu.memory_space<hbm>> -> memref<128xi32, #tpu.memory_space<hbm>>
      %dma_wait3A_55 = tpu.memref_slice %arg2[%multiple_of3A_44] : memref<32768xi32, #tpu.memory_space<hbm>> -> memref<128xi32, #tpu.memory_space<hbm>>
      tpu.wait_dma2 semaphore(%run_scoped3A : memref<!tpu.dma_semaphore, #tpu.memory_space<semaphore_mem>>) src(%dma_wait3A_55 : memref<128xi32, #tpu.memory_space<hbm>>) dst(%arg9 : memref<128xi32, #tpu.memory_space<vmem>>)
      tpu.yield
    }) : () -> ()
    %add3A_45 = arith.constant 128 : i32
    %add3A_46 = arith.addi %add3A_38, %add3A_45 : i32
    %multiple_of3A_47 = tpu.assume_multiple %add3A_46, 128 : i32
    "tpu.region"() ({
      %run_scoped3A = tpu.sem_alloc : memref<!tpu.dma_semaphore, #tpu.memory_space<semaphore_mem>>
      %dma_start3A = tpu.memref_slice %arg2[%multiple_of3A_47] : memref<32768xi32, #tpu.memory_space<hbm>> -> memref<128xi32, #tpu.memory_space<hbm>>
      %dma_start3A_54 = tpu.memref_slice %arg2[%multiple_of3A_47] : memref<32768xi32, #tpu.memory_space<hbm>> -> memref<128xi32, #tpu.memory_space<hbm>>
      tpu.enqueue_dma source(%dma_start3A_54 : memref<128xi32, #tpu.memory_space<hbm>>) target(%arg10 : memref<128xi32, #tpu.memory_space<vmem>>) target_semaphore(%run_scoped3A : memref<!tpu.dma_semaphore, #tpu.memory_space<semaphore_mem>>)
      %dma_wait3A = tpu.memref_slice %arg2[%multiple_of3A_47] : memref<32768xi32, #tpu.memory_space<hbm>> -> memref<128xi32, #tpu.memory_space<hbm>>
      %dma_wait3A_55 = tpu.memref_slice %arg2[%multiple_of3A_47] : memref<32768xi32, #tpu.memory_space<hbm>> -> memref<128xi32, #tpu.memory_space<hbm>>
      tpu.wait_dma2 semaphore(%run_scoped3A : memref<!tpu.dma_semaphore, #tpu.memory_space<semaphore_mem>>) src(%dma_wait3A_55 : memref<128xi32, #tpu.memory_space<hbm>>) dst(%arg10 : memref<128xi32, #tpu.memory_space<vmem>>)
      tpu.yield
    }) : () -> ()
    "tpu.region"() ({
      %run_scoped3A = tpu.sem_alloc : memref<!tpu.dma_semaphore, #tpu.memory_space<semaphore_mem>>
      %dma_start3A = arith.constant 0 : i32
      %dma_start3A_54 = arith.constant 0 : i32
      %dma_start3A_55 = tpu.memref_slice %arg11[%dma_start3A, %dma_start3A_54] : memref<256x128xf32, #tpu.memory_space<vmem>> -> memref<128x128xf32, #tpu.memory_space<vmem>>
      %dma_start3A_56 = arith.constant 0 : i32
      %dma_start3A_57 = arith.constant 0 : i32
      %dma_start3A_58 = tpu.memref_slice %arg13[%dma_start3A_56, %dma_start3A_57] : memref<1008x128xf32, #tpu.memory_space<vmem_shared>> -> memref<1008x128xf32, #tpu.memory_space<vmem_shared>>
      tpu.enqueue_indirect_dma source(%dma_start3A_55 : memref<128x128xf32, #tpu.memory_space<vmem>>) target(%dma_start3A_58 : memref<1008x128xf32, #tpu.memory_space<vmem_shared>>) offsets(%arg9 : memref<128xi32, #tpu.memory_space<vmem>>) semaphore(%run_scoped3A : memref<!tpu.dma_semaphore, #tpu.memory_space<semaphore_mem>>) {add = true}
      %dma_wait3A = arith.constant 0 : i32
      %dma_wait3A_59 = arith.constant 0 : i32
      %dma_wait3A_60 = tpu.memref_slice %arg11[%dma_wait3A, %dma_wait3A_59] : memref<256x128xf32, #tpu.memory_space<vmem>> -> memref<128x128xf32, #tpu.memory_space<vmem>>
      %dma_wait3A_61 = arith.constant 0 : i32
      %dma_wait3A_62 = arith.constant 0 : i32
      %dma_wait3A_63 = tpu.memref_slice %arg13[%dma_wait3A_61, %dma_wait3A_62] : memref<1008x128xf32, #tpu.memory_space<vmem_shared>> -> memref<1008x128xf32, #tpu.memory_space<vmem_shared>>
      tpu.wait_indirect_dma semaphore(%run_scoped3A : memref<!tpu.dma_semaphore, #tpu.memory_space<semaphore_mem>>) src(%dma_wait3A_60 : memref<128x128xf32, #tpu.memory_space<vmem>>) dst(%dma_wait3A_63 : memref<1008x128xf32, #tpu.memory_space<vmem_shared>>)
      tpu.yield
    }) : () -> ()
    "tpu.region"() ({
      %run_scoped3A = tpu.sem_alloc : memref<!tpu.dma_semaphore, #tpu.memory_space<semaphore_mem>>
      %dma_start3A = arith.constant 0 : i32
      %dma_start3A_54 = arith.constant 0 : i32
      %dma_start3A_55 = tpu.memref_slice %arg12[%dma_start3A, %dma_start3A_54] : memref<256x128xf32, #tpu.memory_space<vmem>> -> memref<128x128xf32, #tpu.memory_space<vmem>>
      %dma_start3A_56 = arith.constant 0 : i32
      %dma_start3A_57 = arith.constant 0 : i32
      %dma_start3A_58 = tpu.memref_slice %arg14[%dma_start3A_56, %dma_start3A_57] : memref<1008x128xf32, #tpu.memory_space<vmem_shared>> -> memref<1008x128xf32, #tpu.memory_space<vmem_shared>>
      tpu.enqueue_indirect_dma source(%dma_start3A_55 : memref<128x128xf32, #tpu.memory_space<vmem>>) target(%dma_start3A_58 : memref<1008x128xf32, #tpu.memory_space<vmem_shared>>) offsets(%arg9 : memref<128xi32, #tpu.memory_space<vmem>>) semaphore(%run_scoped3A : memref<!tpu.dma_semaphore, #tpu.memory_space<semaphore_mem>>) {add = true}
      %dma_wait3A = arith.constant 0 : i32
      %dma_wait3A_59 = arith.constant 0 : i32
      %dma_wait3A_60 = tpu.memref_slice %arg12[%dma_wait3A, %dma_wait3A_59] : memref<256x128xf32, #tpu.memory_space<vmem>> -> memref<128x128xf32, #tpu.memory_space<vmem>>
      %dma_wait3A_61 = arith.constant 0 : i32
      %dma_wait3A_62 = arith.constant 0 : i32
      %dma_wait3A_63 = tpu.memref_slice %arg14[%dma_wait3A_61, %dma_wait3A_62] : memref<1008x128xf32, #tpu.memory_space<vmem_shared>> -> memref<1008x128xf32, #tpu.memory_space<vmem_shared>>
      tpu.wait_indirect_dma semaphore(%run_scoped3A : memref<!tpu.dma_semaphore, #tpu.memory_space<semaphore_mem>>) src(%dma_wait3A_60 : memref<128x128xf32, #tpu.memory_space<vmem>>) dst(%dma_wait3A_63 : memref<1008x128xf32, #tpu.memory_space<vmem_shared>>)
      tpu.yield
    }) : () -> ()
    "tpu.region"() ({
      %run_scoped3A = tpu.sem_alloc : memref<!tpu.dma_semaphore, #tpu.memory_space<semaphore_mem>>
      %dma_start3A = arith.constant 128 : i32
      %dma_start3A_54 = arith.constant 0 : i32
      %dma_start3A_55 = tpu.memref_slice %arg11[%dma_start3A, %dma_start3A_54] : memref<256x128xf32, #tpu.memory_space<vmem>> -> memref<128x128xf32, #tpu.memory_space<vmem>>
      %dma_start3A_56 = arith.constant 0 : i32
      %dma_start3A_57 = arith.constant 0 : i32
      %dma_start3A_58 = tpu.memref_slice %arg13[%dma_start3A_56, %dma_start3A_57] : memref<1008x128xf32, #tpu.memory_space<vmem_shared>> -> memref<1008x128xf32, #tpu.memory_space<vmem_shared>>
      tpu.enqueue_indirect_dma source(%dma_start3A_55 : memref<128x128xf32, #tpu.memory_space<vmem>>) target(%dma_start3A_58 : memref<1008x128xf32, #tpu.memory_space<vmem_shared>>) offsets(%arg10 : memref<128xi32, #tpu.memory_space<vmem>>) semaphore(%run_scoped3A : memref<!tpu.dma_semaphore, #tpu.memory_space<semaphore_mem>>) {add = true}
      %dma_wait3A = arith.constant 128 : i32
      %dma_wait3A_59 = arith.constant 0 : i32
      %dma_wait3A_60 = tpu.memref_slice %arg11[%dma_wait3A, %dma_wait3A_59] : memref<256x128xf32, #tpu.memory_space<vmem>> -> memref<128x128xf32, #tpu.memory_space<vmem>>
      %dma_wait3A_61 = arith.constant 0 : i32
      %dma_wait3A_62 = arith.constant 0 : i32
      %dma_wait3A_63 = tpu.memref_slice %arg13[%dma_wait3A_61, %dma_wait3A_62] : memref<1008x128xf32, #tpu.memory_space<vmem_shared>> -> memref<1008x128xf32, #tpu.memory_space<vmem_shared>>
      tpu.wait_indirect_dma semaphore(%run_scoped3A : memref<!tpu.dma_semaphore, #tpu.memory_space<semaphore_mem>>) src(%dma_wait3A_60 : memref<128x128xf32, #tpu.memory_space<vmem>>) dst(%dma_wait3A_63 : memref<1008x128xf32, #tpu.memory_space<vmem_shared>>)
      tpu.yield
    }) : () -> ()
    "tpu.region"() ({
      %run_scoped3A = tpu.sem_alloc : memref<!tpu.dma_semaphore, #tpu.memory_space<semaphore_mem>>
      %dma_start3A = arith.constant 128 : i32
      %dma_start3A_54 = arith.constant 0 : i32
      %dma_start3A_55 = tpu.memref_slice %arg12[%dma_start3A, %dma_start3A_54] : memref<256x128xf32, #tpu.memory_space<vmem>> -> memref<128x128xf32, #tpu.memory_space<vmem>>
      %dma_start3A_56 = arith.constant 0 : i32
      %dma_start3A_57 = arith.constant 0 : i32
      %dma_start3A_58 = tpu.memref_slice %arg14[%dma_start3A_56, %dma_start3A_57] : memref<1008x128xf32, #tpu.memory_space<vmem_shared>> -> memref<1008x128xf32, #tpu.memory_space<vmem_shared>>
      tpu.enqueue_indirect_dma source(%dma_start3A_55 : memref<128x128xf32, #tpu.memory_space<vmem>>) target(%dma_start3A_58 : memref<1008x128xf32, #tpu.memory_space<vmem_shared>>) offsets(%arg10 : memref<128xi32, #tpu.memory_space<vmem>>) semaphore(%run_scoped3A : memref<!tpu.dma_semaphore, #tpu.memory_space<semaphore_mem>>) {add = true}
      %dma_wait3A = arith.constant 128 : i32
      %dma_wait3A_59 = arith.constant 0 : i32
      %dma_wait3A_60 = tpu.memref_slice %arg12[%dma_wait3A, %dma_wait3A_59] : memref<256x128xf32, #tpu.memory_space<vmem>> -> memref<128x128xf32, #tpu.memory_space<vmem>>
      %dma_wait3A_61 = arith.constant 0 : i32
      %dma_wait3A_62 = arith.constant 0 : i32
      %dma_wait3A_63 = tpu.memref_slice %arg14[%dma_wait3A_61, %dma_wait3A_62] : memref<1008x128xf32, #tpu.memory_space<vmem_shared>> -> memref<1008x128xf32, #tpu.memory_space<vmem_shared>>
      tpu.wait_indirect_dma semaphore(%run_scoped3A : memref<!tpu.dma_semaphore, #tpu.memory_space<semaphore_mem>>) src(%dma_wait3A_60 : memref<128x128xf32, #tpu.memory_space<vmem>>) dst(%dma_wait3A_63 : memref<1008x128xf32, #tpu.memory_space<vmem_shared>>)
      tpu.yield
    }) : () -> ()
    %barrier3A_48 = arith.constant 0 : index
    tpu.barrier barrier_id(%barrier3A_48)
    %eq3A_49 = arith.constant 0 : i32
    %eq3A_50 = arith.cmpi eq, %arg1, %eq3A_49 : i32
    %convert_element_type3A_51 = arith.extui %eq3A_50 : i1 to i32
    %cond3A_52 = arith.constant 0 : i32
    %cond3A_53 = arith.cmpi ne, %convert_element_type3A_51, %cond3A_52 : i32
    scf.if %cond3A_53 {
      "tpu.region"() ({
        %run_scoped3A = tpu.sem_alloc : memref<!tpu.dma_semaphore, #tpu.memory_space<semaphore_mem>>
        %dma_start3A = arith.constant 0 : i32
        %dma_start3A_54 = arith.constant 0 : i32
        %dma_start3A_55 = tpu.memref_slice %arg7[%arg0, %dma_start3A, %dma_start3A_54] : memref<2x1008x128xf32, #tpu.memory_space<hbm>> -> memref<1x1008x128xf32, #tpu.memory_space<hbm>>
        %dma_start3A_56 = tpu.memref_squeeze %dma_start3A_55 : memref<1x1008x128xf32, #tpu.memory_space<hbm>> -> memref<1008x128xf32, #tpu.memory_space<hbm>>
        tpu.enqueue_dma source(%arg13 : memref<1008x128xf32, #tpu.memory_space<vmem_shared>>) target(%dma_start3A_56 : memref<1008x128xf32, #tpu.memory_space<hbm>>) target_semaphore(%run_scoped3A : memref<!tpu.dma_semaphore, #tpu.memory_space<semaphore_mem>>)
        %dma_wait3A = arith.constant 0 : i32
        %dma_wait3A_57 = arith.constant 0 : i32
        %dma_wait3A_58 = tpu.memref_slice %arg7[%arg0, %dma_wait3A, %dma_wait3A_57] : memref<2x1008x128xf32, #tpu.memory_space<hbm>> -> memref<1x1008x128xf32, #tpu.memory_space<hbm>>
        %dma_wait3A_59 = tpu.memref_squeeze %dma_wait3A_58 : memref<1x1008x128xf32, #tpu.memory_space<hbm>> -> memref<1008x128xf32, #tpu.memory_space<hbm>>
        tpu.wait_dma2 semaphore(%run_scoped3A : memref<!tpu.dma_semaphore, #tpu.memory_space<semaphore_mem>>) src(%arg13 : memref<1008x128xf32, #tpu.memory_space<vmem_shared>>) dst(%dma_wait3A_59 : memref<1008x128xf32, #tpu.memory_space<hbm>>)
        tpu.yield
      }) : () -> ()
      "tpu.region"() ({
        %run_scoped3A = tpu.sem_alloc : memref<!tpu.dma_semaphore, #tpu.memory_space<semaphore_mem>>
        %dma_start3A = arith.constant 0 : i32
        %dma_start3A_54 = arith.constant 0 : i32
        %dma_start3A_55 = tpu.memref_slice %arg8[%arg0, %dma_start3A, %dma_start3A_54] : memref<2x1008x128xf32, #tpu.memory_space<hbm>> -> memref<1x1008x128xf32, #tpu.memory_space<hbm>>
        %dma_start3A_56 = tpu.memref_squeeze %dma_start3A_55 : memref<1x1008x128xf32, #tpu.memory_space<hbm>> -> memref<1008x128xf32, #tpu.memory_space<hbm>>
        tpu.enqueue_dma source(%arg14 : memref<1008x128xf32, #tpu.memory_space<vmem_shared>>) target(%dma_start3A_56 : memref<1008x128xf32, #tpu.memory_space<hbm>>) target_semaphore(%run_scoped3A : memref<!tpu.dma_semaphore, #tpu.memory_space<semaphore_mem>>)
        %dma_wait3A = arith.constant 0 : i32
        %dma_wait3A_57 = arith.constant 0 : i32
        %dma_wait3A_58 = tpu.memref_slice %arg8[%arg0, %dma_wait3A, %dma_wait3A_57] : memref<2x1008x128xf32, #tpu.memory_space<hbm>> -> memref<1x1008x128xf32, #tpu.memory_space<hbm>>
        %dma_wait3A_59 = tpu.memref_squeeze %dma_wait3A_58 : memref<1x1008x128xf32, #tpu.memory_space<hbm>> -> memref<1008x128xf32, #tpu.memory_space<hbm>>
        tpu.wait_dma2 semaphore(%run_scoped3A : memref<!tpu.dma_semaphore, #tpu.memory_space<semaphore_mem>>) src(%arg14 : memref<1008x128xf32, #tpu.memory_space<vmem_shared>>) dst(%dma_wait3A_59 : memref<1008x128xf32, #tpu.memory_space<hbm>>)
        tpu.yield
      }) : () -> ()
    } else {
    }
    return
  }
}

module attributes {stable_mosaic.version = 14 : i64} {
  func.func @_labels_body(%arg0: i32, %arg1: memref<2048x1000xf32, #tpu.memory_space<vmem>>, %arg2: memref<1x1x2048xi32, #tpu.memory_space<vmem>>, %arg3: memref<1x1x2048xi32, #tpu.memory_space<vmem>>) attributes {dimension_semantics = [#tpu.dimension_semantics<arbitrary>], iteration_bounds = array<i64: 16>, scalar_prefetch = 0 : i64, scratch_operands = 0 : i64, tpu.core_type = #tpu.core_type<tc>, window_params = [{transform_indices = @transform_0, window_bounds = array<i64: 2048, 1000>}, {transform_indices = @transform_1, window_bounds = array<i64: 1, 1, 2048>}, {transform_indices = @transform_2, window_bounds = array<i64: 1, 1, 2048>}]} {
    %get3A = arith.constant 0 : index
    %get3A_0 = arith.constant 0 : index
    %get3A_1 = vector.load %arg1[%get3A, %get3A_0] : memref<2048x1000xf32, #tpu.memory_space<vmem>>, vector<2048x1000xf32>
    %reduce_max3A = arith.constant dense<0xFF800000> : vector<2048xf32>
    %reduce_max3A_2 = vector.multi_reduction <maximumf>, %get3A_1, %reduce_max3A [1] : vector<2048x1000xf32> to vector<2048xf32>
    %broadcast_in_dim3A = vector.shape_cast %reduce_max3A_2 : vector<2048xf32> to vector<2048x1xf32>
    %iota3A = tpu.iota {dimensions = array<i32: 1>} : vector<2048x1000xi32>
    %eq3A = vector.broadcast %broadcast_in_dim3A : vector<2048x1xf32> to vector<2048x1000xf32>
    %eq3A_3 = arith.cmpf oeq, %get3A_1, %eq3A : vector<2048x1000xf32>
    %jit3A = arith.constant 1000 : i32
    %broadcast_in_dim3A_4 = vector.broadcast %jit3A : i32 to vector<2048x1000xi32>
    %select_n3A = arith.select %eq3A_3, %iota3A, %broadcast_in_dim3A_4 : vector<2048x1000xi1>, vector<2048x1000xi32>
    %reduce_min3A = arith.constant dense<2147483647> : vector<2048xi32>
    %reduce_min3A_5 = vector.multi_reduction <minsi>, %select_n3A, %reduce_min3A [1] : vector<2048x1000xi32> to vector<2048xi32>
    %get3A_6 = arith.constant 0 : index
    %get3A_7 = arith.constant 0 : index
    %get3A_8 = arith.constant 0 : index
    %get3A_9 = vector.load %arg2[%get3A_6, %get3A_7, %get3A_8] : memref<1x1x2048xi32, #tpu.memory_space<vmem>>, vector<1x1x2048xi32>
    %get3A_10 = vector.shape_cast %get3A_9 : vector<1x1x2048xi32> to vector<2048xi32>
    %gt3A = arith.constant 0 : i32
    %gt3A_11 = vector.broadcast %gt3A : i32 to vector<2048xi32>
    %gt3A_12 = arith.cmpi sgt, %get3A_10, %gt3A_11 : vector<2048xi32>
    %jit3A_13 = arith.constant 1000 : i32
    %broadcast_in_dim3A_14 = vector.broadcast %jit3A_13 : i32 to vector<2048xi32>
    %select_n3A_15 = arith.select %gt3A_12, %reduce_min3A_5, %broadcast_in_dim3A_14 : vector<2048xi1>, vector<2048xi32>
    %reshape3A = vector.shape_cast %select_n3A_15 : vector<2048xi32> to vector<1x1x2048xi32>
    %squeeze3A = vector.shape_cast %reshape3A : vector<1x1x2048xi32> to vector<2048xi32>
    %swap3A = arith.constant 0 : index
    %swap3A_16 = arith.constant 0 : index
    %swap3A_17 = arith.constant 0 : index
    %swap3A_18 = vector.load %arg3[%swap3A, %swap3A_16, %swap3A_17] : memref<1x1x2048xi32, #tpu.memory_space<vmem>>, vector<1x1x2048xi32>
    %swap3A_19 = vector.shape_cast %swap3A_18 : vector<1x1x2048xi32> to vector<2048xi32>
    %swap3A_20 = vector.shape_cast %squeeze3A : vector<2048xi32> to vector<1x1x2048xi32>
    tpu.vector_store %arg3[%swap3A, %swap3A_16, %swap3A_17], %swap3A_20 {strides = array<i32>} : memref<1x1x2048xi32, #tpu.memory_space<vmem>>, vector<1x1x2048xi32>,
    return
  }
  func.func @transform_0(%arg0: i32) -> (i32, i32) {
    %add3A = arith.constant 16 : i32
    %add3A_0 = arith.addi %arg0, %add3A : i32
    %c0_i32 = arith.constant 0 : i32
    %c0_i32_1 = arith.constant 0 : i32
    return %add3A_0, %c0_i32 : i32, i32
  }
  func.func @transform_1(%arg0: i32) -> (i32, i32, i32) {
    %c0_i32 = arith.constant 0 : i32
    %c0_i32_0 = arith.constant 0 : i32
    %c0_i32_1 = arith.constant 0 : i32
    return %arg0, %c0_i32, %c0_i32_0 : i32, i32, i32
  }
  func.func @transform_2(%arg0: i32) -> (i32, i32, i32) {
    %c0_i32 = arith.constant 0 : i32
    %c0_i32_0 = arith.constant 0 : i32
    %c0_i32_1 = arith.constant 0 : i32
    return %arg0, %c0_i32, %c0_i32_0 : i32, i32, i32
  }
}

module attributes {stable_mosaic.version = 14 : i64} {
  func.func @_labels_body(%arg0: i32, %arg1: memref<2048x1000xf32, #tpu.memory_space<vmem>>, %arg2: memref<1x1x2048xi32, #tpu.memory_space<vmem>>, %arg3: memref<1x1x2048xi32, #tpu.memory_space<vmem>>) attributes {dimension_semantics = [#tpu.dimension_semantics<arbitrary>], iteration_bounds = array<i64: 16>, scalar_prefetch = 0 : i64, scratch_operands = 0 : i64, tpu.core_type = #tpu.core_type<tc>, window_params = [{transform_indices = @transform_0, window_bounds = array<i64: 2048, 1000>}, {transform_indices = @transform_1, window_bounds = array<i64: 1, 1, 2048>}, {transform_indices = @transform_2, window_bounds = array<i64: 1, 1, 2048>}]} {
    %get3A = arith.constant 0 : index
    %get3A_0 = arith.constant 0 : index
    %get3A_1 = vector.load %arg1[%get3A, %get3A_0] : memref<2048x1000xf32, #tpu.memory_space<vmem>>, vector<2048x1000xf32>
    %reduce_max3A = arith.constant dense<0xFF800000> : vector<2048xf32>
    %reduce_max3A_2 = vector.multi_reduction <maximumf>, %get3A_1, %reduce_max3A [1] : vector<2048x1000xf32> to vector<2048xf32>
    %broadcast_in_dim3A = vector.shape_cast %reduce_max3A_2 : vector<2048xf32> to vector<2048x1xf32>
    %iota3A = tpu.iota {dimensions = array<i32: 1>} : vector<2048x1000xi32>
    %eq3A = vector.broadcast %broadcast_in_dim3A : vector<2048x1xf32> to vector<2048x1000xf32>
    %eq3A_3 = arith.cmpf oeq, %get3A_1, %eq3A : vector<2048x1000xf32>
    %jit3A = arith.constant 1000 : i32
    %broadcast_in_dim3A_4 = vector.broadcast %jit3A : i32 to vector<2048x1000xi32>
    %select_n3A = arith.select %eq3A_3, %iota3A, %broadcast_in_dim3A_4 : vector<2048x1000xi1>, vector<2048x1000xi32>
    %reduce_min3A = arith.constant dense<2147483647> : vector<2048xi32>
    %reduce_min3A_5 = vector.multi_reduction <minsi>, %select_n3A, %reduce_min3A [1] : vector<2048x1000xi32> to vector<2048xi32>
    %get3A_6 = arith.constant 0 : index
    %get3A_7 = arith.constant 0 : index
    %get3A_8 = arith.constant 0 : index
    %get3A_9 = vector.load %arg2[%get3A_6, %get3A_7, %get3A_8] : memref<1x1x2048xi32, #tpu.memory_space<vmem>>, vector<1x1x2048xi32>
    %get3A_10 = vector.shape_cast %get3A_9 : vector<1x1x2048xi32> to vector<2048xi32>
    %gt3A = arith.constant 0 : i32
    %gt3A_11 = vector.broadcast %gt3A : i32 to vector<2048xi32>
    %gt3A_12 = arith.cmpi sgt, %get3A_10, %gt3A_11 : vector<2048xi32>
    %jit3A_13 = arith.constant 1000 : i32
    %broadcast_in_dim3A_14 = vector.broadcast %jit3A_13 : i32 to vector<2048xi32>
    %select_n3A_15 = arith.select %gt3A_12, %reduce_min3A_5, %broadcast_in_dim3A_14 : vector<2048xi1>, vector<2048xi32>
    %reshape3A = vector.shape_cast %select_n3A_15 : vector<2048xi32> to vector<1x1x2048xi32>
    %squeeze3A = vector.shape_cast %reshape3A : vector<1x1x2048xi32> to vector<2048xi32>
    %swap3A = arith.constant 0 : index
    %swap3A_16 = arith.constant 0 : index
    %swap3A_17 = arith.constant 0 : index
    %swap3A_18 = vector.load %arg3[%swap3A, %swap3A_16, %swap3A_17] : memref<1x1x2048xi32, #tpu.memory_space<vmem>>, vector<1x1x2048xi32>
    %swap3A_19 = vector.shape_cast %swap3A_18 : vector<1x1x2048xi32> to vector<2048xi32>
    %swap3A_20 = vector.shape_cast %squeeze3A : vector<2048xi32> to vector<1x1x2048xi32>
    tpu.vector_store %arg3[%swap3A, %swap3A_16, %swap3A_17], %swap3A_20 {strides = array<i32>} : memref<1x1x2048xi32, #tpu.memory_space<vmem>>, vector<1x1x2048xi32>,
    return
  }
  func.func @transform_0(%arg0: i32) -> (i32, i32) {
    %add3A = arith.constant 0 : i32
    %add3A_0 = arith.addi %arg0, %add3A : i32
    %c0_i32 = arith.constant 0 : i32
    %c0_i32_1 = arith.constant 0 : i32
    return %add3A_0, %c0_i32 : i32, i32
  }
  func.func @transform_1(%arg0: i32) -> (i32, i32, i32) {
    %c0_i32 = arith.constant 0 : i32
    %c0_i32_0 = arith.constant 0 : i32
    %c0_i32_1 = arith.constant 0 : i32
    return %arg0, %c0_i32, %c0_i32_0 : i32, i32, i32
  }
  func.func @transform_2(%arg0: i32) -> (i32, i32, i32) {
    %c0_i32 = arith.constant 0 : i32
    %c0_i32_0 = arith.constant 0 : i32
    %c0_i32_1 = arith.constant 0 : i32
    return %arg0, %c0_i32, %c0_i32_0 : i32, i32, i32
  }
}

module attributes {stable_mosaic.version = 14 : i64} {
  func.func @_final_body(%arg0: memref<2x1008x128xf32, #tpu.memory_space<vmem>>, %arg1: memref<2x1008x128xf32, #tpu.memory_space<vmem>>, %arg2: memref<2x1008x128xf32, #tpu.memory_space<vmem>>, %arg3: memref<2x1008x128xf32, #tpu.memory_space<vmem>>, %arg4: memref<1008x128xf32, #tpu.memory_space<vmem>>, %arg5: memref<1x1xf32, #tpu.memory_space<vmem>>) attributes {dimension_semantics = [], scalar_prefetch = 0 : i64, scratch_operands = 0 : i64, tpu.core_type = #tpu.core_type<tc>} {
    %get3A = arith.constant 0 : index
    %get3A_0 = arith.constant 0 : index
    %get3A_1 = arith.constant 0 : index
    %get3A_2 = vector.load %arg0[%get3A, %get3A_0, %get3A_1] : memref<2x1008x128xf32, #tpu.memory_space<vmem>>, vector<1x1008x128xf32>
    %get3A_3 = vector.shape_cast %get3A_2 : vector<1x1008x128xf32> to vector<1008x128xf32>
    %get3A_4 = arith.constant 1 : index
    %get3A_5 = arith.constant 0 : index
    %get3A_6 = arith.constant 0 : index
    %get3A_7 = vector.load %arg0[%get3A_4, %get3A_5, %get3A_6] : memref<2x1008x128xf32, #tpu.memory_space<vmem>>, vector<1x1008x128xf32>
    %get3A_8 = vector.shape_cast %get3A_7 : vector<1x1008x128xf32> to vector<1008x128xf32>
    %add3A = arith.addf %get3A_3, %get3A_8 : vector<1008x128xf32>
    %get3A_9 = arith.constant 0 : index
    %get3A_10 = arith.constant 0 : index
    %get3A_11 = arith.constant 0 : index
    %get3A_12 = vector.load %arg1[%get3A_9, %get3A_10, %get3A_11] : memref<2x1008x128xf32, #tpu.memory_space<vmem>>, vector<1x1008x128xf32>
    %get3A_13 = vector.shape_cast %get3A_12 : vector<1x1008x128xf32> to vector<1008x128xf32>
    %add3A_14 = arith.addf %add3A, %get3A_13 : vector<1008x128xf32>
    %get3A_15 = arith.constant 1 : index
    %get3A_16 = arith.constant 0 : index
    %get3A_17 = arith.constant 0 : index
    %get3A_18 = vector.load %arg1[%get3A_15, %get3A_16, %get3A_17] : memref<2x1008x128xf32, #tpu.memory_space<vmem>>, vector<1x1008x128xf32>
    %get3A_19 = vector.shape_cast %get3A_18 : vector<1x1008x128xf32> to vector<1008x128xf32>
    %add3A_20 = arith.addf %add3A_14, %get3A_19 : vector<1008x128xf32>
    %get3A_21 = arith.constant 0 : index
    %get3A_22 = arith.constant 0 : index
    %get3A_23 = arith.constant 0 : index
    %get3A_24 = vector.load %arg2[%get3A_21, %get3A_22, %get3A_23] : memref<2x1008x128xf32, #tpu.memory_space<vmem>>, vector<1x1008x1xf32>
    %get3A_25 = vector.shape_cast %get3A_24 : vector<1x1008x1xf32> to vector<1008xf32>
    %get3A_26 = arith.constant 1 : index
    %get3A_27 = arith.constant 0 : index
    %get3A_28 = arith.constant 0 : index
    %get3A_29 = vector.load %arg2[%get3A_26, %get3A_27, %get3A_28] : memref<2x1008x128xf32, #tpu.memory_space<vmem>>, vector<1x1008x1xf32>
    %get3A_30 = vector.shape_cast %get3A_29 : vector<1x1008x1xf32> to vector<1008xf32>
    %add3A_31 = arith.addf %get3A_25, %get3A_30 : vector<1008xf32>
    %get3A_32 = arith.constant 0 : index
    %get3A_33 = arith.constant 0 : index
    %get3A_34 = arith.constant 0 : index
    %get3A_35 = vector.load %arg3[%get3A_32, %get3A_33, %get3A_34] : memref<2x1008x128xf32, #tpu.memory_space<vmem>>, vector<1x1008x1xf32>
    %get3A_36 = vector.shape_cast %get3A_35 : vector<1x1008x1xf32> to vector<1008xf32>
    %add3A_37 = arith.addf %add3A_31, %get3A_36 : vector<1008xf32>
    %get3A_38 = arith.constant 1 : index
    %get3A_39 = arith.constant 0 : index
    %get3A_40 = arith.constant 0 : index
    %get3A_41 = vector.load %arg3[%get3A_38, %get3A_39, %get3A_40] : memref<2x1008x128xf32, #tpu.memory_space<vmem>>, vector<1x1008x1xf32>
    %get3A_42 = vector.shape_cast %get3A_41 : vector<1x1008x1xf32> to vector<1008xf32>
    %add3A_43 = arith.addf %add3A_37, %get3A_42 : vector<1008xf32>
    %iota3A = tpu.iota {dimensions = array<i32: 1>} : vector<1x1008xi32>
    %iota3A_44 = vector.shape_cast %iota3A : vector<1x1008xi32> to vector<1008xi32>
    %gt3A = arith.constant 0.000000e+00 : f32
    %gt3A_45 = vector.broadcast %gt3A : f32 to vector<1008xf32>
    %gt3A_46 = arith.cmpf ogt, %add3A_43, %gt3A_45 : vector<1008xf32>
    %lt3A = arith.constant 1000 : i32
    %lt3A_47 = vector.broadcast %lt3A : i32 to vector<1008xi32>
    %lt3A_48 = arith.cmpi slt, %iota3A_44, %lt3A_47 : vector<1008xi32>
    %and3A = arith.andi %gt3A_46, %lt3A_48 : vector<1008xi1>
    %gt3A_49 = arith.constant 0.000000e+00 : f32
    %gt3A_50 = vector.broadcast %gt3A_49 : f32 to vector<1008xf32>
    %gt3A_51 = arith.cmpf ogt, %add3A_43, %gt3A_50 : vector<1008xf32>
    %jit3A = arith.constant 1.000000e+00 : f32
    %broadcast_in_dim3A = vector.broadcast %jit3A : f32 to vector<1008xf32>
    %select_n3A = arith.select %gt3A_51, %add3A_43, %broadcast_in_dim3A : vector<1008xi1>, vector<1008xf32>
    %broadcast_in_dim3A_52 = vector.shape_cast %select_n3A : vector<1008xf32> to vector<1008x1xf32>
    %div3A = vector.broadcast %broadcast_in_dim3A_52 : vector<1008x1xf32> to vector<1008x128xf32>
    %div3A_53 = arith.divf %add3A_20, %div3A : vector<1008x128xf32>
    %get3A_54 = arith.constant 0 : index
    %get3A_55 = arith.constant 0 : index
    %get3A_56 = vector.load %arg4[%get3A_54, %get3A_55] : memref<1008x128xf32, #tpu.memory_space<vmem>>, vector<1008x128xf32>
    %mul3A = arith.mulf %div3A_53, %get3A_56 : vector<1008x128xf32>
    %reduce_sum3A = arith.constant dense<0.000000e+00> : vector<1008xf32>
    %reduce_sum3A_57 = vector.multi_reduction <add>, %mul3A, %reduce_sum3A [1] : vector<1008x128xf32> to vector<1008xf32>
    %convert_element_type3A = arith.extui %and3A : vector<1008xi1> to vector<1008xi32>
    %convert_element_type3A_58 = arith.sitofp %convert_element_type3A : vector<1008xi32> to vector<1008xf32>
    %reduce_sum3A_59 = vector.shape_cast %convert_element_type3A_58 : vector<1008xf32> to vector<1x1008xf32>
    %reduce_sum3A_60 = arith.constant dense<0.000000e+00> : vector<1xf32>
    %reduce_sum3A_61 = vector.multi_reduction <add>, %reduce_sum3A_59, %reduce_sum3A_60 [1] : vector<1x1008xf32> to vector<1xf32>
    %reduce_sum3A_62 = vector.shape_cast %reduce_sum3A_61 : vector<1xf32> to vector<1x1xf32>
    %reduce_sum3A_63 = vector.extract %reduce_sum3A_62[0, 0] : f32 from vector<1x1xf32>
    %jit3A_64 = arith.constant 0.000000e+00 : f32
    %broadcast_in_dim3A_65 = vector.broadcast %jit3A_64 : f32 to vector<1008xf32>
    %select_n3A_66 = arith.select %and3A, %reduce_sum3A_57, %broadcast_in_dim3A_65 : vector<1008xi1>, vector<1008xf32>
    %reduce_sum3A_67 = vector.shape_cast %select_n3A_66 : vector<1008xf32> to vector<1x1008xf32>
    %reduce_sum3A_68 = arith.constant dense<0.000000e+00> : vector<1xf32>
    %reduce_sum3A_69 = vector.multi_reduction <add>, %reduce_sum3A_67, %reduce_sum3A_68 [1] : vector<1x1008xf32> to vector<1xf32>
    %reduce_sum3A_70 = vector.shape_cast %reduce_sum3A_69 : vector<1xf32> to vector<1x1xf32>
    %reduce_sum3A_71 = vector.extract %reduce_sum3A_70[0, 0] : f32 from vector<1x1xf32>
    %max3A = arith.constant 1.000000e+00 : f32
    %max3A_72 = arith.maximumf %reduce_sum3A_63, %max3A : f32
    %div3A_73 = arith.divf %reduce_sum3A_71, %max3A_72 : f32
    %reshape3A = vector.broadcast %div3A_73 : f32 to vector<1x1xf32>
    %swap3A = arith.constant 0 : index
    %swap3A_74 = arith.constant 0 : index
    %swap3A_75 = vector.load %arg5[%swap3A, %swap3A_74] : memref<1x1xf32, #tpu.memory_space<vmem>>, vector<1x1xf32>
    tpu.vector_store %arg5[%swap3A, %swap3A_74], %reshape3A {strides = array<i32>} : memref<1x1xf32, #tpu.memory_space<vmem>>, vector<1x1xf32>,
    return
  }
}

</mosaic_0001>

<sc_bundles>
// kernel: kernel.10.cloned.1.call-start
scs
__scs_entry_jumppad:
0x0: {  	(pc) =	sbr.rel $0x88, $3  }
0x1: {  	(tag) =	ssettag $0x0;
	lr =	simm.s32 $0x1  }
0x2: {  	[smem:$0x3F9D] =	sst lr;
	_ =	strace $0xD0000000  }
0x3: {  	_ = 	snop  }
0x4: {  	_ = 	snop  }
0x5: {  	_ = 	snop  }
0x6: {  	_ = 	snop  }
0x7: {  	_ = 	snop  }
__scs_overlays_trampoline_lowered:
0x8: {  	[smem:$0x3FAC] =	sst s0  }
0x9: {  	[smem:$0x3FAD] =	sst s1  }
0xa: {  	[smem:$0x3FAE] =	sst s2  }
0xb: {  	[smem:$0x3FAF] =	sst s3  }
0xc: {  	[smem:$0x3FB0] =	sst s4  }
0xd: {  	[smem:$0x3FB1] =	sst s5  }
0xe: {  	[smem:$0x3FB2] =	sst s6  }
0xf: {  	[smem:$0x3FB3] =	sst s7  }
0x10: {  	[smem:$0x3FB4] =	sst s8  }
0x11: {  	[smem:$0x3FB5] =	sst s9;
	s0 =	simm.s32 @!p0 $0x0  }
0x12: {  	s1 =	sld [smem:$0x3F9B];
	s0 =	simm.s32 @p0 $0x1  }
0x13: {  	[smem:$0x3FB6] =	sst s0;
	s0 =	simm.s32 @!p1 $0x0  }
0x14: {  	s2 =	sld [smem:$0x3F9A];
	s0 =	simm.s32 @p1 $0x1  }
0x15: {  	[smem:$0x3FB7] =	sst s0;
	s0 =	simm.s32 @!p2 $0x0  }
0x16: {  	s3 =	sld [smem:$0x3FDB];
	s0 =	simm.s32 @p2 $0x1  }
0x17: {  	s4 =	simm.s32 $0x1BF5;
	[smem:$0x3FB9] =	sst s0  }
0x18: {  	s0 =	sld [smem:$0x3F9C];
	_ =	swait.ge [sflag:s4], $0x0  }
0x19: {  	s7 =	sld [smem:$0x3F9D]  }
0x1a: {  	s8 =	sadd.s32 $0xFFFFE003, lr  }
0x1b: {  	s9 =	sadd.s32 $0xFFFFFEF7, lr;
	s5 =	simm.s32 $0xFFFFFFFF;
	p2 =	slt.u32 s8, $0xFFFFF086  }
0x1c: {  	p1 =	slt.u32 s9, $0xF7A;
	s5 =	simm.s32 @!p2 $0x0  }
0x1d: {  	s5 =	simm.s32 @p1 $0x1;
	p0 =	seq.s32 s7, s2  }
0x1e: {  	s7 =	smul.u32 @!p0 $0xF7A, s2;
	p2 =	seq.s32 @!p0 s5, $0x0  }
0x1f: {  	s9 =	smul.u32 $0xF7A, s1;
	s8 =	simm.s32 @!p0 $0x1BF5;
	p2 =	por !p2, p0  }
0x20: {  	[sflag:s8] =	ssyncset.s32 @!p0 $0xFFFFF086;
	s6 =	sadd.s32 @!p0 s3, s7;
	s7 =	simm.s32 @!p0 $0x108  }
0x21: {  	s3 =	sadd.s32 s3, s9;
	s6 =	sadd.s32 @!p0 $0x88, s6;
	s7 =	simm.s32 @p2 $0x1082  }
0x22: {  	[simem:s7], [sflag:s8] =	dma.local @!p0 [hbm:s6], $0xF7A  }
0x23: {  	s9 =	sor.u32 $0xD0000000, s2;
	s6 =	simm.s32 $0x108;
	_ =	swait.ge @!p0 [sflag:s8], $0x0  }
0x24: {  	s3 =	sadd.s32 $0x88, s3;
	s6 =	simm.s32 @!p1 $0x1082;
	[sflag:s4] =	ssyncset.s32 $0xFFFFF086  }
0x25: {  	[simem:s6], [sflag:s4] =	dma.local [hbm:s3], $0xF7A  }
0x26: {  	[smem:$0x3F9D] =	sst s1;
	(tag) =	ssettag s2;
	_ =	strace s9  }
0x27: {  	s1 =	sld [smem:$0x3FAD]  }
0x28: {  	s2 =	sld [smem:$0x3FAE]  }
0x29: {  	s4 =	sld [smem:$0x3FB0]  }
0x2a: {  	p0 =	seq.s32 s5, $0x0;
	s5 =	sld [smem:$0x3FB1]  }
0x2b: {  	s6 =	sld [smem:$0x3FB2]  }
0x2c: {  	s7 =	sld [smem:$0x3FB3]  }
0x2d: {  	s3 =	simm.s32 $0x108;
	s8 =	sld [smem:$0x3FB4]  }
0x2e: {  	s3 =	simm.s32 @!p0 $0x1082;
	s9 =	sld [smem:$0x3FB5]  }
0x2f: {  	lr =	sadd.s32 s0, s3;
	s0 =	sld [smem:$0x3FAC]  }
0x30: {  	s3 =	sld [smem:$0x3FAF]  }
0x31: {  	[smem:$0x3FB8] =	sst s10  }
0x32: {  	s10 =	sld [smem:$0x3FB6];
	_ =	sdelay $0x3  }
0x33: {  	p0 =	seq.s32 s10, $0x1;
	s10 =	sld [smem:$0x3FB8];
	_ =	sdelay $0x3  }
0x34: {  	[smem:$0x3FB8] =	sst s10  }
0x35: {  	s10 =	sld [smem:$0x3FB7];
	_ =	sdelay $0x3  }
0x36: {  	p1 =	seq.s32 s10, $0x1;
	s10 =	sld [smem:$0x3FB8];
	_ =	sdelay $0x3  }
0x37: {  	[smem:$0x3FB8] =	sst s10  }
0x38: {  	s10 =	sld [smem:$0x3FB9]  }
0x39: {  	_ = 	snop;
	(pc) =	sbr.ind lr, $3  }
0x3a: {  	_ = 	snop  }
0x3b: {  	_ = 	snop  }
0x3c: {  	p2 =	seq.s32 s10, $0x1;
	s10 =	sld [smem:$0x3FB8]  }
0x3d: {  	_ =	shalt  }
0x3e: {  	_ =	shalt  }
0x3f: {  	_ =	shalt  }
0x40: {  	_ =	shalt  }
0x41: {  	_ =	shalt  }
0x42: {  	_ =	shalt  }
0x43: {  	_ =	shalt  }
0x44: {  	_ =	shalt  }
0x45: {  	_ =	shalt  }
0x46: {  	_ =	shalt  }
0x47: {  	_ =	shalt  }
0x48: {  	_ =	shalt  }
0x49: {  	_ =	shalt  }
0x4a: {  	_ =	shalt  }
0x4b: {  	_ =	shalt  }
0x4c: {  	_ =	shalt  }
0x4d: {  	_ =	shalt  }
0x4e: {  	_ =	shalt  }
0x4f: {  	_ =	shalt  }
0x50: {  	_ =	shalt  }
0x51: {  	_ =	shalt  }
0x52: {  	_ =	shalt  }
0x53: {  	_ =	shalt  }
0x54: {  	_ =	shalt  }
0x55: {  	_ =	shalt  }
0x56: {  	_ =	shalt  }
0x57: {  	_ =	shalt  }
0x58: {  	_ =	shalt  }
0x59: {  	_ =	shalt  }
0x5a: {  	_ =	shalt  }
0x5b: {  	_ =	shalt  }
0x5c: {  	_ =	shalt  }
0x5d: {  	_ =	shalt  }
0x5e: {  	_ =	shalt  }
0x5f: {  	_ =	shalt  }
0x60: {  	_ =	shalt  }
0x61: {  	_ =	shalt  }
0x62: {  	_ =	shalt  }
0x63: {  	_ =	shalt  }
0x64: {  	_ =	shalt  }
0x65: {  	_ =	shalt  }
0x66: {  	_ =	shalt  }
0x67: {  	_ =	shalt  }
0x68: {  	_ =	shalt  }
0x69: {  	_ =	shalt  }
0x6a: {  	_ =	shalt  }
0x6b: {  	_ =	shalt  }
0x6c: {  	_ =	shalt  }
0x6d: {  	_ =	shalt  }
0x6e: {  	_ =	shalt  }
0x6f: {  	_ =	shalt  }
0x70: {  	_ =	shalt  }
0x71: {  	_ =	shalt  }
0x72: {  	_ =	shalt  }
0x73: {  	_ =	shalt  }
0x74: {  	_ =	shalt  }
0x75: {  	_ =	shalt  }
0x76: {  	_ =	shalt  }
0x77: {  	_ =	shalt  }
0x78: {  	_ =	shalt  }
0x79: {  	_ =	shalt  }
0x7a: {  	_ =	shalt  }
0x7b: {  	_ =	shalt  }
0x7c: {  	_ =	shalt  }
0x7d: {  	_ =	shalt  }
0x7e: {  	_ =	shalt  }
0x7f: {  	_ =	shalt  }
0x80: {  	_ =	shalt  }
0x81: {  	_ =	shalt  }
0x82: {  	_ =	shalt  }
0x83: {  	_ =	shalt  }
0x84: {  	_ =	shalt  }
0x85: {  	_ =	shalt  }
0x86: {  	_ =	shalt  }
0x87: {  	_ =	shalt  }
.Lfunc_end0:
.L_simem_size_0:
called_computation.1_lowered:
.L_overlay_start_0:
0x88: {  	s2 =	sld [smem:$0x3FD9]  }
0x89: {  	s3 =	sld [smem:$0x3FFE];
	_ =	sdelay $0x1  }
0x8a: {  	s1 =	srdreg.scid  }
0x8b: {  	s0 =	sand.u32 $0x1, s1  }
0x8c: {  	s17 =	sshll.u32 s0, $0xA;
	s2 =	sadd.s32 s3, s2  }
0x8d: {  	s2 =	sadd.s32 s2, s17  }
0x8e: {  	[smem:$0x3FC4] =	sst s2  }
0x8f: {  	_ = 	snop  }
0x90: {  	s2 =	sld [smem:$0x3FC8];
	(tm) =	ssettm $0x1  }
0x91: {  	s18 =	sld [smem:$0x3FFB];
	_ =	sdelay $0x3  }
0x92: {  	_ =	strace s18  }
0x93: {  	s3 =	sld [smem:$0x3FFC];
	_ =	sdelay $0x3  }
0x94: {  	_ =	strace s3  }
0x95: {  	s3 =	sld [smem:$0x3FFD];
	_ =	sdelay $0x3  }
0x96: {  	_ =	strace s3  }
0x97: {  	_ =	strace $0x8FFFFFFF  }
0x98: {  	s19 =	sld [smem:$0x3FDB];
	_ =	sdelay $0x1  }
0x99: {  	s4 =	simm.s32 $_scs_section_size  }
0x9a: {  	s5 =	simm.s32 $_size__tile_overlayer_lowered;
	s6 =	simm.s32 $_tile_overlayer_lowered  }
0x9b: {  	s22 =	simm.s32 $0x1BFF;
	s21 =	sshll.u32 s6, $0x1;
	s3 =	sadd.s32 s4, s19  }
0x9c: {  	s7 =	simm.s32 $0x0;
	s20 =	sshll.u32 s5, $0x1;
	s5 =	sadd.s32 s21, s3  }
0x9d: {  	[timem:s7], [sflag:s22] =	dma.local [hbm:s5], s20  }
0x9e: {  	_ =	swait.ge [sflag:s22], s20  }
0x9f: {  	s4 =	ssub.s32 $0x0, s20;
	[sflag:s22] =	ssyncset.done $0x0  }
0xa0: {  	[sflag:s22] =	ssyncadd.s32 s4;
	_ =	sdelay $0x1  }
0xa1: {  	s23 =	simm.s32 $0x1B8B  }
0xa2: {  	_ =	swait.ge [sflag:s23], $0x1  }
0xa3: {  	[sflag:s23] =	ssyncset.done $0x0  }
0xa4: {  	s25 =	simm.s32 $0x1B8E;
	s24 =	sld [smem:$0x3FFE];
	[sflag:s23] =	ssyncadd.s32 $0xFFFFFFFF  }
0xa5: {  	s26 =	simm.s32 $execute0_lowered;
	[smem:$0x3FD2] =	sst s25  }
0xa6: {  	s5 =	sshll.u32 s26, $0x1;
	_ =	strace $0x80000046;
	[dreg:$0x1] =	wrdreg $0xFFFFFFFF  }
0xa7: {  	s28 =	simm.s32 $_size_execute0_lowered;
	s3 =	sadd.s32 s3, s5;
	[dreg:$0x0] =	wrdreg $0x0  }
0xa8: {  	s5 =	sshll.u32 s28, $0x1;
	[dreg:$0x2] =	wrdreg s3  }
0xa9: {  	[dreg:$0x3] =	wrdreg s5  }
0xaa: {  	[dreg:$0x4] =	wrdreg $0xC0  }
0xab: {  	_ =	task [dreg:s7], $0x5FFFF  }
0xac: {  	[dreg:$0x1] =	wrdreg $0xFFFFFFFF  }
0xad: {  	[dreg:$0x0] =	wrdreg $0x60  }
0xae: {  	[dreg:$0x2] =	wrdreg s24  }
0xaf: {  	[dreg:$0x3] =	wrdreg s2  }
0xb0: {  	[dreg:$0x4] =	wrdreg $0x101000  }
0xb1: {  	[dreg:$0x5] =	wrdreg $0x120800  }
0xb2: {  	[dreg:$0x6] =	wrdreg $0xA  }
0xb3: {  	_ =	task.clear_ibuf [dreg:s7], $0x7FFFF;
	_ =	strace $0x90000046  }
0xb4: {  	s29 =	simm.s32 $0xA;
	_ =	strace $0x80000048  }
0xb5: {  	_ =	swait.ge [sflag:s29], $0x1  }
0xb6: {  	[sflag:s29] =	ssyncadd.s32 $0xFFFFFFFF  }
0xb7: {  	_ =	strace $0x90000048  }
0xb8: {  	_ =	sfence  }
0xb9: {  	s30 =	sld [smem:$0x0];
	_ =	sdelay $0x2  }
0xba: {  	s31 =	sshll.u32 s1, $0xD;
	s1 =	sshrl.u32 s1, $0x2  }
0xbb: {  	s3 =	sand.u32 $0x4000, s31;
	s1 =	sadd.s32 s1, s30  }
0xbc: {  	s0 =	sor.u32 s3, s0;
	s1 =	sshll.u32 s1, $0x11  }
0xbd: {  	s0 =	sor.u32 s1, s0  }
0xbe: {  	s0 =	sadd.s32 $0x8F2B, s0  }
0xbf: {  	[sflag:s0] =	ssyncadd.remote.s32 $0x1  }
0xc0: {  	_ =	sfence.sel $0xFFFF  }
0xc1: {  	[dreg:$0x0] =	wrdreg $0xFFFFFFFF;
	(pc) =	sbr.abs _section_cstart, $3  }
0xc2: {  	[dreg:$0x1] =	wrdreg $0xFFFFFFFF  }
0xc3: {  	_ =	task.clear_ibuf [dreg:s7], $0x2FFFF;
	_ =	strace $0x9FFFFFFF  }
0xc4: {  	(tm) =	ssettm $0x7FFFFFFF  }
0xc5: {  	_ =	shalt  }
tec
execute0_lowered:
.L_overlay_start_1:
0x0: {  	(tag) =	ssettag $0x1  }
0x1: {  	s4 =	rddreg [dreg:$0x0]  }
0x2: {  	s5 =	rddreg [dreg:$0x1]  }
0x3: {  	s2 =	rddreg [dreg:$0x2]  }
0x4: {  	s1 =	rddreg [dreg:$0x3]  }
0x5: {  	s0 =	rddreg [dreg:$0x4];
	s6 =	srdreg.scid  }
0x6: {  	s3 =	simm.s32 $0x0;
	s7 =	stileid.u32;
	s16 =	simm.s32 $0x100  }
0x7: {  	p1 =	por $0x0, $0x0;
	s13 =	simm.s32 $0x4100;
	s6 =	sand.u32 $0x1, s6  }
0x8: {  	[smem:$0x7FF] =	sst s3;
	s9 =	sshll.u32 s7, $0xA;
	s10 =	sadd.s32 $0x805200, s4  }
0x9: {  	s26 =	sadd.s32 $0x806200, s4;
	p0 =	sne.s32 s7, $0x0;
	s8 =	sshll.u32 s6, $0xE  }
0xa: {  	_ =	strace $0x80000047;
	s11 =	smul.u32 $0x3F00, s6;
	[dreg:$0x5] =	wrdreg s10  }
0xb: {  	s6 =	ssub.s32 $0x2, s6;
	s7 =	sshrl.u32 @!p0 s2, $0x3;
	s8 =	sor.u32 s9, s8  }
0xc: {  	s10 =	simm.s32 $0x8100;
	s29 =	sshrl.u32 s6, $0x1;
	s9 =	sshrl.u32 s8, $0x3  }
0xd: {  	s8 =	sshll.u32 s8, $0x4;
	s6 =	ssub.s32 s6, s29;
	s9 =	sadd.s32 s9, s4  }
0xe: {  	s4 =	sadd.s32 s11, s4;
	s5 =	sadd.s32 s8, s5;
	s31 =	smax.u32 s6, $0x1  }
0xf: {  	s11 =	simm.s32 $0xC100;
	s24 =	sadd.s32 $0x804200, s9;
	s30 =	sadd.s32 $0xFFFFFFFF, s31  }
0x10: {  	s23 =	sadd.s32 $0x804210, s9;
	s25 =	sadd.s32 $0x80000, s5;
	p2 =	sne.s32 s30, $0x0  }
.Ltmp0:
0x11: {  	s22 =	sadd.s32 $0x81000, s5;
	s21 =	sadd.s32 $0x804220, s9;
	(pc) =	sbr.rel @!p2 .LBB2_3-.Ltmp0, $4  }
0x12: {  	s6 =	sshrl.u32 @!p0 s1, $0x3;
	s20 =	sadd.s32 $0x804230, s9;
	s18 =	sadd.s32 $0x804240, s9  }
0x13: {  	s19 =	sadd.s32 $0x82000, s5;
	s17 =	sadd.s32 $0x804250, s9;
	s15 =	sadd.s32 $0x83000, s5  }
0x14: {  	s8 =	simm.s32 $0x1;
	s14 =	sadd.s32 $0x804260, s9;
	s12 =	sadd.s32 $0x804270, s9  }
0x15: {  	s5 =	sadd.s32 $0x80A200, s4;
	s4 =	sadd.s32 $0x812000, s4;
	s9 =	simm.s32 $0x80  }
0x16: {  	s29 =	simm.s32 @!p0 $0x1C01;
	s28 =	simm.s32 @!p0 $0x1  }
0x17: {  	[spmem:s7], [sflag:s29] =	dma.local @!p0 [hbm:s26], $0x3F00  }
0x18: {  	_ =	swait.ge @!p0 [sflag:s28], $0x3F00  }
0x19: {  	[sflag:s28] =	ssyncset.done @!p0 $0x0  }
0x1a: {  	[sflag:s28] =	ssyncadd.s32 @!p0 $0xFFFFC100  }
0x1b: {  	[spmem:s6], [sflag:s29] =	dma.local @!p0 [hbm:s26], $0x3F00  }
0x1c: {  	_ =	swait.ge @!p0 [sflag:s28], $0x3F00  }
0x1d: {  	[sflag:s28] =	ssyncset.done @!p0 $0x0  }
0x1e: {  	s31 =	rddreg [dreg:$0x5];
	[sflag:s28] =	ssyncadd.s32 @!p0 $0xFFFFC100  }
0x1f: {  	[tilespmem:s10], [sflag:$0x1] =	stream.linear.gather [hbm4b:s31+s3], $0x8000, $0x38;
	[tilespmem:$0x14000] =	vst v63  }
0x20: {  	_ =	swait.ge [sflag:s8], $0x8000  }
0x21: {  	[sflag:s8] =	ssyncset.done $0x0  }
0x22: {  	[sflag:s8] =	ssyncadd.s32 $0xFFFF8000  }
0x23: {  	[bflag:$0x0] =	sbarrier.arrive $0xFFFF  }
0x24: {  	[tilespmem:s16], [sflag:$0x1] =	stream.linear.gather [hbm4b:s25+s3], $0x8000, $0x38;
	[tilespmem:$0x14000] =	vst v63  }
0x25: {  	_ =	swait.ge [sflag:s8], $0x8000  }
0x26: {  	[sflag:s8] =	ssyncset.done $0x0  }
0x27: {  	[sflag:s8] =	ssyncadd.s32 $0xFFFF8000  }
0x28: {  	[tilespmem:s3], [sflag:$0x1] =	stream.linear.gather [hbm4b:s24+s3], $0x80, $0x38;
	[tilespmem:$0x14000] =	vst v63  }
0x29: {  	_ =	swait.ge [sflag:s8], $0x80  }
0x2a: {  	[sflag:s8] =	ssyncset.done $0x0  }
0x2b: {  	[sflag:s8] =	ssyncadd.s32 $0xFFFFFF80  }
0x2c: {  	[tilespmem:s9], [sflag:$0x1] =	stream.linear.gather [hbm4b:s23+s3], $0x80, $0x38;
	[tilespmem:$0x14000] =	vst v63  }
0x2d: {  	_ =	swait.ge [sflag:s8], $0x80  }
0x2e: {  	[sflag:s8] =	ssyncset.done $0x0  }
0x2f: {  	[sflag:s8] =	ssyncadd.s32 $0xFFFFFF80  }
0x30: {  	[spmem:s2] =	stream.indirect.scatter.add.f32 [tilespmem:s16], [sflag:$0x1], $0x80, s3, s9, $0xb8;
	[tilespmem:$0x14000] =	vst v63  }
0x31: {  	_ =	swait.ge [sflag:s8], $0x4000  }
0x32: {  	[sflag:s8] =	ssyncset.done $0x0  }
0x33: {  	[sflag:s8] =	ssyncadd.s32 $0xFFFFC000  }
0x34: {  	[spmem:s1] =	stream.indirect.scatter.add.f32 [tilespmem:s10], [sflag:$0x1], $0x80, s3, s9, $0xb8;
	[tilespmem:$0x14000] =	vst v63  }
0x35: {  	_ =	swait.ge [sflag:s8], $0x4000  }
0x36: {  	[sflag:s8] =	ssyncset.done $0x0  }
0x37: {  	[sflag:s8] =	ssyncadd.s32 $0xFFFFC000  }
0x38: {  	[spmem:s2] =	stream.indirect.scatter.add.f32 [tilespmem:s13], [sflag:$0x1], $0x80, s9, s9, $0xb8;
	[tilespmem:$0x14000] =	vst v63  }
0x39: {  	_ =	swait.ge [sflag:s8], $0x4000  }
0x3a: {  	[sflag:s8] =	ssyncset.done $0x0  }
0x3b: {  	[sflag:s8] =	ssyncadd.s32 $0xFFFFC000  }
0x3c: {  	[spmem:s1] =	stream.indirect.scatter.add.f32 [tilespmem:s11], [sflag:$0x1], $0x80, s9, s9, $0xb8;
	[tilespmem:$0x14000] =	vst v63  }
0x3d: {  	_ =	swait.ge [sflag:s8], $0x4000  }
0x3e: {  	[sflag:s8] =	ssyncset.done $0x0  }
0x3f: {  	[sflag:s8] =	ssyncadd.s32 $0xFFFFC000  }
0x40: {  	[tilespmem:s16], [sflag:$0x1] =	stream.linear.gather [hbm4b:s22+s3], $0x8000, $0x38;
	[tilespmem:$0x14000] =	vst v63  }
0x41: {  	_ =	swait.ge [sflag:s8], $0x8000  }
0x42: {  	[sflag:s8] =	ssyncset.done $0x0  }
0x43: {  	[sflag:s8] =	ssyncadd.s32 $0xFFFF8000  }
0x44: {  	[tilespmem:s3], [sflag:$0x1] =	stream.linear.gather [hbm4b:s21+s3], $0x80, $0x38;
	[tilespmem:$0x14000] =	vst v63  }
0x45: {  	_ =	swait.ge [sflag:s8], $0x80  }
0x46: {  	[sflag:s8] =	ssyncset.done $0x0  }
0x47: {  	[sflag:s8] =	ssyncadd.s32 $0xFFFFFF80  }
0x48: {  	[tilespmem:s9], [sflag:$0x1] =	stream.linear.gather [hbm4b:s20+s3], $0x80, $0x38;
	[tilespmem:$0x14000] =	vst v63  }
0x49: {  	_ =	swait.ge [sflag:s8], $0x80  }
0x4a: {  	[sflag:s8] =	ssyncset.done $0x0  }
0x4b: {  	[sflag:s8] =	ssyncadd.s32 $0xFFFFFF80  }
0x4c: {  	[spmem:s2] =	stream.indirect.scatter.add.f32 [tilespmem:s16], [sflag:$0x1], $0x80, s3, s9, $0xb8;
	[tilespmem:$0x14000] =	vst v63  }
0x4d: {  	_ =	swait.ge [sflag:s8], $0x4000  }
0x4e: {  	[sflag:s8] =	ssyncset.done $0x0  }
0x4f: {  	[sflag:s8] =	ssyncadd.s32 $0xFFFFC000  }
0x50: {  	[spmem:s1] =	stream.indirect.scatter.add.f32 [tilespmem:s10], [sflag:$0x1], $0x80, s3, s9, $0xb8;
	[tilespmem:$0x14000] =	vst v63  }
0x51: {  	_ =	swait.ge [sflag:s8], $0x4000  }
0x52: {  	[sflag:s8] =	ssyncset.done $0x0  }
0x53: {  	[sflag:s8] =	ssyncadd.s32 $0xFFFFC000  }
0x54: {  	[spmem:s2] =	stream.indirect.scatter.add.f32 [tilespmem:s13], [sflag:$0x1], $0x80, s9, s9, $0xb8;
	[tilespmem:$0x14000] =	vst v63  }
0x55: {  	_ =	swait.ge [sflag:s8], $0x4000  }
0x56: {  	[sflag:s8] =	ssyncset.done $0x0  }
0x57: {  	[sflag:s8] =	ssyncadd.s32 $0xFFFFC000  }
0x58: {  	[spmem:s1] =	stream.indirect.scatter.add.f32 [tilespmem:s11], [sflag:$0x1], $0x80, s9, s9, $0xb8;
	[tilespmem:$0x14000] =	vst v63  }
0x59: {  	_ =	swait.ge [sflag:s8], $0x4000  }
0x5a: {  	[sflag:s8] =	ssyncset.done $0x0  }
0x5b: {  	[sflag:s8] =	ssyncadd.s32 $0xFFFFC000  }
0x5c: {  	[tilespmem:s16], [sflag:$0x1] =	stream.linear.gather [hbm4b:s19+s3], $0x8000, $0x38;
	[tilespmem:$0x14000] =	vst v63  }
0x5d: {  	_ =	swait.ge [sflag:s8], $0x8000  }
0x5e: {  	[sflag:s8] =	ssyncset.done $0x0  }
0x5f: {  	[sflag:s8] =	ssyncadd.s32 $0xFFFF8000  }
0x60: {  	[tilespmem:s3], [sflag:$0x1] =	stream.linear.gather [hbm4b:s18+s3], $0x80, $0x38;
	[tilespmem:$0x14000] =	vst v63  }
0x61: {  	_ =	swait.ge [sflag:s8], $0x80  }
0x62: {  	[sflag:s8] =	ssyncset.done $0x0  }
0x63: {  	[sflag:s8] =	ssyncadd.s32 $0xFFFFFF80  }
0x64: {  	[tilespmem:s9], [sflag:$0x1] =	stream.linear.gather [hbm4b:s17+s3], $0x80, $0x38;
	[tilespmem:$0x14000] =	vst v63  }
0x65: {  	_ =	swait.ge [sflag:s8], $0x80  }
0x66: {  	[sflag:s8] =	ssyncset.done $0x0  }
0x67: {  	[sflag:s8] =	ssyncadd.s32 $0xFFFFFF80  }
0x68: {  	[spmem:s2] =	stream.indirect.scatter.add.f32 [tilespmem:s16], [sflag:$0x1], $0x80, s3, s9, $0xb8;
	[tilespmem:$0x14000] =	vst v63  }
0x69: {  	_ =	swait.ge [sflag:s8], $0x4000  }
0x6a: {  	[sflag:s8] =	ssyncset.done $0x0  }
0x6b: {  	[sflag:s8] =	ssyncadd.s32 $0xFFFFC000  }
0x6c: {  	[spmem:s1] =	stream.indirect.scatter.add.f32 [tilespmem:s10], [sflag:$0x1], $0x80, s3, s9, $0xb8;
	[tilespmem:$0x14000] =	vst v63  }
0x6d: {  	_ =	swait.ge [sflag:s8], $0x4000  }
0x6e: {  	[sflag:s8] =	ssyncset.done $0x0  }
0x6f: {  	[sflag:s8] =	ssyncadd.s32 $0xFFFFC000  }
0x70: {  	[spmem:s2] =	stream.indirect.scatter.add.f32 [tilespmem:s13], [sflag:$0x1], $0x80, s9, s9, $0xb8;
	[tilespmem:$0x14000] =	vst v63  }
0x71: {  	_ =	swait.ge [sflag:s8], $0x4000  }
0x72: {  	[sflag:s8] =	ssyncset.done $0x0  }
0x73: {  	[sflag:s8] =	ssyncadd.s32 $0xFFFFC000  }
0x74: {  	[spmem:s1] =	stream.indirect.scatter.add.f32 [tilespmem:s11], [sflag:$0x1], $0x80, s9, s9, $0xb8;
	[tilespmem:$0x14000] =	vst v63  }
0x75: {  	_ =	swait.ge [sflag:s8], $0x4000  }
0x76: {  	[sflag:s8] =	ssyncset.done $0x0  }
0x77: {  	[sflag:s8] =	ssyncadd.s32 $0xFFFFC000  }
0x78: {  	[tilespmem:s16], [sflag:$0x1] =	stream.linear.gather [hbm4b:s15+s3], $0x8000, $0x38;
	[tilespmem:$0x14000] =	vst v63  }
0x79: {  	_ =	swait.ge [sflag:s8], $0x8000  }
0x7a: {  	[sflag:s8] =	ssyncset.done $0x0  }
0x7b: {  	[sflag:s8] =	ssyncadd.s32 $0xFFFF8000  }
0x7c: {  	[tilespmem:s3], [sflag:$0x1] =	stream.linear.gather [hbm4b:s14+s3], $0x80, $0x38;
	[tilespmem:$0x14000] =	vst v63  }
0x7d: {  	_ =	swait.ge [sflag:s8], $0x80  }
0x7e: {  	[sflag:s8] =	ssyncset.done $0x0  }
0x7f: {  	[sflag:s8] =	ssyncadd.s32 $0xFFFFFF80  }
0x80: {  	[tilespmem:s9], [sflag:$0x1] =	stream.linear.gather [hbm4b:s12+s3], $0x80, $0x38;
	[tilespmem:$0x14000] =	vst v63  }
0x81: {  	_ =	swait.ge [sflag:s8], $0x80  }
0x82: {  	[sflag:s8] =	ssyncset.done $0x0  }
0x83: {  	[sflag:s8] =	ssyncadd.s32 $0xFFFFFF80  }
0x84: {  	[spmem:s2] =	stream.indirect.scatter.add.f32 [tilespmem:s16], [sflag:$0x1], $0x80, s3, s9, $0xb8;
	[tilespmem:$0x14000] =	vst v63  }
0x85: {  	_ =	swait.ge [sflag:s8], $0x4000  }
0x86: {  	[sflag:s8] =	ssyncset.done $0x0  }
0x87: {  	[sflag:s8] =	ssyncadd.s32 $0xFFFFC000  }
0x88: {  	[spmem:s1] =	stream.indirect.scatter.add.f32 [tilespmem:s10], [sflag:$0x1], $0x80, s3, s9, $0xb8;
	[tilespmem:$0x14000] =	vst v63  }
0x89: {  	_ =	swait.ge [sflag:s8], $0x4000  }
0x8a: {  	[sflag:s8] =	ssyncset.done $0x0  }
0x8b: {  	[sflag:s8] =	ssyncadd.s32 $0xFFFFC000  }
0x8c: {  	[spmem:s2] =	stream.indirect.scatter.add.f32 [tilespmem:s13], [sflag:$0x1], $0x80, s9, s9, $0xb8;
	[tilespmem:$0x14000] =	vst v63  }
0x8d: {  	_ =	swait.ge [sflag:s8], $0x4000  }
0x8e: {  	[sflag:s8] =	ssyncset.done $0x0  }
0x8f: {  	[sflag:s8] =	ssyncadd.s32 $0xFFFFC000  }
0x90: {  	[spmem:s1] =	stream.indirect.scatter.add.f32 [tilespmem:s11], [sflag:$0x1], $0x80, s9, s9, $0xb8;
	[tilespmem:$0x14000] =	vst v63  }
0x91: {  	_ =	swait.ge [sflag:s8], $0x4000  }
0x92: {  	[sflag:s8] =	ssyncset.done $0x0  }
0x93: {  	[sflag:s8] =	ssyncadd.s32 $0xFFFFC000  }
0x94: {  	s30 =	sadd.s32 $0xFFFFFFFF, s30;
	[bflag:$0x0] =	sbarrier.arrive $0xFFFF  }
0x95: {  	[hbm:s5], [sflag:s29] =	dma.local @!p0 [spmem:s7], $0x3F00  }
0x96: {  	p2 =	sne.s32 s30, $0x0;
	_ =	swait.ge @!p0 [sflag:s28], $0x3F00  }
.Ltmp1:
0x97: {  	[sflag:s28] =	ssyncset.done @!p0 $0x0;
	(pc) =	sbr.rel @!p2 .LBB2_3-.Ltmp1, $4  }
0x98: {  	[sflag:s28] =	ssyncadd.s32 @!p0 $0xFFFFC100  }
0x99: {  	[hbm:s4], [sflag:s29] =	dma.local @!p0 [spmem:s6], $0x3F00  }
0x9a: {  	_ =	swait.ge @!p0 [sflag:s28], $0x3F00  }
0x9b: {  	p1 =	por $0x1, $0x1;
	[sflag:s28] =	ssyncset.done @!p0 $0x0  }
.LBB2_2:
0x9c: {  	[sflag:s28] =	ssyncadd.s32 @!p0 $0xFFFFC100  }
0x9d: {  	[spmem:s7], [sflag:s29] =	dma.local @!p0 [hbm:s26], $0x3F00  }
0x9e: {  	_ =	swait.ge @!p0 [sflag:s28], $0x3F00  }
0x9f: {  	[sflag:s28] =	ssyncset.done @!p0 $0x0  }
0xa0: {  	[sflag:s28] =	ssyncadd.s32 @!p0 $0xFFFFC100  }
0xa1: {  	[spmem:s6], [sflag:s29] =	dma.local @!p0 [hbm:s26], $0x3F00  }
0xa2: {  	_ =	swait.ge @!p0 [sflag:s28], $0x3F00  }
0xa3: {  	[sflag:s28] =	ssyncset.done @!p0 $0x0  }
0xa4: {  	s31 =	rddreg [dreg:$0x5];
	[sflag:s28] =	ssyncadd.s32 @!p0 $0xFFFFC100  }
0xa5: {  	[tilespmem:s10], [sflag:$0x1] =	stream.linear.gather [hbm4b:s31+s3], $0x8000, $0x38;
	[tilespmem:$0x14000] =	vst v63  }
0xa6: {  	_ =	swait.ge [sflag:s8], $0x8000  }
0xa7: {  	[sflag:s8] =	ssyncset.done $0x0  }
0xa8: {  	[sflag:s8] =	ssyncadd.s32 $0xFFFF8000  }
0xa9: {  	[bflag:$0x0] =	sbarrier.arrive $0xFFFF  }
0xaa: {  	[tilespmem:s16], [sflag:$0x1] =	stream.linear.gather [hbm4b:s25+s3], $0x8000, $0x38;
	[tilespmem:$0x14000] =	vst v63  }
0xab: {  	_ =	swait.ge [sflag:s8], $0x8000  }
0xac: {  	[sflag:s8] =	ssyncset.done $0x0  }
0xad: {  	[sflag:s8] =	ssyncadd.s32 $0xFFFF8000  }
0xae: {  	[tilespmem:s3], [sflag:$0x1] =	stream.linear.gather [hbm4b:s24+s3], $0x80, $0x38;
	[tilespmem:$0x14000] =	vst v63  }
0xaf: {  	_ =	swait.ge [sflag:s8], $0x80  }
0xb0: {  	[sflag:s8] =	ssyncset.done $0x0  }
0xb1: {  	[sflag:s8] =	ssyncadd.s32 $0xFFFFFF80  }
0xb2: {  	[tilespmem:s9], [sflag:$0x1] =	stream.linear.gather [hbm4b:s23+s3], $0x80, $0x38;
	[tilespmem:$0x14000] =	vst v63  }
0xb3: {  	_ =	swait.ge [sflag:s8], $0x80  }
0xb4: {  	[sflag:s8] =	ssyncset.done $0x0  }
0xb5: {  	[sflag:s8] =	ssyncadd.s32 $0xFFFFFF80  }
0xb6: {  	[spmem:s2] =	stream.indirect.scatter.add.f32 [tilespmem:s16], [sflag:$0x1], $0x80, s3, s9, $0xb8;
	[tilespmem:$0x14000] =	vst v63  }
0xb7: {  	_ =	swait.ge [sflag:s8], $0x4000  }
0xb8: {  	[sflag:s8] =	ssyncset.done $0x0  }
0xb9: {  	[sflag:s8] =	ssyncadd.s32 $0xFFFFC000  }
0xba: {  	[spmem:s1] =	stream.indirect.scatter.add.f32 [tilespmem:s10], [sflag:$0x1], $0x80, s3, s9, $0xb8;
	[tilespmem:$0x14000] =	vst v63  }
0xbb: {  	_ =	swait.ge [sflag:s8], $0x4000  }
0xbc: {  	[sflag:s8] =	ssyncset.done $0x0  }
0xbd: {  	[sflag:s8] =	ssyncadd.s32 $0xFFFFC000  }
0xbe: {  	[spmem:s2] =	stream.indirect.scatter.add.f32 [tilespmem:s13], [sflag:$0x1], $0x80, s9, s9, $0xb8;
	[tilespmem:$0x14000] =	vst v63  }
0xbf: {  	_ =	swait.ge [sflag:s8], $0x4000  }
0xc0: {  	[sflag:s8] =	ssyncset.done $0x0  }
0xc1: {  	[sflag:s8] =	ssyncadd.s32 $0xFFFFC000  }
0xc2: {  	[spmem:s1] =	stream.indirect.scatter.add.f32 [tilespmem:s11], [sflag:$0x1], $0x80, s9, s9, $0xb8;
	[tilespmem:$0x14000] =	vst v63  }
0xc3: {  	_ =	swait.ge [sflag:s8], $0x4000  }
0xc4: {  	[sflag:s8] =	ssyncset.done $0x0  }
0xc5: {  	[sflag:s8] =	ssyncadd.s32 $0xFFFFC000  }
0xc6: {  	[tilespmem:s16], [sflag:$0x1] =	stream.linear.gather [hbm4b:s22+s3], $0x8000, $0x38;
	[tilespmem:$0x14000] =	vst v63  }
0xc7: {  	_ =	swait.ge [sflag:s8], $0x8000  }
0xc8: {  	[sflag:s8] =	ssyncset.done $0x0  }
0xc9: {  	[sflag:s8] =	ssyncadd.s32 $0xFFFF8000  }
0xca: {  	[tilespmem:s3], [sflag:$0x1] =	stream.linear.gather [hbm4b:s21+s3], $0x80, $0x38;
	[tilespmem:$0x14000] =	vst v63  }
0xcb: {  	_ =	swait.ge [sflag:s8], $0x80  }
0xcc: {  	[sflag:s8] =	ssyncset.done $0x0  }
0xcd: {  	[sflag:s8] =	ssyncadd.s32 $0xFFFFFF80  }
0xce: {  	[tilespmem:s9], [sflag:$0x1] =	stream.linear.gather [hbm4b:s20+s3], $0x80, $0x38;
	[tilespmem:$0x14000] =	vst v63  }
0xcf: {  	_ =	swait.ge [sflag:s8], $0x80  }
0xd0: {  	[sflag:s8] =	ssyncset.done $0x0  }
0xd1: {  	[sflag:s8] =	ssyncadd.s32 $0xFFFFFF80  }
0xd2: {  	[spmem:s2] =	stream.indirect.scatter.add.f32 [tilespmem:s16], [sflag:$0x1], $0x80, s3, s9, $0xb8;
	[tilespmem:$0x14000] =	vst v63  }
0xd3: {  	_ =	swait.ge [sflag:s8], $0x4000  }
0xd4: {  	[sflag:s8] =	ssyncset.done $0x0  }
0xd5: {  	[sflag:s8] =	ssyncadd.s32 $0xFFFFC000  }
0xd6: {  	[spmem:s1] =	stream.indirect.scatter.add.f32 [tilespmem:s10], [sflag:$0x1], $0x80, s3, s9, $0xb8;
	[tilespmem:$0x14000] =	vst v63  }
0xd7: {  	_ =	swait.ge [sflag:s8], $0x4000  }
0xd8: {  	[sflag:s8] =	ssyncset.done $0x0  }
0xd9: {  	[sflag:s8] =	ssyncadd.s32 $0xFFFFC000  }
0xda: {  	[spmem:s2] =	stream.indirect.scatter.add.f32 [tilespmem:s13], [sflag:$0x1], $0x80, s9, s9, $0xb8;
	[tilespmem:$0x14000] =	vst v63  }
0xdb: {  	_ =	swait.ge [sflag:s8], $0x4000  }
0xdc: {  	[sflag:s8] =	ssyncset.done $0x0  }
0xdd: {  	[sflag:s8] =	ssyncadd.s32 $0xFFFFC000  }
0xde: {  	[spmem:s1] =	stream.indirect.scatter.add.f32 [tilespmem:s11], [sflag:$0x1], $0x80, s9, s9, $0xb8;
	[tilespmem:$0x14000] =	vst v63  }
0xdf: {  	_ =	swait.ge [sflag:s8], $0x4000  }
0xe0: {  	[sflag:s8] =	ssyncset.done $0x0  }
0xe1: {  	[sflag:s8] =	ssyncadd.s32 $0xFFFFC000  }
0xe2: {  	[tilespmem:s16], [sflag:$0x1] =	stream.linear.gather [hbm4b:s19+s3], $0x8000, $0x38;
	[tilespmem:$0x14000] =	vst v63  }
0xe3: {  	_ =	swait.ge [sflag:s8], $0x8000  }
0xe4: {  	[sflag:s8] =	ssyncset.done $0x0  }
0xe5: {  	[sflag:s8] =	ssyncadd.s32 $0xFFFF8000  }
0xe6: {  	[tilespmem:s3], [sflag:$0x1] =	stream.linear.gather [hbm4b:s18+s3], $0x80, $0x38;
	[tilespmem:$0x14000] =	vst v63  }
0xe7: {  	_ =	swait.ge [sflag:s8], $0x80  }
0xe8: {  	[sflag:s8] =	ssyncset.done $0x0  }
0xe9: {  	[sflag:s8] =	ssyncadd.s32 $0xFFFFFF80  }
0xea: {  	[tilespmem:s9], [sflag:$0x1] =	stream.linear.gather [hbm4b:s17+s3], $0x80, $0x38;
	[tilespmem:$0x14000] =	vst v63  }
0xeb: {  	_ =	swait.ge [sflag:s8], $0x80  }
0xec: {  	[sflag:s8] =	ssyncset.done $0x0  }
0xed: {  	[sflag:s8] =	ssyncadd.s32 $0xFFFFFF80  }
0xee: {  	[spmem:s2] =	stream.indirect.scatter.add.f32 [tilespmem:s16], [sflag:$0x1], $0x80, s3, s9, $0xb8;
	[tilespmem:$0x14000] =	vst v63  }
0xef: {  	_ =	swait.ge [sflag:s8], $0x4000  }
0xf0: {  	[sflag:s8] =	ssyncset.done $0x0  }
0xf1: {  	[sflag:s8] =	ssyncadd.s32 $0xFFFFC000  }
0xf2: {  	[spmem:s1] =	stream.indirect.scatter.add.f32 [tilespmem:s10], [sflag:$0x1], $0x80, s3, s9, $0xb8;
	[tilespmem:$0x14000] =	vst v63  }
0xf3: {  	_ =	swait.ge [sflag:s8], $0x4000  }
0xf4: {  	[sflag:s8] =	ssyncset.done $0x0  }
0xf5: {  	[sflag:s8] =	ssyncadd.s32 $0xFFFFC000  }
0xf6: {  	[spmem:s2] =	stream.indirect.scatter.add.f32 [tilespmem:s13], [sflag:$0x1], $0x80, s9, s9, $0xb8;
	[tilespmem:$0x14000] =	vst v63  }
0xf7: {  	_ =	swait.ge [sflag:s8], $0x4000  }
0xf8: {  	[sflag:s8] =	ssyncset.done $0x0  }
0xf9: {  	[sflag:s8] =	ssyncadd.s32 $0xFFFFC000  }
0xfa: {  	[spmem:s1] =	stream.indirect.scatter.add.f32 [tilespmem:s11], [sflag:$0x1], $0x80, s9, s9, $0xb8;
	[tilespmem:$0x14000] =	vst v63  }
0xfb: {  	_ =	swait.ge [sflag:s8], $0x4000  }
0xfc: {  	[sflag:s8] =	ssyncset.done $0x0  }
0xfd: {  	[sflag:s8] =	ssyncadd.s32 $0xFFFFC000  }
0xfe: {  	[tilespmem:s16], [sflag:$0x1] =	stream.linear.gather [hbm4b:s15+s3], $0x8000, $0x38;
	[tilespmem:$0x14000] =	vst v63  }
0xff: {  	_ =	swait.ge [sflag:s8], $0x8000  }
0x100: {  	[sflag:s8] =	ssyncset.done $0x0  }
0x101: {  	[sflag:s8] =	ssyncadd.s32 $0xFFFF8000  }
0x102: {  	[tilespmem:s3], [sflag:$0x1] =	stream.linear.gather [hbm4b:s14+s3], $0x80, $0x38;
	[tilespmem:$0x14000] =	vst v63  }
0x103: {  	_ =	swait.ge [sflag:s8], $0x80  }
0x104: {  	[sflag:s8] =	ssyncset.done $0x0  }
0x105: {  	[sflag:s8] =	ssyncadd.s32 $0xFFFFFF80  }
0x106: {  	[tilespmem:s9], [sflag:$0x1] =	stream.linear.gather [hbm4b:s12+s3], $0x80, $0x38;
	[tilespmem:$0x14000] =	vst v63  }
0x107: {  	_ =	swait.ge [sflag:s8], $0x80  }
0x108: {  	[sflag:s8] =	ssyncset.done $0x0  }
0x109: {  	[sflag:s8] =	ssyncadd.s32 $0xFFFFFF80  }
0x10a: {  	[spmem:s2] =	stream.indirect.scatter.add.f32 [tilespmem:s16], [sflag:$0x1], $0x80, s3, s9, $0xb8;
	[tilespmem:$0x14000] =	vst v63  }
0x10b: {  	_ =	swait.ge [sflag:s8], $0x4000  }
0x10c: {  	[sflag:s8] =	ssyncset.done $0x0  }
0x10d: {  	[sflag:s8] =	ssyncadd.s32 $0xFFFFC000  }
0x10e: {  	[spmem:s1] =	stream.indirect.scatter.add.f32 [tilespmem:s10], [sflag:$0x1], $0x80, s3, s9, $0xb8;
	[tilespmem:$0x14000] =	vst v63  }
0x10f: {  	_ =	swait.ge [sflag:s8], $0x4000  }
0x110: {  	[sflag:s8] =	ssyncset.done $0x0  }
0x111: {  	[sflag:s8] =	ssyncadd.s32 $0xFFFFC000  }
0x112: {  	[spmem:s2] =	stream.indirect.scatter.add.f32 [tilespmem:s13], [sflag:$0x1], $0x80, s9, s9, $0xb8;
	[tilespmem:$0x14000] =	vst v63  }
0x113: {  	_ =	swait.ge [sflag:s8], $0x4000  }
0x114: {  	[sflag:s8] =	ssyncset.done $0x0  }
0x115: {  	[sflag:s8] =	ssyncadd.s32 $0xFFFFC000  }
0x116: {  	[spmem:s1] =	stream.indirect.scatter.add.f32 [tilespmem:s11], [sflag:$0x1], $0x80, s9, s9, $0xb8;
	[tilespmem:$0x14000] =	vst v63  }
0x117: {  	_ =	swait.ge [sflag:s8], $0x4000  }
0x118: {  	[sflag:s8] =	ssyncset.done $0x0  }
0x119: {  	[sflag:s8] =	ssyncadd.s32 $0xFFFFC000  }
0x11a: {  	s30 =	sadd.s32 $0xFFFFFFFF, s30;
	[bflag:$0x0] =	sbarrier.arrive $0xFFFF  }
0x11b: {  	[hbm:s5], [sflag:s29] =	dma.local @!p0 [spmem:s7], $0x3F00  }
0x11c: {  	p2 =	sne.s32 s30, $0x0;
	_ =	swait.ge @!p0 [sflag:s28], $0x3F00  }
.Ltmp2:
0x11d: {  	[sflag:s28] =	ssyncset.done @!p0 $0x0;
	(pc) =	sbr.rel @p2 .LBB2_2-.Ltmp2, $4  }
0x11e: {  	[sflag:s28] =	ssyncadd.s32 @!p0 $0xFFFFC100  }
0x11f: {  	[hbm:s4], [sflag:s29] =	dma.local @!p0 [spmem:s6], $0x3F00  }
0x120: {  	_ =	swait.ge @!p0 [sflag:s28], $0x3F00  }
0x121: {  	[sflag:s28] =	ssyncset.done @!p0 $0x0  }
.LBB2_3:
0x122: {  	p1 =	por p0, !p1  }
0x123: {  	s29 =	simm.s32 @!p0 $0x1C01;
	[sflag:s28] =	ssyncadd.s32 @!p1 $0xFFFFC100;
	s28 =	simm.s32 @!p0 $0x1  }
0x124: {  	[spmem:s7], [sflag:s29] =	dma.local @!p0 [hbm:s26], $0x3F00  }
0x125: {  	_ =	swait.ge @!p0 [sflag:s28], $0x3F00  }
0x126: {  	[sflag:s28] =	ssyncset.done @!p0 $0x0  }
0x127: {  	[sflag:s28] =	ssyncadd.s32 @!p0 $0xFFFFC100  }
0x128: {  	[spmem:s6], [sflag:s29] =	dma.local @!p0 [hbm:s26], $0x3F00  }
0x129: {  	_ =	swait.ge @!p0 [sflag:s28], $0x3F00  }
0x12a: {  	[sflag:s28] =	ssyncset.done @!p0 $0x0  }
0x12b: {  	s31 =	rddreg [dreg:$0x5];
	[sflag:s28] =	ssyncadd.s32 @!p0 $0xFFFFC100  }
0x12c: {  	[tilespmem:s10], [sflag:$0x1] =	stream.linear.gather [hbm4b:s31+s3], $0x8000, $0x38;
	[tilespmem:$0x14000] =	vst v63  }
0x12d: {  	_ =	swait.ge [sflag:s8], $0x8000  }
0x12e: {  	[sflag:s8] =	ssyncset.done $0x0  }
0x12f: {  	[sflag:s8] =	ssyncadd.s32 $0xFFFF8000  }
0x130: {  	[bflag:$0x0] =	sbarrier.arrive $0xFFFF  }
0x131: {  	[tilespmem:s16], [sflag:$0x1] =	stream.linear.gather [hbm4b:s25+s3], $0x8000, $0x38;
	[tilespmem:$0x14000] =	vst v63  }
0x132: {  	_ =	swait.ge [sflag:s8], $0x8000  }
0x133: {  	[sflag:s8] =	ssyncset.done $0x0  }
0x134: {  	[sflag:s8] =	ssyncadd.s32 $0xFFFF8000  }
0x135: {  	[tilespmem:s3], [sflag:$0x1] =	stream.linear.gather [hbm4b:s24+s3], $0x80, $0x38;
	[tilespmem:$0x14000] =	vst v63  }
0x136: {  	_ =	swait.ge [sflag:s8], $0x80  }
0x137: {  	[sflag:s8] =	ssyncset.done $0x0  }
0x138: {  	[sflag:s8] =	ssyncadd.s32 $0xFFFFFF80  }
0x139: {  	[tilespmem:s9], [sflag:$0x1] =	stream.linear.gather [hbm4b:s23+s3], $0x80, $0x38;
	[tilespmem:$0x14000] =	vst v63  }
0x13a: {  	_ =	swait.ge [sflag:s8], $0x80  }
0x13b: {  	[sflag:s8] =	ssyncset.done $0x0  }
0x13c: {  	[sflag:s8] =	ssyncadd.s32 $0xFFFFFF80  }
0x13d: {  	[spmem:s2] =	stream.indirect.scatter.add.f32 [tilespmem:s16], [sflag:$0x1], $0x80, s3, s9, $0xb8;
	[tilespmem:$0x14000] =	vst v63  }
0x13e: {  	_ =	swait.ge [sflag:s8], $0x4000  }
0x13f: {  	[sflag:s8] =	ssyncset.done $0x0  }
0x140: {  	[sflag:s8] =	ssyncadd.s32 $0xFFFFC000  }
0x141: {  	[spmem:s1] =	stream.indirect.scatter.add.f32 [tilespmem:s10], [sflag:$0x1], $0x80, s3, s9, $0xb8;
	[tilespmem:$0x14000] =	vst v63  }
0x142: {  	_ =	swait.ge [sflag:s8], $0x4000  }
0x143: {  	[sflag:s8] =	ssyncset.done $0x0  }
0x144: {  	[sflag:s8] =	ssyncadd.s32 $0xFFFFC000  }
0x145: {  	[spmem:s2] =	stream.indirect.scatter.add.f32 [tilespmem:s13], [sflag:$0x1], $0x80, s9, s9, $0xb8;
	[tilespmem:$0x14000] =	vst v63  }
0x146: {  	_ =	swait.ge [sflag:s8], $0x4000  }
0x147: {  	[sflag:s8] =	ssyncset.done $0x0  }
0x148: {  	[sflag:s8] =	ssyncadd.s32 $0xFFFFC000  }
0x149: {  	[spmem:s1] =	stream.indirect.scatter.add.f32 [tilespmem:s11], [sflag:$0x1], $0x80, s9, s9, $0xb8;
	[tilespmem:$0x14000] =	vst v63  }
0x14a: {  	_ =	swait.ge [sflag:s8], $0x4000  }
0x14b: {  	[sflag:s8] =	ssyncset.done $0x0  }
0x14c: {  	[sflag:s8] =	ssyncadd.s32 $0xFFFFC000  }
0x14d: {  	[tilespmem:s16], [sflag:$0x1] =	stream.linear.gather [hbm4b:s22+s3], $0x8000, $0x38;
	[tilespmem:$0x14000] =	vst v63  }
0x14e: {  	_ =	swait.ge [sflag:s8], $0x8000  }
0x14f: {  	[sflag:s8] =	ssyncset.done $0x0  }
0x150: {  	[sflag:s8] =	ssyncadd.s32 $0xFFFF8000  }
0x151: {  	[tilespmem:s3], [sflag:$0x1] =	stream.linear.gather [hbm4b:s21+s3], $0x80, $0x38;
	[tilespmem:$0x14000] =	vst v63  }
0x152: {  	_ =	swait.ge [sflag:s8], $0x80  }
0x153: {  	[sflag:s8] =	ssyncset.done $0x0  }
0x154: {  	[sflag:s8] =	ssyncadd.s32 $0xFFFFFF80  }
0x155: {  	[tilespmem:s9], [sflag:$0x1] =	stream.linear.gather [hbm4b:s20+s3], $0x80, $0x38;
	[tilespmem:$0x14000] =	vst v63  }
0x156: {  	_ =	swait.ge [sflag:s8], $0x80  }
0x157: {  	[sflag:s8] =	ssyncset.done $0x0  }
0x158: {  	[sflag:s8] =	ssyncadd.s32 $0xFFFFFF80  }
0x159: {  	[spmem:s2] =	stream.indirect.scatter.add.f32 [tilespmem:s16], [sflag:$0x1], $0x80, s3, s9, $0xb8;
	[tilespmem:$0x14000] =	vst v63  }
0x15a: {  	_ =	swait.ge [sflag:s8], $0x4000  }
0x15b: {  	[sflag:s8] =	ssyncset.done $0x0  }
0x15c: {  	[sflag:s8] =	ssyncadd.s32 $0xFFFFC000  }
0x15d: {  	[spmem:s1] =	stream.indirect.scatter.add.f32 [tilespmem:s10], [sflag:$0x1], $0x80, s3, s9, $0xb8;
	[tilespmem:$0x14000] =	vst v63  }
0x15e: {  	_ =	swait.ge [sflag:s8], $0x4000  }
0x15f: {  	[sflag:s8] =	ssyncset.done $0x0  }
0x160: {  	[sflag:s8] =	ssyncadd.s32 $0xFFFFC000  }
0x161: {  	[spmem:s2] =	stream.indirect.scatter.add.f32 [tilespmem:s13], [sflag:$0x1], $0x80, s9, s9, $0xb8;
	[tilespmem:$0x14000] =	vst v63  }
0x162: {  	_ =	swait.ge [sflag:s8], $0x4000  }
0x163: {  	[sflag:s8] =	ssyncset.done $0x0  }
0x164: {  	[sflag:s8] =	ssyncadd.s32 $0xFFFFC000  }
0x165: {  	[spmem:s1] =	stream.indirect.scatter.add.f32 [tilespmem:s11], [sflag:$0x1], $0x80, s9, s9, $0xb8;
	[tilespmem:$0x14000] =	vst v63  }
0x166: {  	_ =	swait.ge [sflag:s8], $0x4000  }
0x167: {  	[sflag:s8] =	ssyncset.done $0x0  }
0x168: {  	[sflag:s8] =	ssyncadd.s32 $0xFFFFC000  }
0x169: {  	[tilespmem:s16], [sflag:$0x1] =	stream.linear.gather [hbm4b:s19+s3], $0x8000, $0x38;
	[tilespmem:$0x14000] =	vst v63  }
0x16a: {  	_ =	swait.ge [sflag:s8], $0x8000  }
0x16b: {  	[sflag:s8] =	ssyncset.done $0x0  }
0x16c: {  	[sflag:s8] =	ssyncadd.s32 $0xFFFF8000  }
0x16d: {  	[tilespmem:s3], [sflag:$0x1] =	stream.linear.gather [hbm4b:s18+s3], $0x80, $0x38;
	[tilespmem:$0x14000] =	vst v63  }
0x16e: {  	_ =	swait.ge [sflag:s8], $0x80  }
0x16f: {  	[sflag:s8] =	ssyncset.done $0x0  }
0x170: {  	[sflag:s8] =	ssyncadd.s32 $0xFFFFFF80  }
0x171: {  	[tilespmem:s9], [sflag:$0x1] =	stream.linear.gather [hbm4b:s17+s3], $0x80, $0x38;
	[tilespmem:$0x14000] =	vst v63  }
0x172: {  	_ =	swait.ge [sflag:s8], $0x80  }
0x173: {  	[sflag:s8] =	ssyncset.done $0x0  }
0x174: {  	[sflag:s8] =	ssyncadd.s32 $0xFFFFFF80  }
0x175: {  	[spmem:s2] =	stream.indirect.scatter.add.f32 [tilespmem:s16], [sflag:$0x1], $0x80, s3, s9, $0xb8;
	[tilespmem:$0x14000] =	vst v63  }
0x176: {  	_ =	swait.ge [sflag:s8], $0x4000  }
0x177: {  	[sflag:s8] =	ssyncset.done $0x0  }
0x178: {  	[sflag:s8] =	ssyncadd.s32 $0xFFFFC000  }
0x179: {  	[spmem:s1] =	stream.indirect.scatter.add.f32 [tilespmem:s10], [sflag:$0x1], $0x80, s3, s9, $0xb8;
	[tilespmem:$0x14000] =	vst v63  }
0x17a: {  	_ =	swait.ge [sflag:s8], $0x4000  }
0x17b: {  	[sflag:s8] =	ssyncset.done $0x0  }
0x17c: {  	[sflag:s8] =	ssyncadd.s32 $0xFFFFC000  }
0x17d: {  	[spmem:s2] =	stream.indirect.scatter.add.f32 [tilespmem:s13], [sflag:$0x1], $0x80, s9, s9, $0xb8;
	[tilespmem:$0x14000] =	vst v63  }
0x17e: {  	_ =	swait.ge [sflag:s8], $0x4000  }
0x17f: {  	[sflag:s8] =	ssyncset.done $0x0  }
0x180: {  	[sflag:s8] =	ssyncadd.s32 $0xFFFFC000  }
0x181: {  	[spmem:s1] =	stream.indirect.scatter.add.f32 [tilespmem:s11], [sflag:$0x1], $0x80, s9, s9, $0xb8;
	[tilespmem:$0x14000] =	vst v63  }
0x182: {  	_ =	swait.ge [sflag:s8], $0x4000  }
0x183: {  	[sflag:s8] =	ssyncset.done $0x0  }
0x184: {  	[sflag:s8] =	ssyncadd.s32 $0xFFFFC000  }
0x185: {  	[tilespmem:s16], [sflag:$0x1] =	stream.linear.gather [hbm4b:s15+s3], $0x8000, $0x38;
	[tilespmem:$0x14000] =	vst v63  }
0x186: {  	_ =	swait.ge [sflag:s8], $0x8000  }
0x187: {  	[sflag:s8] =	ssyncset.done $0x0  }
0x188: {  	[sflag:s8] =	ssyncadd.s32 $0xFFFF8000  }
0x189: {  	[tilespmem:s3], [sflag:$0x1] =	stream.linear.gather [hbm4b:s14+s3], $0x80, $0x38;
	[tilespmem:$0x14000] =	vst v63  }
0x18a: {  	_ =	swait.ge [sflag:s8], $0x80  }
0x18b: {  	[sflag:s8] =	ssyncset.done $0x0  }
0x18c: {  	[sflag:s8] =	ssyncadd.s32 $0xFFFFFF80  }
0x18d: {  	[tilespmem:s9], [sflag:$0x1] =	stream.linear.gather [hbm4b:s12+s3], $0x80, $0x38;
	[tilespmem:$0x14000] =	vst v63  }
0x18e: {  	_ =	swait.ge [sflag:s8], $0x80  }
0x18f: {  	[sflag:s8] =	ssyncset.done $0x0  }
0x190: {  	[sflag:s8] =	ssyncadd.s32 $0xFFFFFF80  }
0x191: {  	[spmem:s2] =	stream.indirect.scatter.add.f32 [tilespmem:s16], [sflag:$0x1], $0x80, s3, s9, $0xb8;
	[tilespmem:$0x14000] =	vst v63  }
0x192: {  	_ =	swait.ge [sflag:s8], $0x4000  }
0x193: {  	[sflag:s8] =	ssyncset.done $0x0  }
0x194: {  	[sflag:s8] =	ssyncadd.s32 $0xFFFFC000  }
0x195: {  	[spmem:s1] =	stream.indirect.scatter.add.f32 [tilespmem:s10], [sflag:$0x1], $0x80, s3, s9, $0xb8;
	[tilespmem:$0x14000] =	vst v63  }
0x196: {  	_ =	swait.ge [sflag:s8], $0x4000  }
0x197: {  	[sflag:s8] =	ssyncset.done $0x0  }
0x198: {  	[sflag:s8] =	ssyncadd.s32 $0xFFFFC000  }
0x199: {  	[spmem:s2] =	stream.indirect.scatter.add.f32 [tilespmem:s13], [sflag:$0x1], $0x80, s9, s9, $0xb8;
	[tilespmem:$0x14000] =	vst v63  }
0x19a: {  	_ =	swait.ge [sflag:s8], $0x4000  }
0x19b: {  	[sflag:s8] =	ssyncset.done $0x0  }
0x19c: {  	[sflag:s8] =	ssyncadd.s32 $0xFFFFC000  }
0x19d: {  	[spmem:s1] =	stream.indirect.scatter.add.f32 [tilespmem:s11], [sflag:$0x1], $0x80, s9, s9, $0xb8;
	[tilespmem:$0x14000] =	vst v63  }
0x19e: {  	_ =	swait.ge [sflag:s8], $0x4000  }
0x19f: {  	[sflag:s8] =	ssyncset.done $0x0  }
0x1a0: {  	[sflag:s8] =	ssyncadd.s32 $0xFFFFC000  }
0x1a1: {  	[bflag:$0x0] =	sbarrier.arrive $0xFFFF  }
0x1a2: {  	[hbm:s5], [sflag:s29] =	dma.local @!p0 [spmem:s7], $0x3F00  }
0x1a3: {  	_ =	swait.ge @!p0 [sflag:s28], $0x3F00  }
0x1a4: {  	[sflag:s28] =	ssyncset.done @!p0 $0x0  }
0x1a5: {  	[sflag:s28] =	ssyncadd.s32 @!p0 $0xFFFFC100  }
0x1a6: {  	[hbm:s4], [sflag:s29] =	dma.local @!p0 [spmem:s6], $0x3F00  }
0x1a7: {  	_ =	swait.ge @!p0 [sflag:s28], $0x3F00  }
0x1a8: {  	[sflag:s28] =	ssyncset.done @!p0 $0x0  }
0x1a9: {  	[sflag:s28] =	ssyncadd.s32 @!p0 $0xFFFFC100  }
0x1aa: {  	_ =	sfence.sel $0x180000  }
0x1ab: {  	[bflag:$0x0] =	sbarrier.arrive $0xFFFF  }
0x1ac: {  	_ =	strace $0x90000047  }
0x1ad: {  	s0 =	sadd.s32 @!p0 $0x100000, s0;
	[bflag:$0x2] =	sbarrier.arrive $0xFFFF  }
0x1ae: {  	[sflag:s0] =	ssyncadd.tile.s32 @!p0 $0x1;
	_ =	shalt  }
.Lfunc_end2:
_tile_overlayer_lowered:
.L_overlay_start_2:
0x1af: {  	(tag) =	ssettag $0x2  }
0x1b0: {  	s0 =	rddreg [dreg:$0x0];
	s2 =	stileid.u32  }
0x1b1: {  	s1 =	rddreg [dreg:$0x1];
	p0 =	sne.s32 s2, $0x0  }
0x1b2: {  	s3 =	rddreg [dreg:$0x2];
	[bflag:$0x3] =	sbarrier.arrive $0xFFFF;
	s2 =	simm.s32 @!p0 $0x1C01  }
0x1b3: {  	[timem:s3], [sflag:s2] =	dma.local @!p0 [hbm:s0], s1  }
0x1b4: {  	s0 =	simm.s32 @!p0 $0x1  }
0x1b5: {  	_ =	swait.ge @!p0 [sflag:s0], s1  }
0x1b6: {  	s1 =	ssub.s32 @!p0 $0x0, s1;
	[sflag:s0] =	ssyncset.done @!p0 $0x0  }
0x1b7: {  	[sflag:s0] =	ssyncadd.s32 @!p0 s1  }
0x1b8: {  	[bflag:$0x3] =	sbarrier.arrive $0xFFFF  }
0x1b9: {  	_ =	shalt  }

// kernel: kernel.7.cloned.1.call-start
scs
__scs_entry_jumppad:
0x0: {  	(pc) =	sbr.rel $0x88, $3  }
0x1: {  	(tag) =	ssettag $0x0;
	lr =	simm.s32 $0x1  }
0x2: {  	[smem:$0x3F9D] =	sst lr;
	_ =	strace $0xD0000000  }
0x3: {  	_ = 	snop  }
0x4: {  	_ = 	snop  }
0x5: {  	_ = 	snop  }
0x6: {  	_ = 	snop  }
0x7: {  	_ = 	snop  }
__scs_overlays_trampoline_lowered:
0x8: {  	[smem:$0x3FAC] =	sst s0  }
0x9: {  	[smem:$0x3FAD] =	sst s1  }
0xa: {  	[smem:$0x3FAE] =	sst s2  }
0xb: {  	[smem:$0x3FAF] =	sst s3  }
0xc: {  	[smem:$0x3FB0] =	sst s4  }
0xd: {  	[smem:$0x3FB1] =	sst s5  }
0xe: {  	[smem:$0x3FB2] =	sst s6  }
0xf: {  	[smem:$0x3FB3] =	sst s7  }
0x10: {  	[smem:$0x3FB4] =	sst s8  }
0x11: {  	[smem:$0x3FB5] =	sst s9;
	s0 =	simm.s32 @!p0 $0x0  }
0x12: {  	s1 =	sld [smem:$0x3F9B];
	s0 =	simm.s32 @p0 $0x1  }
0x13: {  	[smem:$0x3FB6] =	sst s0;
	s0 =	simm.s32 @!p1 $0x0  }
0x14: {  	s2 =	sld [smem:$0x3F9A];
	s0 =	simm.s32 @p1 $0x1  }
0x15: {  	[smem:$0x3FB7] =	sst s0;
	s0 =	simm.s32 @!p2 $0x0  }
0x16: {  	s3 =	sld [smem:$0x3FDB];
	s0 =	simm.s32 @p2 $0x1  }
0x17: {  	s4 =	simm.s32 $0x1BF5;
	[smem:$0x3FB9] =	sst s0  }
0x18: {  	s0 =	sld [smem:$0x3F9C];
	_ =	swait.ge [sflag:s4], $0x0  }
0x19: {  	s7 =	sld [smem:$0x3F9D]  }
0x1a: {  	s8 =	sadd.s32 $0xFFFFE003, lr  }
0x1b: {  	s9 =	sadd.s32 $0xFFFFFEF7, lr;
	s5 =	simm.s32 $0xFFFFFFFF;
	p2 =	slt.u32 s8, $0xFFFFF086  }
0x1c: {  	p1 =	slt.u32 s9, $0xF7A;
	s5 =	simm.s32 @!p2 $0x0  }
0x1d: {  	s5 =	simm.s32 @p1 $0x1;
	p0 =	seq.s32 s7, s2  }
0x1e: {  	s7 =	smul.u32 @!p0 $0xF7A, s2;
	p2 =	seq.s32 @!p0 s5, $0x0  }
0x1f: {  	s9 =	smul.u32 $0xF7A, s1;
	s8 =	simm.s32 @!p0 $0x1BF5;
	p2 =	por !p2, p0  }
0x20: {  	[sflag:s8] =	ssyncset.s32 @!p0 $0xFFFFF086;
	s6 =	sadd.s32 @!p0 s3, s7;
	s7 =	simm.s32 @!p0 $0x108  }
0x21: {  	s3 =	sadd.s32 s3, s9;
	s6 =	sadd.s32 @!p0 $0x88, s6;
	s7 =	simm.s32 @p2 $0x1082  }
0x22: {  	[simem:s7], [sflag:s8] =	dma.local @!p0 [hbm:s6], $0xF7A  }
0x23: {  	s9 =	sor.u32 $0xD0000000, s2;
	s6 =	simm.s32 $0x108;
	_ =	swait.ge @!p0 [sflag:s8], $0x0  }
0x24: {  	s3 =	sadd.s32 $0x88, s3;
	s6 =	simm.s32 @!p1 $0x1082;
	[sflag:s4] =	ssyncset.s32 $0xFFFFF086  }
0x25: {  	[simem:s6], [sflag:s4] =	dma.local [hbm:s3], $0xF7A  }
0x26: {  	[smem:$0x3F9D] =	sst s1;
	(tag) =	ssettag s2;
	_ =	strace s9  }
0x27: {  	s1 =	sld [smem:$0x3FAD]  }
0x28: {  	s2 =	sld [smem:$0x3FAE]  }
0x29: {  	s4 =	sld [smem:$0x3FB0]  }
0x2a: {  	p0 =	seq.s32 s5, $0x0;
	s5 =	sld [smem:$0x3FB1]  }
0x2b: {  	s6 =	sld [smem:$0x3FB2]  }
0x2c: {  	s7 =	sld [smem:$0x3FB3]  }
0x2d: {  	s3 =	simm.s32 $0x108;
	s8 =	sld [smem:$0x3FB4]  }
0x2e: {  	s3 =	simm.s32 @!p0 $0x1082;
	s9 =	sld [smem:$0x3FB5]  }
0x2f: {  	lr =	sadd.s32 s0, s3;
	s0 =	sld [smem:$0x3FAC]  }
0x30: {  	s3 =	sld [smem:$0x3FAF]  }
0x31: {  	[smem:$0x3FB8] =	sst s10  }
0x32: {  	s10 =	sld [smem:$0x3FB6];
	_ =	sdelay $0x3  }
0x33: {  	p0 =	seq.s32 s10, $0x1;
	s10 =	sld [smem:$0x3FB8];
	_ =	sdelay $0x3  }
0x34: {  	[smem:$0x3FB8] =	sst s10  }
0x35: {  	s10 =	sld [smem:$0x3FB7];
	_ =	sdelay $0x3  }
0x36: {  	p1 =	seq.s32 s10, $0x1;
	s10 =	sld [smem:$0x3FB8];
	_ =	sdelay $0x3  }
0x37: {  	[smem:$0x3FB8] =	sst s10  }
0x38: {  	s10 =	sld [smem:$0x3FB9]  }
0x39: {  	_ = 	snop;
	(pc) =	sbr.ind lr, $3  }
0x3a: {  	_ = 	snop  }
0x3b: {  	_ = 	snop  }
0x3c: {  	p2 =	seq.s32 s10, $0x1;
	s10 =	sld [smem:$0x3FB8]  }
0x3d: {  	_ =	shalt  }
0x3e: {  	_ =	shalt  }
0x3f: {  	_ =	shalt  }
0x40: {  	_ =	shalt  }
0x41: {  	_ =	shalt  }
0x42: {  	_ =	shalt  }
0x43: {  	_ =	shalt  }
0x44: {  	_ =	shalt  }
0x45: {  	_ =	shalt  }
0x46: {  	_ =	shalt  }
0x47: {  	_ =	shalt  }
0x48: {  	_ =	shalt  }
0x49: {  	_ =	shalt  }
0x4a: {  	_ =	shalt  }
0x4b: {  	_ =	shalt  }
0x4c: {  	_ =	shalt  }
0x4d: {  	_ =	shalt  }
0x4e: {  	_ =	shalt  }
0x4f: {  	_ =	shalt  }
0x50: {  	_ =	shalt  }
0x51: {  	_ =	shalt  }
0x52: {  	_ =	shalt  }
0x53: {  	_ =	shalt  }
0x54: {  	_ =	shalt  }
0x55: {  	_ =	shalt  }
0x56: {  	_ =	shalt  }
0x57: {  	_ =	shalt  }
0x58: {  	_ =	shalt  }
0x59: {  	_ =	shalt  }
0x5a: {  	_ =	shalt  }
0x5b: {  	_ =	shalt  }
0x5c: {  	_ =	shalt  }
0x5d: {  	_ =	shalt  }
0x5e: {  	_ =	shalt  }
0x5f: {  	_ =	shalt  }
0x60: {  	_ =	shalt  }
0x61: {  	_ =	shalt  }
0x62: {  	_ =	shalt  }
0x63: {  	_ =	shalt  }
0x64: {  	_ =	shalt  }
0x65: {  	_ =	shalt  }
0x66: {  	_ =	shalt  }
0x67: {  	_ =	shalt  }
0x68: {  	_ =	shalt  }
0x69: {  	_ =	shalt  }
0x6a: {  	_ =	shalt  }
0x6b: {  	_ =	shalt  }
0x6c: {  	_ =	shalt  }
0x6d: {  	_ =	shalt  }
0x6e: {  	_ =	shalt  }
0x6f: {  	_ =	shalt  }
0x70: {  	_ =	shalt  }
0x71: {  	_ =	shalt  }
0x72: {  	_ =	shalt  }
0x73: {  	_ =	shalt  }
0x74: {  	_ =	shalt  }
0x75: {  	_ =	shalt  }
0x76: {  	_ =	shalt  }
0x77: {  	_ =	shalt  }
0x78: {  	_ =	shalt  }
0x79: {  	_ =	shalt  }
0x7a: {  	_ =	shalt  }
0x7b: {  	_ =	shalt  }
0x7c: {  	_ =	shalt  }
0x7d: {  	_ =	shalt  }
0x7e: {  	_ =	shalt  }
0x7f: {  	_ =	shalt  }
0x80: {  	_ =	shalt  }
0x81: {  	_ =	shalt  }
0x82: {  	_ =	shalt  }
0x83: {  	_ =	shalt  }
0x84: {  	_ =	shalt  }
0x85: {  	_ =	shalt  }
0x86: {  	_ =	shalt  }
0x87: {  	_ =	shalt  }
.Lfunc_end0:
.L_simem_size_0:
called_computation_lowered:
.L_overlay_start_0:
0x88: {  	s2 =	sld [smem:$0x3FD9]  }
0x89: {  	s3 =	sld [smem:$0x3FFE];
	_ =	sdelay $0x1  }
0x8a: {  	s1 =	srdreg.scid  }
0x8b: {  	s0 =	sand.u32 $0x1, s1  }
0x8c: {  	s17 =	sshll.u32 s0, $0xA;
	s2 =	sadd.s32 s3, s2  }
0x8d: {  	s2 =	sadd.s32 s2, s17  }
0x8e: {  	[smem:$0x3FC4] =	sst s2  }
0x8f: {  	_ = 	snop  }
0x90: {  	s18 =	sld [smem:$0x3FC8];
	(tm) =	ssettm $0x1  }
0x91: {  	s19 =	sld [smem:$0x3FFB];
	_ =	sdelay $0x3  }
0x92: {  	_ =	strace s19  }
0x93: {  	s2 =	sld [smem:$0x3FFC];
	_ =	sdelay $0x3  }
0x94: {  	_ =	strace s2  }
0x95: {  	s2 =	sld [smem:$0x3FFD];
	_ =	sdelay $0x3  }
0x96: {  	_ =	strace s2  }
0x97: {  	_ =	strace $0x8FFFFFFF  }
0x98: {  	s20 =	sld [smem:$0x3FDB];
	_ =	sdelay $0x1  }
0x99: {  	s4 =	simm.s32 $_scs_section_size  }
0x9a: {  	s5 =	simm.s32 $_size__tile_overlayer_lowered;
	s6 =	simm.s32 $_tile_overlayer_lowered  }
0x9b: {  	s7 =	simm.s32 $0x1BFF;
	s21 =	sshll.u32 s6, $0x1;
	s4 =	sadd.s32 s4, s20  }
0x9c: {  	s22 =	simm.s32 $0x0;
	s5 =	sshll.u32 s5, $0x1;
	s6 =	sadd.s32 s21, s4  }
0x9d: {  	[timem:s22], [sflag:s7] =	dma.local [hbm:s6], s5  }
0x9e: {  	_ =	swait.ge [sflag:s7], s5  }
0x9f: {  	s5 =	ssub.s32 $0x0, s5;
	[sflag:s7] =	ssyncset.done $0x0  }
0xa0: {  	[sflag:s7] =	ssyncadd.s32 s5;
	_ =	sdelay $0x1  }
0xa1: {  	s23 =	simm.s32 $0x1B8B  }
0xa2: {  	_ =	swait.ge [sflag:s23], $0x1  }
0xa3: {  	[sflag:s23] =	ssyncset.done $0x0  }
0xa4: {  	[sflag:s23] =	ssyncadd.s32 $0xFFFFFFFF  }
0xa5: {  	s5 =	sld [smem:$0x0]  }
0xa6: {  	s6 =	sand.u32 $0xFFFFFFFE, s1  }
0xa7: {  	p0 =	sne.s32 s1, s6  }
0xa8: {  	s6 =	sshll.u32 @p0 s6, $0xE  }
0xa9: {  	s6 =	sadd.s32 @p0 $0x11B8D, s6;
	s7 =	sshll.u32 @p0 s5, $0x11  }
0xaa: {  	s6 =	sor.u32 @p0 s7, s6  }
0xab: {  	[sflag:s6] =	ssyncadd.remote.s32 @p0 $0x1;
	_ =	sdelay $0x1  }
0xac: {  	s6 =	simm.s32 @p0 $0x1B8D  }
0xad: {  	_ =	swait.eq @p0 [sflag:s6], $0x1  }
0xae: {  	[sflag:s6] =	ssyncadd.s32 @p0 $0xFFFFFFFF  }
0xaf: {  	s7 =	sshll.u32 @!p0 s1, $0xE  }
0xb0: {  	s7 =	sor.u32 @!p0 $0x4000, s7;
	s6 =	simm.s32 @!p0 $0x1B8D  }
0xb1: {  	s5 =	sshll.u32 @!p0 s5, $0x11;
	s7 =	sadd.s32 @!p0 $0x11B8D, s7;
	_ =	swait.eq @!p0 [sflag:s6], $0x1  }
0xb2: {  	s5 =	sor.u32 @!p0 s5, s7;
	[sflag:s6] =	ssyncadd.s32 @!p0 $0xFFFFFFFF  }
0xb3: {  	s25 =	simm.s32 $0x1B8E;
	s24 =	sld [smem:$0x3FFE];
	[sflag:s5] =	ssyncadd.remote.s32 @!p0 $0x1  }
0xb4: {  	s26 =	simm.s32 $execute0_lowered;
	[smem:$0x3FD2] =	sst s25  }
0xb5: {  	s6 =	sshll.u32 s26, $0x1;
	_ =	strace $0x80000049;
	[dreg:$0x1] =	wrdreg $0xFFFFFFFF  }
0xb6: {  	s28 =	simm.s32 $_size_execute0_lowered;
	s4 =	sadd.s32 s4, s6;
	[dreg:$0x0] =	wrdreg $0x0  }
0xb7: {  	s6 =	sshll.u32 s28, $0x1;
	[dreg:$0x2] =	wrdreg s4  }
0xb8: {  	[dreg:$0x3] =	wrdreg s6  }
0xb9: {  	[dreg:$0x4] =	wrdreg $0xC0  }
0xba: {  	_ =	task [dreg:s22], $0x5FFFF  }
0xbb: {  	[dreg:$0x1] =	wrdreg $0xFFFFFFFF  }
0xbc: {  	[dreg:$0x0] =	wrdreg $0x60  }
0xbd: {  	[dreg:$0x2] =	wrdreg s24  }
0xbe: {  	[dreg:$0x3] =	wrdreg s18  }
0xbf: {  	[dreg:$0x4] =	wrdreg $0x101000  }
0xc0: {  	[dreg:$0x5] =	wrdreg $0x120800  }
0xc1: {  	[dreg:$0x6] =	wrdreg $0x9  }
0xc2: {  	_ =	task.clear_ibuf [dreg:s22], $0x7FFFF;
	_ =	strace $0x90000049  }
0xc3: {  	s29 =	simm.s32 $0x9;
	_ =	strace $0x8000004B  }
0xc4: {  	_ =	swait.ge [sflag:s29], $0x1  }
0xc5: {  	[sflag:s29] =	ssyncadd.s32 $0xFFFFFFFF  }
0xc6: {  	_ =	strace $0x9000004B  }
0xc7: {  	_ =	sfence  }
0xc8: {  	s30 =	sld [smem:$0x0];
	_ =	sdelay $0x2  }
0xc9: {  	s31 =	sshll.u32 s1, $0xD;
	s1 =	sshrl.u32 s1, $0x2  }
0xca: {  	s4 =	sand.u32 $0x4000, s31;
	s1 =	sadd.s32 s1, s30  }
0xcb: {  	s0 =	sor.u32 s4, s0;
	s1 =	sshll.u32 s1, $0x11  }
0xcc: {  	s0 =	sor.u32 s1, s0  }
0xcd: {  	s0 =	sadd.s32 $0x8F2B, s0  }
0xce: {  	[sflag:s0] =	ssyncadd.remote.s32 $0x1  }
0xcf: {  	_ =	sfence.sel $0xFFFF  }
0xd0: {  	[dreg:$0x0] =	wrdreg $0xFFFFFFFF;
	(pc) =	sbr.abs _section_cstart, $3  }
0xd1: {  	[dreg:$0x1] =	wrdreg $0xFFFFFFFF  }
0xd2: {  	_ =	task.clear_ibuf [dreg:s22], $0x2FFFF;
	_ =	strace $0x9FFFFFFF  }
0xd3: {  	(tm) =	ssettm $0x7FFFFFFF  }
tec
execute0_lowered:
.L_overlay_start_1:
0x0: {  	(tag) =	ssettag $0x1  }
0x1: {  	s0 =	rddreg [dreg:$0x0]  }
0x2: {  	s4 =	rddreg [dreg:$0x1]  }
0x3: {  	s2 =	rddreg [dreg:$0x2]  }
0x4: {  	s1 =	rddreg [dreg:$0x3]  }
0x5: {  	s30 =	rddreg [dreg:$0x4]  }
0x6: {  	s3 =	simm.s32 $0x0;
	s6 =	srdreg.scid;
	s8 =	stileid.u32  }
0x7: {  	p1 =	por $0x0, $0x0;
	[smem:$0x7FF] =	sst s3;
	s5 =	sadd.s32 $0x2200, s0  }
0x8: {  	s25 =	sadd.s32 $0x806200, s0;
	s26 =	sadd.s32 $0x805200, s0;
	s6 =	sand.u32 $0x1, s6  }
0x9: {  	s11 =	sshll.u32 s8, $0xA;
	p0 =	sne.s32 s8, $0x0;
	_ =	strace $0x8000004A  }
0xa: {  	s7 =	smul.u32 $0x3F00, s6;
	s9 =	ssub.s32 $0x2, s6;
	s6 =	sshll.u32 s6, $0xE  }
0xb: {  	s8 =	sshrl.u32 @!p0 s1, $0x3;
	s10 =	sshrl.u32 s9, $0x1;
	s6 =	sor.u32 s11, s6  }
0xc: {  	s0 =	sadd.s32 s7, s0;
	s7 =	ssub.s32 s9, s10;
	s24 =	sshll.u32 s6, $0x4  }
0xd: {  	s31 =	sshrl.u32 s6, $0x3;
	s11 =	sor.u32 $0x100, s6;
	s13 =	sor.u32 $0x200, s6  }
0xe: {  	s6 =	sor.u32 $0x300, s6;
	s14 =	sadd.s32 s4, s24;
	s29 =	sadd.s32 s5, s31  }
0xf: {  	s10 =	sshll.u32 s11, $0x4;
	s12 =	sshrl.u32 s11, $0x3;
	s9 =	sshrl.u32 s13, $0x3  }
0x10: {  	s17 =	sshrl.u32 s6, $0x3;
	s31 =	smax.u32 s7, $0x1;
	s24 =	sadd.s32 s4, s10  }
0x11: {  	s23 =	sadd.s32 s5, s12;
	s20 =	sadd.s32 s5, s9;
	s17 =	sadd.s32 s5, s17  }
0x12: {  	s10 =	sadd.s32 $0x3200, s0;
	s5 =	sadd.s32 $0xB000, s0;
	s0 =	sadd.s32 $0xFFFFFFFF, s31  }
0x13: {  	s15 =	sshll.u32 s13, $0x4;
	s16 =	sshll.u32 s6, $0x4;
	p2 =	sne.s32 s0, $0x0  }
.Ltmp0:
0x14: {  	s11 =	simm.s32 $0x8100;
	s6 =	simm.s32 $0x1;
	(pc) =	sbr.rel @!p2 .LBB2_1-.Ltmp0, $4  }
0x15: {  	s13 =	simm.s32 $0xC100;
	s7 =	simm.s32 @!p0 $0x1;
	s28 =	sadd.s32 $0x10, s29  }
0x16: {  	s22 =	sadd.s32 $0x30, s29;
	s21 =	sadd.s32 s4, s15;
	s19 =	sadd.s32 $0x50, s29  }
0x17: {  	s18 =	sadd.s32 s4, s16;
	s4 =	sadd.s32 $0x70, s29;
	s16 =	simm.s32 $0x100  }
0x18: {  	s9 =	simm.s32 $0x80;
	s12 =	simm.s32 $0x4100;
	s15 =	sshrl.u32 @!p0 s2, $0x3  }
0x19: {  	s30 =	simm.s32 @!p0 $0x1C01  }
0x1a: {  	[spmem:s15], [sflag:s30] =	dma.local @!p0 [hbm:s25], $0x3F00  }
0x1b: {  	_ =	swait.ge @!p0 [sflag:s7], $0x3F00  }
0x1c: {  	[sflag:s7] =	ssyncset.done @!p0 $0x0  }
0x1d: {  	[sflag:s7] =	ssyncadd.s32 @!p0 $0xFFFFC100  }
0x1e: {  	[spmem:s8], [sflag:s30] =	dma.local @!p0 [hbm:s25], $0x3F00  }
0x1f: {  	_ =	swait.ge @!p0 [sflag:s7], $0x3F00  }
0x20: {  	[sflag:s7] =	ssyncset.done @!p0 $0x0  }
0x21: {  	[sflag:s7] =	ssyncadd.s32 @!p0 $0xFFFFC100  }
0x22: {  	[tilespmem:s11], [sflag:$0x1] =	stream.linear.gather [hbm4b:s26+s3], $0x8000, $0x38;
	[tilespmem:$0x14000] =	vst v63  }
0x23: {  	_ =	swait.ge [sflag:s6], $0x8000  }
0x24: {  	[sflag:s6] =	ssyncset.done $0x0  }
0x25: {  	[sflag:s6] =	ssyncadd.s32 $0xFFFF8000  }
0x26: {  	[bflag:$0x0] =	sbarrier.arrive $0xFFFF  }
0x27: {  	[tilespmem:s16], [sflag:$0x1] =	stream.linear.gather [hbm4b:s14+s3], $0x8000, $0x38;
	[tilespmem:$0x14000] =	vst v63  }
0x28: {  	_ =	swait.ge [sflag:s6], $0x8000  }
0x29: {  	[sflag:s6] =	ssyncset.done $0x0  }
0x2a: {  	[sflag:s6] =	ssyncadd.s32 $0xFFFF8000  }
0x2b: {  	[tilespmem:s3], [sflag:$0x1] =	stream.linear.gather [hbm4b:s29+s3], $0x80, $0x38;
	[tilespmem:$0x14000] =	vst v63  }
0x2c: {  	_ =	swait.ge [sflag:s6], $0x80  }
0x2d: {  	[sflag:s6] =	ssyncset.done $0x0  }
0x2e: {  	[sflag:s6] =	ssyncadd.s32 $0xFFFFFF80  }
0x2f: {  	[tilespmem:s9], [sflag:$0x1] =	stream.linear.gather [hbm4b:s28+s3], $0x80, $0x38;
	[tilespmem:$0x14000] =	vst v63  }
0x30: {  	_ =	swait.ge [sflag:s6], $0x80  }
0x31: {  	[sflag:s6] =	ssyncset.done $0x0  }
0x32: {  	[sflag:s6] =	ssyncadd.s32 $0xFFFFFF80  }
0x33: {  	[spmem:s2] =	stream.indirect.scatter.add.f32 [tilespmem:s16], [sflag:$0x1], $0x80, s3, s9, $0xb8;
	[tilespmem:$0x14000] =	vst v63  }
0x34: {  	_ =	swait.ge [sflag:s6], $0x4000  }
0x35: {  	[sflag:s6] =	ssyncset.done $0x0  }
0x36: {  	[sflag:s6] =	ssyncadd.s32 $0xFFFFC000  }
0x37: {  	[spmem:s1] =	stream.indirect.scatter.add.f32 [tilespmem:s11], [sflag:$0x1], $0x80, s3, s9, $0xb8;
	[tilespmem:$0x14000] =	vst v63  }
0x38: {  	_ =	swait.ge [sflag:s6], $0x4000  }
0x39: {  	[sflag:s6] =	ssyncset.done $0x0  }
0x3a: {  	[sflag:s6] =	ssyncadd.s32 $0xFFFFC000  }
0x3b: {  	[spmem:s2] =	stream.indirect.scatter.add.f32 [tilespmem:s12], [sflag:$0x1], $0x80, s9, s9, $0xb8;
	[tilespmem:$0x14000] =	vst v63  }
0x3c: {  	_ =	swait.ge [sflag:s6], $0x4000  }
0x3d: {  	[sflag:s6] =	ssyncset.done $0x0  }
0x3e: {  	[sflag:s6] =	ssyncadd.s32 $0xFFFFC000  }
0x3f: {  	[spmem:s1] =	stream.indirect.scatter.add.f32 [tilespmem:s13], [sflag:$0x1], $0x80, s9, s9, $0xb8;
	[tilespmem:$0x14000] =	vst v63  }
0x40: {  	_ =	swait.ge [sflag:s6], $0x4000  }
0x41: {  	[sflag:s6] =	ssyncset.done $0x0  }
0x42: {  	[sflag:s6] =	ssyncadd.s32 $0xFFFFC000  }
0x43: {  	[tilespmem:s16], [sflag:$0x1] =	stream.linear.gather [hbm4b:s24+s3], $0x8000, $0x38;
	[tilespmem:$0x14000] =	vst v63  }
0x44: {  	_ =	swait.ge [sflag:s6], $0x8000  }
0x45: {  	[sflag:s6] =	ssyncset.done $0x0  }
0x46: {  	[sflag:s6] =	ssyncadd.s32 $0xFFFF8000  }
0x47: {  	[tilespmem:s3], [sflag:$0x1] =	stream.linear.gather [hbm4b:s23+s3], $0x80, $0x38;
	[tilespmem:$0x14000] =	vst v63  }
0x48: {  	_ =	swait.ge [sflag:s6], $0x80  }
0x49: {  	[sflag:s6] =	ssyncset.done $0x0  }
0x4a: {  	[sflag:s6] =	ssyncadd.s32 $0xFFFFFF80  }
0x4b: {  	[tilespmem:s9], [sflag:$0x1] =	stream.linear.gather [hbm4b:s22+s3], $0x80, $0x38;
	[tilespmem:$0x14000] =	vst v63  }
0x4c: {  	_ =	swait.ge [sflag:s6], $0x80  }
0x4d: {  	[sflag:s6] =	ssyncset.done $0x0  }
0x4e: {  	[sflag:s6] =	ssyncadd.s32 $0xFFFFFF80  }
0x4f: {  	[spmem:s2] =	stream.indirect.scatter.add.f32 [tilespmem:s16], [sflag:$0x1], $0x80, s3, s9, $0xb8;
	[tilespmem:$0x14000] =	vst v63  }
0x50: {  	_ =	swait.ge [sflag:s6], $0x4000  }
0x51: {  	[sflag:s6] =	ssyncset.done $0x0  }
0x52: {  	[sflag:s6] =	ssyncadd.s32 $0xFFFFC000  }
0x53: {  	[spmem:s1] =	stream.indirect.scatter.add.f32 [tilespmem:s11], [sflag:$0x1], $0x80, s3, s9, $0xb8;
	[tilespmem:$0x14000] =	vst v63  }
0x54: {  	_ =	swait.ge [sflag:s6], $0x4000  }
0x55: {  	[sflag:s6] =	ssyncset.done $0x0  }
0x56: {  	[sflag:s6] =	ssyncadd.s32 $0xFFFFC000  }
0x57: {  	[spmem:s2] =	stream.indirect.scatter.add.f32 [tilespmem:s12], [sflag:$0x1], $0x80, s9, s9, $0xb8;
	[tilespmem:$0x14000] =	vst v63  }
0x58: {  	_ =	swait.ge [sflag:s6], $0x4000  }
0x59: {  	[sflag:s6] =	ssyncset.done $0x0  }
0x5a: {  	[sflag:s6] =	ssyncadd.s32 $0xFFFFC000  }
0x5b: {  	[spmem:s1] =	stream.indirect.scatter.add.f32 [tilespmem:s13], [sflag:$0x1], $0x80, s9, s9, $0xb8;
	[tilespmem:$0x14000] =	vst v63  }
0x5c: {  	_ =	swait.ge [sflag:s6], $0x4000  }
0x5d: {  	[sflag:s6] =	ssyncset.done $0x0  }
0x5e: {  	[sflag:s6] =	ssyncadd.s32 $0xFFFFC000  }
0x5f: {  	[tilespmem:s16], [sflag:$0x1] =	stream.linear.gather [hbm4b:s21+s3], $0x8000, $0x38;
	[tilespmem:$0x14000] =	vst v63  }
0x60: {  	_ =	swait.ge [sflag:s6], $0x8000  }
0x61: {  	[sflag:s6] =	ssyncset.done $0x0  }
0x62: {  	[sflag:s6] =	ssyncadd.s32 $0xFFFF8000  }
0x63: {  	[tilespmem:s3], [sflag:$0x1] =	stream.linear.gather [hbm4b:s20+s3], $0x80, $0x38;
	[tilespmem:$0x14000] =	vst v63  }
0x64: {  	_ =	swait.ge [sflag:s6], $0x80  }
0x65: {  	[sflag:s6] =	ssyncset.done $0x0  }
0x66: {  	[sflag:s6] =	ssyncadd.s32 $0xFFFFFF80  }
0x67: {  	[tilespmem:s9], [sflag:$0x1] =	stream.linear.gather [hbm4b:s19+s3], $0x80, $0x38;
	[tilespmem:$0x14000] =	vst v63  }
0x68: {  	_ =	swait.ge [sflag:s6], $0x80  }
0x69: {  	[sflag:s6] =	ssyncset.done $0x0  }
0x6a: {  	[sflag:s6] =	ssyncadd.s32 $0xFFFFFF80  }
0x6b: {  	[spmem:s2] =	stream.indirect.scatter.add.f32 [tilespmem:s16], [sflag:$0x1], $0x80, s3, s9, $0xb8;
	[tilespmem:$0x14000] =	vst v63  }
0x6c: {  	_ =	swait.ge [sflag:s6], $0x4000  }
0x6d: {  	[sflag:s6] =	ssyncset.done $0x0  }
0x6e: {  	[sflag:s6] =	ssyncadd.s32 $0xFFFFC000  }
0x6f: {  	[spmem:s1] =	stream.indirect.scatter.add.f32 [tilespmem:s11], [sflag:$0x1], $0x80, s3, s9, $0xb8;
	[tilespmem:$0x14000] =	vst v63  }
0x70: {  	_ =	swait.ge [sflag:s6], $0x4000  }
0x71: {  	[sflag:s6] =	ssyncset.done $0x0  }
0x72: {  	[sflag:s6] =	ssyncadd.s32 $0xFFFFC000  }
0x73: {  	[spmem:s2] =	stream.indirect.scatter.add.f32 [tilespmem:s12], [sflag:$0x1], $0x80, s9, s9, $0xb8;
	[tilespmem:$0x14000] =	vst v63  }
0x74: {  	_ =	swait.ge [sflag:s6], $0x4000  }
0x75: {  	[sflag:s6] =	ssyncset.done $0x0  }
0x76: {  	[sflag:s6] =	ssyncadd.s32 $0xFFFFC000  }
0x77: {  	[spmem:s1] =	stream.indirect.scatter.add.f32 [tilespmem:s13], [sflag:$0x1], $0x80, s9, s9, $0xb8;
	[tilespmem:$0x14000] =	vst v63  }
0x78: {  	_ =	swait.ge [sflag:s6], $0x4000  }
0x79: {  	[sflag:s6] =	ssyncset.done $0x0  }
0x7a: {  	[sflag:s6] =	ssyncadd.s32 $0xFFFFC000  }
0x7b: {  	[tilespmem:s16], [sflag:$0x1] =	stream.linear.gather [hbm4b:s18+s3], $0x8000, $0x38;
	[tilespmem:$0x14000] =	vst v63  }
0x7c: {  	_ =	swait.ge [sflag:s6], $0x8000  }
0x7d: {  	[sflag:s6] =	ssyncset.done $0x0  }
0x7e: {  	[sflag:s6] =	ssyncadd.s32 $0xFFFF8000  }
0x7f: {  	[tilespmem:s3], [sflag:$0x1] =	stream.linear.gather [hbm4b:s17+s3], $0x80, $0x38;
	[tilespmem:$0x14000] =	vst v63  }
0x80: {  	_ =	swait.ge [sflag:s6], $0x80  }
0x81: {  	[sflag:s6] =	ssyncset.done $0x0  }
0x82: {  	[sflag:s6] =	ssyncadd.s32 $0xFFFFFF80  }
0x83: {  	[tilespmem:s9], [sflag:$0x1] =	stream.linear.gather [hbm4b:s4+s3], $0x80, $0x38;
	[tilespmem:$0x14000] =	vst v63  }
0x84: {  	_ =	swait.ge [sflag:s6], $0x80  }
0x85: {  	[sflag:s6] =	ssyncset.done $0x0  }
0x86: {  	[sflag:s6] =	ssyncadd.s32 $0xFFFFFF80  }
0x87: {  	[spmem:s2] =	stream.indirect.scatter.add.f32 [tilespmem:s16], [sflag:$0x1], $0x80, s3, s9, $0xb8;
	[tilespmem:$0x14000] =	vst v63  }
0x88: {  	_ =	swait.ge [sflag:s6], $0x4000  }
0x89: {  	[sflag:s6] =	ssyncset.done $0x0  }
0x8a: {  	[sflag:s6] =	ssyncadd.s32 $0xFFFFC000  }
0x8b: {  	[spmem:s1] =	stream.indirect.scatter.add.f32 [tilespmem:s11], [sflag:$0x1], $0x80, s3, s9, $0xb8;
	[tilespmem:$0x14000] =	vst v63  }
0x8c: {  	_ =	swait.ge [sflag:s6], $0x4000  }
0x8d: {  	[sflag:s6] =	ssyncset.done $0x0  }
0x8e: {  	[sflag:s6] =	ssyncadd.s32 $0xFFFFC000  }
0x8f: {  	[spmem:s2] =	stream.indirect.scatter.add.f32 [tilespmem:s12], [sflag:$0x1], $0x80, s9, s9, $0xb8;
	[tilespmem:$0x14000] =	vst v63  }
0x90: {  	_ =	swait.ge [sflag:s6], $0x4000  }
0x91: {  	[sflag:s6] =	ssyncset.done $0x0  }
0x92: {  	[sflag:s6] =	ssyncadd.s32 $0xFFFFC000  }
0x93: {  	[spmem:s1] =	stream.indirect.scatter.add.f32 [tilespmem:s13], [sflag:$0x1], $0x80, s9, s9, $0xb8;
	[tilespmem:$0x14000] =	vst v63  }
0x94: {  	_ =	swait.ge [sflag:s6], $0x4000  }
0x95: {  	[sflag:s6] =	ssyncset.done $0x0  }
0x96: {  	[sflag:s6] =	ssyncadd.s32 $0xFFFFC000  }
0x97: {  	[bflag:$0x0] =	sbarrier.arrive $0xFFFF  }
0x98: {  	[hbm:s10], [sflag:s30] =	dma.local @!p0 [spmem:s15], $0x3F00  }
0x99: {  	s31 =	sadd.s32 $0xFFFFFFFF, s0;
	_ =	swait.ge @!p0 [sflag:s7], $0x3F00  }
0x9a: {  	p2 =	sne.s32 s31, $0x0;
	[sflag:s7] =	ssyncset.done @!p0 $0x0  }
.Ltmp1:
0x9b: {  	[sflag:s7] =	ssyncadd.s32 @!p0 $0xFFFFC100;
	(pc) =	sbr.rel @!p2 .LBB2_7-.Ltmp1, $4  }
0x9c: {  	[hbm:s5], [sflag:s30] =	dma.local @!p0 [spmem:s8], $0x3F00  }
0x9d: {  	_ =	swait.ge @!p0 [sflag:s7], $0x3F00;
	[dreg:$0x5] =	wrdreg s4  }
0x9e: {  	p1 =	por $0x1, $0x1;
	s0 =	simm.s32 @!p0 $0x1;
	[dreg:$0x6] =	wrdreg s14  }
0x9f: {  	s14 =	simm.s32 @!p0 $0x1;
	[sflag:s7] =	ssyncset.done @!p0 $0x0;
	s7 =	smov.u32 s10  }
0xa0: {  	s10 =	smov.u32 s15  }
.LBB2_4:
0xa1: {  	[sflag:s0] =	ssyncadd.s32 @!p0 $0xFFFFC100  }
0xa2: {  	[spmem:s10], [sflag:s30] =	dma.local @!p0 [hbm:s25], $0x3F00  }
0xa3: {  	s0 =	smov.u32 s14;
	_ =	swait.ge @!p0 [sflag:s14], $0x3F00  }
0xa4: {  	[sflag:s0] =	ssyncset.done @!p0 $0x0  }
0xa5: {  	[sflag:s0] =	ssyncadd.s32 @!p0 $0xFFFFC100  }
0xa6: {  	[spmem:s8], [sflag:s30] =	dma.local @!p0 [hbm:s25], $0x3F00  }
0xa7: {  	_ =	swait.ge @!p0 [sflag:s0], $0x3F00  }
0xa8: {  	[sflag:s0] =	ssyncset.done @!p0 $0x0  }
0xa9: {  	[sflag:s0] =	ssyncadd.s32 @!p0 $0xFFFFC100  }
0xaa: {  	[tilespmem:s11], [sflag:$0x1] =	stream.linear.gather [hbm4b:s26+s3], $0x8000, $0x38;
	[tilespmem:$0x14000] =	vst v63  }
0xab: {  	_ =	swait.ge [sflag:s6], $0x8000  }
0xac: {  	[sflag:s6] =	ssyncset.done $0x0  }
0xad: {  	[sflag:s6] =	ssyncadd.s32 $0xFFFF8000  }
0xae: {  	[bflag:$0x0] =	sbarrier.arrive $0xFFFF  }
0xaf: {  	s4 =	rddreg [dreg:$0x6]  }
0xb0: {  	[tilespmem:s16], [sflag:$0x1] =	stream.linear.gather [hbm4b:s4+s3], $0x8000, $0x38;
	[tilespmem:$0x14000] =	vst v63  }
0xb1: {  	_ =	swait.ge [sflag:s6], $0x8000  }
0xb2: {  	[sflag:s6] =	ssyncset.done $0x0  }
0xb3: {  	[sflag:s6] =	ssyncadd.s32 $0xFFFF8000  }
0xb4: {  	[tilespmem:s3], [sflag:$0x1] =	stream.linear.gather [hbm4b:s29+s3], $0x80, $0x38;
	[tilespmem:$0x14000] =	vst v63  }
0xb5: {  	_ =	swait.ge [sflag:s6], $0x80  }
0xb6: {  	[sflag:s6] =	ssyncset.done $0x0  }
0xb7: {  	[sflag:s6] =	ssyncadd.s32 $0xFFFFFF80  }
0xb8: {  	[tilespmem:s9], [sflag:$0x1] =	stream.linear.gather [hbm4b:s28+s3], $0x80, $0x38;
	[tilespmem:$0x14000] =	vst v63  }
0xb9: {  	_ =	swait.ge [sflag:s6], $0x80  }
0xba: {  	[sflag:s6] =	ssyncset.done $0x0  }
0xbb: {  	[sflag:s6] =	ssyncadd.s32 $0xFFFFFF80  }
0xbc: {  	[spmem:s2] =	stream.indirect.scatter.add.f32 [tilespmem:s16], [sflag:$0x1], $0x80, s3, s9, $0xb8;
	[tilespmem:$0x14000] =	vst v63  }
0xbd: {  	_ =	swait.ge [sflag:s6], $0x4000  }
0xbe: {  	[sflag:s6] =	ssyncset.done $0x0  }
0xbf: {  	[sflag:s6] =	ssyncadd.s32 $0xFFFFC000  }
0xc0: {  	[spmem:s1] =	stream.indirect.scatter.add.f32 [tilespmem:s11], [sflag:$0x1], $0x80, s3, s9, $0xb8;
	[tilespmem:$0x14000] =	vst v63  }
0xc1: {  	_ =	swait.ge [sflag:s6], $0x4000  }
0xc2: {  	[sflag:s6] =	ssyncset.done $0x0  }
0xc3: {  	[sflag:s6] =	ssyncadd.s32 $0xFFFFC000  }
0xc4: {  	[spmem:s2] =	stream.indirect.scatter.add.f32 [tilespmem:s12], [sflag:$0x1], $0x80, s9, s9, $0xb8;
	[tilespmem:$0x14000] =	vst v63  }
0xc5: {  	_ =	swait.ge [sflag:s6], $0x4000  }
0xc6: {  	[sflag:s6] =	ssyncset.done $0x0  }
0xc7: {  	[sflag:s6] =	ssyncadd.s32 $0xFFFFC000  }
0xc8: {  	[spmem:s1] =	stream.indirect.scatter.add.f32 [tilespmem:s13], [sflag:$0x1], $0x80, s9, s9, $0xb8;
	[tilespmem:$0x14000] =	vst v63  }
0xc9: {  	_ =	swait.ge [sflag:s6], $0x4000  }
0xca: {  	[sflag:s6] =	ssyncset.done $0x0  }
0xcb: {  	[sflag:s6] =	ssyncadd.s32 $0xFFFFC000  }
0xcc: {  	[tilespmem:s16], [sflag:$0x1] =	stream.linear.gather [hbm4b:s24+s3], $0x8000, $0x38;
	[tilespmem:$0x14000] =	vst v63  }
0xcd: {  	_ =	swait.ge [sflag:s6], $0x8000  }
0xce: {  	[sflag:s6] =	ssyncset.done $0x0  }
0xcf: {  	[sflag:s6] =	ssyncadd.s32 $0xFFFF8000  }
0xd0: {  	[tilespmem:s3], [sflag:$0x1] =	stream.linear.gather [hbm4b:s23+s3], $0x80, $0x38;
	[tilespmem:$0x14000] =	vst v63  }
0xd1: {  	_ =	swait.ge [sflag:s6], $0x80  }
0xd2: {  	[sflag:s6] =	ssyncset.done $0x0  }
0xd3: {  	[sflag:s6] =	ssyncadd.s32 $0xFFFFFF80  }
0xd4: {  	[tilespmem:s9], [sflag:$0x1] =	stream.linear.gather [hbm4b:s22+s3], $0x80, $0x38;
	[tilespmem:$0x14000] =	vst v63  }
0xd5: {  	_ =	swait.ge [sflag:s6], $0x80  }
0xd6: {  	[sflag:s6] =	ssyncset.done $0x0  }
0xd7: {  	[sflag:s6] =	ssyncadd.s32 $0xFFFFFF80  }
0xd8: {  	[spmem:s2] =	stream.indirect.scatter.add.f32 [tilespmem:s16], [sflag:$0x1], $0x80, s3, s9, $0xb8;
	[tilespmem:$0x14000] =	vst v63  }
0xd9: {  	_ =	swait.ge [sflag:s6], $0x4000  }
0xda: {  	[sflag:s6] =	ssyncset.done $0x0  }
0xdb: {  	[sflag:s6] =	ssyncadd.s32 $0xFFFFC000  }
0xdc: {  	[spmem:s1] =	stream.indirect.scatter.add.f32 [tilespmem:s11], [sflag:$0x1], $0x80, s3, s9, $0xb8;
	[tilespmem:$0x14000] =	vst v63  }
0xdd: {  	_ =	swait.ge [sflag:s6], $0x4000  }
0xde: {  	[sflag:s6] =	ssyncset.done $0x0  }
0xdf: {  	[sflag:s6] =	ssyncadd.s32 $0xFFFFC000  }
0xe0: {  	[spmem:s2] =	stream.indirect.scatter.add.f32 [tilespmem:s12], [sflag:$0x1], $0x80, s9, s9, $0xb8;
	[tilespmem:$0x14000] =	vst v63  }
0xe1: {  	_ =	swait.ge [sflag:s6], $0x4000  }
0xe2: {  	[sflag:s6] =	ssyncset.done $0x0  }
0xe3: {  	[sflag:s6] =	ssyncadd.s32 $0xFFFFC000  }
0xe4: {  	[spmem:s1] =	stream.indirect.scatter.add.f32 [tilespmem:s13], [sflag:$0x1], $0x80, s9, s9, $0xb8;
	[tilespmem:$0x14000] =	vst v63  }
0xe5: {  	_ =	swait.ge [sflag:s6], $0x4000  }
0xe6: {  	[sflag:s6] =	ssyncset.done $0x0  }
0xe7: {  	[sflag:s6] =	ssyncadd.s32 $0xFFFFC000  }
0xe8: {  	[tilespmem:s16], [sflag:$0x1] =	stream.linear.gather [hbm4b:s21+s3], $0x8000, $0x38;
	[tilespmem:$0x14000] =	vst v63  }
0xe9: {  	_ =	swait.ge [sflag:s6], $0x8000  }
0xea: {  	[sflag:s6] =	ssyncset.done $0x0  }
0xeb: {  	[sflag:s6] =	ssyncadd.s32 $0xFFFF8000  }
0xec: {  	[tilespmem:s3], [sflag:$0x1] =	stream.linear.gather [hbm4b:s20+s3], $0x80, $0x38;
	[tilespmem:$0x14000] =	vst v63  }
0xed: {  	_ =	swait.ge [sflag:s6], $0x80  }
0xee: {  	[sflag:s6] =	ssyncset.done $0x0  }
0xef: {  	[sflag:s6] =	ssyncadd.s32 $0xFFFFFF80  }
0xf0: {  	[tilespmem:s9], [sflag:$0x1] =	stream.linear.gather [hbm4b:s19+s3], $0x80, $0x38;
	[tilespmem:$0x14000] =	vst v63  }
0xf1: {  	_ =	swait.ge [sflag:s6], $0x80  }
0xf2: {  	[sflag:s6] =	ssyncset.done $0x0  }
0xf3: {  	[sflag:s6] =	ssyncadd.s32 $0xFFFFFF80  }
0xf4: {  	[spmem:s2] =	stream.indirect.scatter.add.f32 [tilespmem:s16], [sflag:$0x1], $0x80, s3, s9, $0xb8;
	[tilespmem:$0x14000] =	vst v63  }
0xf5: {  	_ =	swait.ge [sflag:s6], $0x4000  }
0xf6: {  	[sflag:s6] =	ssyncset.done $0x0  }
0xf7: {  	[sflag:s6] =	ssyncadd.s32 $0xFFFFC000  }
0xf8: {  	[spmem:s1] =	stream.indirect.scatter.add.f32 [tilespmem:s11], [sflag:$0x1], $0x80, s3, s9, $0xb8;
	[tilespmem:$0x14000] =	vst v63  }
0xf9: {  	_ =	swait.ge [sflag:s6], $0x4000  }
0xfa: {  	[sflag:s6] =	ssyncset.done $0x0  }
0xfb: {  	[sflag:s6] =	ssyncadd.s32 $0xFFFFC000  }
0xfc: {  	[spmem:s2] =	stream.indirect.scatter.add.f32 [tilespmem:s12], [sflag:$0x1], $0x80, s9, s9, $0xb8;
	[tilespmem:$0x14000] =	vst v63  }
0xfd: {  	_ =	swait.ge [sflag:s6], $0x4000  }
0xfe: {  	[sflag:s6] =	ssyncset.done $0x0  }
0xff: {  	[sflag:s6] =	ssyncadd.s32 $0xFFFFC000  }
0x100: {  	[spmem:s1] =	stream.indirect.scatter.add.f32 [tilespmem:s13], [sflag:$0x1], $0x80, s9, s9, $0xb8;
	[tilespmem:$0x14000] =	vst v63  }
0x101: {  	_ =	swait.ge [sflag:s6], $0x4000  }
0x102: {  	[sflag:s6] =	ssyncset.done $0x0  }
0x103: {  	[sflag:s6] =	ssyncadd.s32 $0xFFFFC000  }
0x104: {  	[tilespmem:s16], [sflag:$0x1] =	stream.linear.gather [hbm4b:s18+s3], $0x8000, $0x38;
	[tilespmem:$0x14000] =	vst v63  }
0x105: {  	_ =	swait.ge [sflag:s6], $0x8000  }
0x106: {  	[sflag:s6] =	ssyncset.done $0x0  }
0x107: {  	[sflag:s6] =	ssyncadd.s32 $0xFFFF8000  }
0x108: {  	[tilespmem:s3], [sflag:$0x1] =	stream.linear.gather [hbm4b:s17+s3], $0x80, $0x38;
	[tilespmem:$0x14000] =	vst v63  }
0x109: {  	_ =	swait.ge [sflag:s6], $0x80  }
0x10a: {  	[sflag:s6] =	ssyncset.done $0x0  }
0x10b: {  	s4 =	rddreg [dreg:$0x5];
	[sflag:s6] =	ssyncadd.s32 $0xFFFFFF80  }
0x10c: {  	[tilespmem:s9], [sflag:$0x1] =	stream.linear.gather [hbm4b:s4+s3], $0x80, $0x38;
	[tilespmem:$0x14000] =	vst v63  }
0x10d: {  	_ =	swait.ge [sflag:s6], $0x80  }
0x10e: {  	[sflag:s6] =	ssyncset.done $0x0  }
0x10f: {  	[sflag:s6] =	ssyncadd.s32 $0xFFFFFF80  }
0x110: {  	[spmem:s2] =	stream.indirect.scatter.add.f32 [tilespmem:s16], [sflag:$0x1], $0x80, s3, s9, $0xb8;
	[tilespmem:$0x14000] =	vst v63  }
0x111: {  	_ =	swait.ge [sflag:s6], $0x4000  }
0x112: {  	[sflag:s6] =	ssyncset.done $0x0  }
0x113: {  	[sflag:s6] =	ssyncadd.s32 $0xFFFFC000  }
0x114: {  	[spmem:s1] =	stream.indirect.scatter.add.f32 [tilespmem:s11], [sflag:$0x1], $0x80, s3, s9, $0xb8;
	[tilespmem:$0x14000] =	vst v63  }
0x115: {  	_ =	swait.ge [sflag:s6], $0x4000  }
0x116: {  	[sflag:s6] =	ssyncset.done $0x0  }
0x117: {  	[sflag:s6] =	ssyncadd.s32 $0xFFFFC000  }
0x118: {  	[spmem:s2] =	stream.indirect.scatter.add.f32 [tilespmem:s12], [sflag:$0x1], $0x80, s9, s9, $0xb8;
	[tilespmem:$0x14000] =	vst v63  }
0x119: {  	_ =	swait.ge [sflag:s6], $0x4000  }
0x11a: {  	[sflag:s6] =	ssyncset.done $0x0  }
0x11b: {  	[sflag:s6] =	ssyncadd.s32 $0xFFFFC000  }
0x11c: {  	[spmem:s1] =	stream.indirect.scatter.add.f32 [tilespmem:s13], [sflag:$0x1], $0x80, s9, s9, $0xb8;
	[tilespmem:$0x14000] =	vst v63  }
0x11d: {  	_ =	swait.ge [sflag:s6], $0x4000  }
0x11e: {  	[sflag:s6] =	ssyncset.done $0x0  }
0x11f: {  	[sflag:s6] =	ssyncadd.s32 $0xFFFFC000  }
0x120: {  	s31 =	sadd.s32 $0xFFFFFFFF, s31;
	[bflag:$0x0] =	sbarrier.arrive $0xFFFF  }
0x121: {  	[hbm:s7], [sflag:s30] =	dma.local @!p0 [spmem:s10], $0x3F00  }
0x122: {  	p2 =	sne.s32 s31, $0x0;
	_ =	swait.ge @!p0 [sflag:s0], $0x3F00  }
.Ltmp2:
0x123: {  	[sflag:s0] =	ssyncset.done @!p0 $0x0;
	(pc) =	sbr.rel @p2 .LBB2_4-.Ltmp2, $4  }
0x124: {  	[sflag:s0] =	ssyncadd.s32 @!p0 $0xFFFFC100  }
0x125: {  	[hbm:s5], [sflag:s30] =	dma.local @!p0 [spmem:s8], $0x3F00  }
0x126: {  	_ =	swait.ge @!p0 [sflag:s0], $0x3F00  }
0x127: {  	s10 =	smov.u32 s15;
	[sflag:s0] =	ssyncset.done @!p0 $0x0  }
0x128: {  	s30 =	rddreg [dreg:$0x4]  }
0x129: {  	s15 =	smov.u32 s10;
	s4 =	rddreg [dreg:$0x5]  }
0x12a: {  	s10 =	smov.u32 s7;
	s7 =	simm.s32 @!p0 $0x1;
	s14 =	rddreg [dreg:$0x6]  }
.LBB2_6:
0x12b: {  	p1 =	por p0, !p1  }
0x12c: {  	[sflag:s0] =	ssyncadd.s32 @!p1 $0xFFFFC100;
	s0 =	simm.s32 @!p0 $0x1C01  }
0x12d: {  	[spmem:s15], [sflag:s0] =	dma.local @!p0 [hbm:s25], $0x3F00  }
0x12e: {  	_ =	swait.ge @!p0 [sflag:s7], $0x3F00  }
0x12f: {  	[sflag:s7] =	ssyncset.done @!p0 $0x0  }
0x130: {  	[sflag:s7] =	ssyncadd.s32 @!p0 $0xFFFFC100  }
0x131: {  	[spmem:s8], [sflag:s0] =	dma.local @!p0 [hbm:s25], $0x3F00  }
0x132: {  	_ =	swait.ge @!p0 [sflag:s7], $0x3F00  }
0x133: {  	[sflag:s7] =	ssyncset.done @!p0 $0x0  }
0x134: {  	[sflag:s7] =	ssyncadd.s32 @!p0 $0xFFFFC100  }
0x135: {  	[tilespmem:s11], [sflag:$0x1] =	stream.linear.gather [hbm4b:s26+s3], $0x8000, $0x38;
	[tilespmem:$0x14000] =	vst v63  }
0x136: {  	_ =	swait.ge [sflag:s6], $0x8000  }
0x137: {  	[sflag:s6] =	ssyncset.done $0x0  }
0x138: {  	[sflag:s6] =	ssyncadd.s32 $0xFFFF8000  }
0x139: {  	[bflag:$0x0] =	sbarrier.arrive $0xFFFF  }
0x13a: {  	[tilespmem:s16], [sflag:$0x1] =	stream.linear.gather [hbm4b:s14+s3], $0x8000, $0x38;
	[tilespmem:$0x14000] =	vst v63  }
0x13b: {  	_ =	swait.ge [sflag:s6], $0x8000  }
0x13c: {  	[sflag:s6] =	ssyncset.done $0x0  }
0x13d: {  	[sflag:s6] =	ssyncadd.s32 $0xFFFF8000  }
0x13e: {  	[tilespmem:s3], [sflag:$0x1] =	stream.linear.gather [hbm4b:s29+s3], $0x80, $0x38;
	[tilespmem:$0x14000] =	vst v63  }
0x13f: {  	_ =	swait.ge [sflag:s6], $0x80  }
0x140: {  	[sflag:s6] =	ssyncset.done $0x0  }
0x141: {  	[sflag:s6] =	ssyncadd.s32 $0xFFFFFF80  }
0x142: {  	[tilespmem:s9], [sflag:$0x1] =	stream.linear.gather [hbm4b:s28+s3], $0x80, $0x38;
	[tilespmem:$0x14000] =	vst v63  }
0x143: {  	_ =	swait.ge [sflag:s6], $0x80  }
0x144: {  	[sflag:s6] =	ssyncset.done $0x0  }
0x145: {  	[sflag:s6] =	ssyncadd.s32 $0xFFFFFF80  }
0x146: {  	[spmem:s2] =	stream.indirect.scatter.add.f32 [tilespmem:s16], [sflag:$0x1], $0x80, s3, s9, $0xb8;
	[tilespmem:$0x14000] =	vst v63  }
0x147: {  	_ =	swait.ge [sflag:s6], $0x4000  }
0x148: {  	[sflag:s6] =	ssyncset.done $0x0  }
0x149: {  	[sflag:s6] =	ssyncadd.s32 $0xFFFFC000  }
0x14a: {  	[spmem:s1] =	stream.indirect.scatter.add.f32 [tilespmem:s11], [sflag:$0x1], $0x80, s3, s9, $0xb8;
	[tilespmem:$0x14000] =	vst v63  }
0x14b: {  	_ =	swait.ge [sflag:s6], $0x4000  }
0x14c: {  	[sflag:s6] =	ssyncset.done $0x0  }
0x14d: {  	[sflag:s6] =	ssyncadd.s32 $0xFFFFC000  }
0x14e: {  	[spmem:s2] =	stream.indirect.scatter.add.f32 [tilespmem:s12], [sflag:$0x1], $0x80, s9, s9, $0xb8;
	[tilespmem:$0x14000] =	vst v63  }
0x14f: {  	_ =	swait.ge [sflag:s6], $0x4000  }
0x150: {  	[sflag:s6] =	ssyncset.done $0x0  }
0x151: {  	[sflag:s6] =	ssyncadd.s32 $0xFFFFC000  }
0x152: {  	[spmem:s1] =	stream.indirect.scatter.add.f32 [tilespmem:s13], [sflag:$0x1], $0x80, s9, s9, $0xb8;
	[tilespmem:$0x14000] =	vst v63  }
0x153: {  	_ =	swait.ge [sflag:s6], $0x4000  }
0x154: {  	[sflag:s6] =	ssyncset.done $0x0  }
0x155: {  	[sflag:s6] =	ssyncadd.s32 $0xFFFFC000  }
0x156: {  	[tilespmem:s16], [sflag:$0x1] =	stream.linear.gather [hbm4b:s24+s3], $0x8000, $0x38;
	[tilespmem:$0x14000] =	vst v63  }
0x157: {  	_ =	swait.ge [sflag:s6], $0x8000  }
0x158: {  	[sflag:s6] =	ssyncset.done $0x0  }
0x159: {  	[sflag:s6] =	ssyncadd.s32 $0xFFFF8000  }
0x15a: {  	[tilespmem:s3], [sflag:$0x1] =	stream.linear.gather [hbm4b:s23+s3], $0x80, $0x38;
	[tilespmem:$0x14000] =	vst v63  }
0x15b: {  	_ =	swait.ge [sflag:s6], $0x80  }
0x15c: {  	[sflag:s6] =	ssyncset.done $0x0  }
0x15d: {  	[sflag:s6] =	ssyncadd.s32 $0xFFFFFF80  }
0x15e: {  	[tilespmem:s9], [sflag:$0x1] =	stream.linear.gather [hbm4b:s22+s3], $0x80, $0x38;
	[tilespmem:$0x14000] =	vst v63  }
0x15f: {  	_ =	swait.ge [sflag:s6], $0x80  }
0x160: {  	[sflag:s6] =	ssyncset.done $0x0  }
0x161: {  	[sflag:s6] =	ssyncadd.s32 $0xFFFFFF80  }
0x162: {  	[spmem:s2] =	stream.indirect.scatter.add.f32 [tilespmem:s16], [sflag:$0x1], $0x80, s3, s9, $0xb8;
	[tilespmem:$0x14000] =	vst v63  }
0x163: {  	_ =	swait.ge [sflag:s6], $0x4000  }
0x164: {  	[sflag:s6] =	ssyncset.done $0x0  }
0x165: {  	[sflag:s6] =	ssyncadd.s32 $0xFFFFC000  }
0x166: {  	[spmem:s1] =	stream.indirect.scatter.add.f32 [tilespmem:s11], [sflag:$0x1], $0x80, s3, s9, $0xb8;
	[tilespmem:$0x14000] =	vst v63  }
0x167: {  	_ =	swait.ge [sflag:s6], $0x4000  }
0x168: {  	[sflag:s6] =	ssyncset.done $0x0  }
0x169: {  	[sflag:s6] =	ssyncadd.s32 $0xFFFFC000  }
0x16a: {  	[spmem:s2] =	stream.indirect.scatter.add.f32 [tilespmem:s12], [sflag:$0x1], $0x80, s9, s9, $0xb8;
	[tilespmem:$0x14000] =	vst v63  }
0x16b: {  	_ =	swait.ge [sflag:s6], $0x4000  }
0x16c: {  	[sflag:s6] =	ssyncset.done $0x0  }
0x16d: {  	[sflag:s6] =	ssyncadd.s32 $0xFFFFC000  }
0x16e: {  	[spmem:s1] =	stream.indirect.scatter.add.f32 [tilespmem:s13], [sflag:$0x1], $0x80, s9, s9, $0xb8;
	[tilespmem:$0x14000] =	vst v63  }
0x16f: {  	_ =	swait.ge [sflag:s6], $0x4000  }
0x170: {  	[sflag:s6] =	ssyncset.done $0x0  }
0x171: {  	[sflag:s6] =	ssyncadd.s32 $0xFFFFC000  }
0x172: {  	[tilespmem:s16], [sflag:$0x1] =	stream.linear.gather [hbm4b:s21+s3], $0x8000, $0x38;
	[tilespmem:$0x14000] =	vst v63  }
0x173: {  	_ =	swait.ge [sflag:s6], $0x8000  }
0x174: {  	[sflag:s6] =	ssyncset.done $0x0  }
0x175: {  	[sflag:s6] =	ssyncadd.s32 $0xFFFF8000  }
0x176: {  	[tilespmem:s3], [sflag:$0x1] =	stream.linear.gather [hbm4b:s20+s3], $0x80, $0x38;
	[tilespmem:$0x14000] =	vst v63  }
0x177: {  	_ =	swait.ge [sflag:s6], $0x80  }
0x178: {  	[sflag:s6] =	ssyncset.done $0x0  }
0x179: {  	[sflag:s6] =	ssyncadd.s32 $0xFFFFFF80  }
0x17a: {  	[tilespmem:s9], [sflag:$0x1] =	stream.linear.gather [hbm4b:s19+s3], $0x80, $0x38;
	[tilespmem:$0x14000] =	vst v63  }
0x17b: {  	_ =	swait.ge [sflag:s6], $0x80  }
0x17c: {  	[sflag:s6] =	ssyncset.done $0x0  }
0x17d: {  	[sflag:s6] =	ssyncadd.s32 $0xFFFFFF80  }
0x17e: {  	[spmem:s2] =	stream.indirect.scatter.add.f32 [tilespmem:s16], [sflag:$0x1], $0x80, s3, s9, $0xb8;
	[tilespmem:$0x14000] =	vst v63  }
0x17f: {  	_ =	swait.ge [sflag:s6], $0x4000  }
0x180: {  	[sflag:s6] =	ssyncset.done $0x0  }
0x181: {  	[sflag:s6] =	ssyncadd.s32 $0xFFFFC000  }
0x182: {  	[spmem:s1] =	stream.indirect.scatter.add.f32 [tilespmem:s11], [sflag:$0x1], $0x80, s3, s9, $0xb8;
	[tilespmem:$0x14000] =	vst v63  }
0x183: {  	_ =	swait.ge [sflag:s6], $0x4000  }
0x184: {  	[sflag:s6] =	ssyncset.done $0x0  }
0x185: {  	[sflag:s6] =	ssyncadd.s32 $0xFFFFC000  }
0x186: {  	[spmem:s2] =	stream.indirect.scatter.add.f32 [tilespmem:s12], [sflag:$0x1], $0x80, s9, s9, $0xb8;
	[tilespmem:$0x14000] =	vst v63  }
0x187: {  	_ =	swait.ge [sflag:s6], $0x4000  }
0x188: {  	[sflag:s6] =	ssyncset.done $0x0  }
0x189: {  	[sflag:s6] =	ssyncadd.s32 $0xFFFFC000  }
0x18a: {  	[spmem:s1] =	stream.indirect.scatter.add.f32 [tilespmem:s13], [sflag:$0x1], $0x80, s9, s9, $0xb8;
	[tilespmem:$0x14000] =	vst v63  }
0x18b: {  	_ =	swait.ge [sflag:s6], $0x4000  }
0x18c: {  	[sflag:s6] =	ssyncset.done $0x0  }
0x18d: {  	[sflag:s6] =	ssyncadd.s32 $0xFFFFC000  }
0x18e: {  	[tilespmem:s16], [sflag:$0x1] =	stream.linear.gather [hbm4b:s18+s3], $0x8000, $0x38;
	[tilespmem:$0x14000] =	vst v63  }
0x18f: {  	_ =	swait.ge [sflag:s6], $0x8000  }
0x190: {  	[sflag:s6] =	ssyncset.done $0x0  }
0x191: {  	[sflag:s6] =	ssyncadd.s32 $0xFFFF8000  }
0x192: {  	[tilespmem:s3], [sflag:$0x1] =	stream.linear.gather [hbm4b:s17+s3], $0x80, $0x38;
	[tilespmem:$0x14000] =	vst v63  }
0x193: {  	_ =	swait.ge [sflag:s6], $0x80  }
0x194: {  	[sflag:s6] =	ssyncset.done $0x0  }
0x195: {  	[sflag:s6] =	ssyncadd.s32 $0xFFFFFF80  }
0x196: {  	[tilespmem:s9], [sflag:$0x1] =	stream.linear.gather [hbm4b:s4+s3], $0x80, $0x38;
	[tilespmem:$0x14000] =	vst v63  }
0x197: {  	_ =	swait.ge [sflag:s6], $0x80  }
0x198: {  	[sflag:s6] =	ssyncset.done $0x0  }
0x199: {  	[sflag:s6] =	ssyncadd.s32 $0xFFFFFF80  }
0x19a: {  	[spmem:s2] =	stream.indirect.scatter.add.f32 [tilespmem:s16], [sflag:$0x1], $0x80, s3, s9, $0xb8;
	[tilespmem:$0x14000] =	vst v63  }
0x19b: {  	_ =	swait.ge [sflag:s6], $0x4000  }
0x19c: {  	[sflag:s6] =	ssyncset.done $0x0  }
0x19d: {  	[sflag:s6] =	ssyncadd.s32 $0xFFFFC000  }
0x19e: {  	[spmem:s1] =	stream.indirect.scatter.add.f32 [tilespmem:s11], [sflag:$0x1], $0x80, s3, s9, $0xb8;
	[tilespmem:$0x14000] =	vst v63  }
0x19f: {  	_ =	swait.ge [sflag:s6], $0x4000  }
0x1a0: {  	[sflag:s6] =	ssyncset.done $0x0  }
0x1a1: {  	[sflag:s6] =	ssyncadd.s32 $0xFFFFC000  }
0x1a2: {  	[spmem:s2] =	stream.indirect.scatter.add.f32 [tilespmem:s12], [sflag:$0x1], $0x80, s9, s9, $0xb8;
	[tilespmem:$0x14000] =	vst v63  }
0x1a3: {  	_ =	swait.ge [sflag:s6], $0x4000  }
0x1a4: {  	[sflag:s6] =	ssyncset.done $0x0  }
0x1a5: {  	[sflag:s6] =	ssyncadd.s32 $0xFFFFC000  }
0x1a6: {  	[spmem:s1] =	stream.indirect.scatter.add.f32 [tilespmem:s13], [sflag:$0x1], $0x80, s9, s9, $0xb8;
	[tilespmem:$0x14000] =	vst v63  }
0x1a7: {  	_ =	swait.ge [sflag:s6], $0x4000  }
0x1a8: {  	[sflag:s6] =	ssyncset.done $0x0  }
0x1a9: {  	[sflag:s6] =	ssyncadd.s32 $0xFFFFC000  }
0x1aa: {  	[bflag:$0x0] =	sbarrier.arrive $0xFFFF  }
0x1ab: {  	[hbm:s10], [sflag:s0] =	dma.local @!p0 [spmem:s15], $0x3F00  }
0x1ac: {  	_ =	swait.ge @!p0 [sflag:s7], $0x3F00  }
0x1ad: {  	[sflag:s7] =	ssyncset.done @!p0 $0x0  }
0x1ae: {  	[sflag:s7] =	ssyncadd.s32 @!p0 $0xFFFFC100  }
0x1af: {  	[hbm:s5], [sflag:s0] =	dma.local @!p0 [spmem:s8], $0x3F00  }
0x1b0: {  	_ =	swait.ge @!p0 [sflag:s7], $0x3F00  }
0x1b1: {  	[sflag:s7] =	ssyncset.done @!p0 $0x0  }
0x1b2: {  	[sflag:s7] =	ssyncadd.s32 @!p0 $0xFFFFC100  }
0x1b3: {  	_ =	sfence.sel $0x180000  }
0x1b4: {  	[bflag:$0x0] =	sbarrier.arrive $0xFFFF  }
0x1b5: {  	_ =	strace $0x9000004A  }
0x1b6: {  	s0 =	sadd.s32 @!p0 $0x100000, s30;
	[bflag:$0x2] =	sbarrier.arrive $0xFFFF  }
0x1b7: {  	[sflag:s0] =	ssyncadd.tile.s32 @!p0 $0x1;
	_ =	shalt  }
.LBB2_1:
.Ltmp3:
0x1b8: {  	(pc) =	sbr.rel .LBB2_6-.Ltmp3, $2  }
0x1b9: {  	_ =	sdelay $0x2  }
0x1ba: {  	_ = 	snop  }
.LBB2_7:
.Ltmp4:
0x1bb: {  	(pc) =	sbr.rel .LBB2_6-.Ltmp4, $4  }
0x1bc: {  	_ = 	snop  }
0x1bd: {  	s30 =	rddreg [dreg:$0x4]  }
0x1be: {  	s0 =	simm.s32 @!p0 $0x1;
	s4 =	rddreg [dreg:$0x5]  }
0x1bf: {  	s10 =	smov.u32 s7;
	s7 =	simm.s32 @!p0 $0x1;
	s14 =	rddreg [dreg:$0x6]  }
.Lfunc_end2:
_tile_overlayer_lowered:
.L_overlay_start_2:
0x1c0: {  	(tag) =	ssettag $0x2  }
0x1c1: {  	s0 =	rddreg [dreg:$0x0];
	s2 =	stileid.u32  }
0x1c2: {  	s1 =	rddreg [dreg:$0x1];
	p0 =	sne.s32 s2, $0x0  }
0x1c3: {  	s3 =	rddreg [dreg:$0x2];
	[bflag:$0x3] =	sbarrier.arrive $0xFFFF;
	s2 =	simm.s32 @!p0 $0x1C01  }
0x1c4: {  	[timem:s3], [sflag:s2] =	dma.local @!p0 [hbm:s0], s1  }
0x1c5: {  	s0 =	simm.s32 @!p0 $0x1  }
0x1c6: {  	_ =	swait.ge @!p0 [sflag:s0], s1  }
0x1c7: {  	s1 =	ssub.s32 @!p0 $0x0, s1;
	[sflag:s0] =	ssyncset.done @!p0 $0x0  }
0x1c8: {  	[sflag:s0] =	ssyncadd.s32 @!p0 s1  }
0x1c9: {  	[bflag:$0x3] =	sbarrier.arrive $0xFFFF  }
0x1ca: {  	_ =	shalt  }

</sc_bundles>
